<compile_context>
chip_gen: v7x
topology: tpu7x:2x2x1
jax: 0.10.2.dev20260603
libtpu: 0.0.44.dev20260713+nightly
codegen_flags: <defaults>
</compile_context>

<pallas_src>
import functools

import jax
import jax.numpy as jnp
from jax import lax
from jax.experimental import pallas as pl
from jax.experimental.pallas import tpu as pltpu
from jax.experimental.pallas import tpu_sc as plsc

_P = 100000
_E = 64
_OC = 96

_B, _C, _H, _W = 4, 96, 224, 224
_CB = 16
_NC = _C // _CB

_NPIX = _H * _W
_NW = 32
_BPW = _NPIX // _NW
_CH = 784
_NCH = _BPW // _CH
_NB = 2
_IDXW = _BPW + 112

_KP = 4
_NK = _H // (2 * _KP)


def _hash_body(x_ref, acc_ref):
    c = pl.program_id(0)
    q = (x_ref[...] * 100.0).astype(jnp.int32)
    left = jnp.concatenate([q[:, :, :1], q[:, :, :-1]], axis=2)
    right = jnp.concatenate([q[:, :, 1:], q[:, :, -1:]], axis=2)
    hs = left + q + right
    up = jnp.concatenate([hs[:, :1, :], hs[:, :-1, :]], axis=1)
    down = jnp.concatenate([hs[:, 1:, :], hs[:, -1:, :]], axis=1)
    s = up + hs + down
    sa = jnp.abs(s)
    q0 = (sa.astype(jnp.float32) * (1.0 / _P)).astype(jnp.int32)
    r = sa - q0 * _P
    r = jnp.where(r < 0, r + _P, r)
    r = jnp.where(r >= _P, r - _P, r)
    part = jnp.sum(r, axis=0)

    @pl.when(c == 0)
    def _init():
        acc_ref[...] = part

    @pl.when(c != 0)
    def _acc():
        acc_ref[...] += part


def _hash_sum(x_r, b):
    return pl.pallas_call(
        _hash_body,
        grid=(_NC,),
        in_specs=[pl.BlockSpec((_CB, _H, _W), lambda c, b=b: (b * _NC + c, 0, 0))],
        out_specs=pl.BlockSpec((_H, _W), lambda c: (0, 0)),
        out_shape=jax.ShapeDtypeStruct((_H, _W), jnp.int32),
    )(x_r)


def _gather_body(table_hbm, idx_hbm, out_hbm, idx_v, idx_p, rows, gsems, ssems):
    wid = lax.axis_index("s") * 2 + lax.axis_index("c")
    base = wid * _BPW
    start = base - 112 * lax.bitwise_and(wid, 1)
    pltpu.sync_copy(idx_hbm.at[pl.ds(start, _IDXW)], idx_v)

    lanes = lax.iota(jnp.int32, 16)

    def permute(g, carry):
        j = g * 16
        s = lanes + (j + base)
        t = lax.bitwise_and(s, 1)
        t7 = lax.shift_right_logical(s, 6)
        k = ((t7.astype(jnp.float32) + 0.5) * (1.0 / 7.0)).astype(jnp.int32)
        r = lax.shift_right_logical(s, 1) - 224 * k
        p_local = (2 * k + t) * 224 + r - start
        idx_p[pl.ds(j, 16)] = plsc.load_gather(idx_v, [p_local])
        return carry

    lax.fori_loop(0, _BPW // 16, permute, 0)

    def start_gather(i, b):
        return pltpu.async_copy(
            table_hbm.at[idx_p.at[pl.ds(i * _CH, _CH)]], rows[b], gsems[b])

    gath = [start_gather(j, j) for j in range(min(_NB, _NCH))]
    scat = [None] * _NB
    for i in range(_NCH):
        b = i % _NB
        gath[b].wait()
        scat[b] = pltpu.async_copy(
            rows[b], out_hbm.at[pl.ds(base + i * _CH, _CH)], ssems[b])
        if i + _NB < _NCH:
            scat[b].wait()
            gath[b] = start_gather(i + _NB, b)
    for i in range(max(0, _NCH - _NB), _NCH):
        scat[i % _NB].wait()


@functools.cache
def _make_gather():
    return functools.partial(
        pl.kernel,
        mesh=plsc.VectorSubcoreMesh(core_axis_name="c", subcore_axis_name="s"),
        compiler_params=pltpu.CompilerParams(
            use_tc_tiling_on_sc=False, needs_layout_passes=False),
        out_type=jax.ShapeDtypeStruct((_NPIX, _E), jnp.float32),
        scratch_types=[
            pltpu.VMEM((_IDXW,), jnp.int32),
            pltpu.VMEM((_BPW,), jnp.int32),
            [pltpu.VMEM((_CH, _E), jnp.float32) for _ in range(_NB)],
            [pltpu.SemaphoreType.DMA for _ in range(_NB)],
            [pltpu.SemaphoreType.DMA for _ in range(_NB)],
        ],
    )(_gather_body)


def _proj_body_first(emb_ref, w2_ref, b_ref, out_ref):
    w2 = w2_ref[...]
    bias = b_ref[...]
    for i in range(_KP):
        e2 = emb_ref[pl.ds(i * _W, _W), :]
        r2 = lax.dot_general(w2, e2, (((1,), (1,)), ((), ())),
                             preferred_element_type=jnp.float32)
        out_ref[0, :, 2 * i, :] = r2[:_OC] + bias
        out_ref[0, :, 2 * i + 1, :] = r2[_OC:] + bias


def _proj_body(prev_ref, emb_ref, w2_ref, b_ref, out_ref):
    del prev_ref
    _proj_body_first(emb_ref, w2_ref, b_ref, out_ref)


def _project(prev, emb_b, w2, bias2d, b):
    emb2 = emb_b.reshape(_NPIX // 2, 2 * _E)
    common = dict(
        grid=(_NK,),
        out_specs=pl.BlockSpec((1, _OC, 2 * _KP, _W), lambda k, b=b: (b, 0, k, 0)),
        out_shape=jax.ShapeDtypeStruct((_B, _OC, _H, _W), jnp.float32),
    )
    emb_spec = pl.BlockSpec((_KP * _W, 2 * _E), lambda k: (k, 0))
    w_spec = pl.BlockSpec((2 * _OC, 2 * _E), lambda k: (0, 0))
    b_spec = pl.BlockSpec((_OC, 1), lambda k: (0, 0))
    if prev is None:
        return pl.pallas_call(
            _proj_body_first,
            in_specs=[emb_spec, w_spec, b_spec],
            **common,
        )(emb2, w2, bias2d)
    return pl.pallas_call(
        _proj_body,
        in_specs=[pl.BlockSpec(memory_space=pl.ANY),
                  emb_spec, w_spec, b_spec],
        input_output_aliases={0: 0},
        **common,
    )(prev, emb2, w2, bias2d)


def kernel(x, embedding_table, proj_weight, proj_bias):
    x_r = x.reshape(_B * _C, _H, _W)
    bias2d = proj_bias.reshape(_OC, 1)
    z = jnp.zeros((_OC, _E), proj_weight.dtype)
    w2 = jnp.concatenate(
        [jnp.concatenate([proj_weight, z], axis=1),
         jnp.concatenate([z, proj_weight], axis=1)], axis=0)
    gather = _make_gather()
    out = None
    for b in range(_B):
        acc = _hash_sum(x_r, b)
        idx = (acc.astype(jnp.float32) / jnp.float32(_C)).astype(jnp.int32)
        emb_b = gather(embedding_table, idx.reshape(_NPIX))
        out = _project(out, emb_b, w2, bias2d, b)
    return out

# --- scband reference (transcript-rebuilt; emitter-appended) ---
"""Pipeline reference for scband-spatial-engram-38199439131338 (READ-ONLY COPY).

The authoritative reference and input builder live on the scoring server;
editing this copy changes nothing except your own understanding.
"""

import jax, jax.numpy as jnp
import numpy as np

WINDOW_SIZE = 3
NUM_PATTERNS = 100000
EMBED_DIM = 64
OUT_CHANNELS = 96


def setup_inputs(seed: int = 0) -> dict:
    key = jax.random.key(seed)
    k1, k2, k3, k4 = jax.random.split(key, 4)
    x = jax.random.normal(k1, (4, 96, 224, 224), dtype=jnp.float32)
    embedding_table = jax.random.normal(k2, (NUM_PATTERNS, EMBED_DIM), dtype=jnp.float32) * 0.02
    proj_weight = jax.random.normal(k3, (OUT_CHANNELS, EMBED_DIM), dtype=jnp.float32) * 0.05
    proj_bias = jax.random.normal(k4, (OUT_CHANNELS,), dtype=jnp.float32) * 0.01
    return {"x": x, "embedding_table": embedding_table, "proj_weight": proj_weight, "proj_bias": proj_bias}


def reference(x, embedding_table, proj_weight, proj_bias):
    pad = WINDOW_SIZE // 2
    B, C, H, W = x.shape
    # replicate padding (torch 'replicate' == numpy/jax 'edge')
    x_pad = jnp.pad(x, ((0, 0), (0, 0), (pad, pad), (pad, pad)), mode='edge')
    # deterministic hash: quantize then sum over each window.
    # (windows * 100).long() then sum over the flattened window equals the
    # sliding-window sum of the per-element quantized values.
    q = (x_pad * 100.0).astype(jnp.int64)  # trunc-toward-zero cast, same as torch .long()
    s = jnp.zeros((B, C, H, W), dtype=jnp.int64)
    for i in range(WINDOW_SIZE):
        for j in range(WINDOW_SIZE):
            s = s + q[:, :, i:i + H, j:j + W]
    indices_pc = jnp.abs(s) % NUM_PATTERNS          # (B, C, H, W)
    idx = indices_pc.astype(jnp.float32).mean(axis=1).astype(jnp.int64)  # (B, H, W)
    emb = jnp.take(embedding_table, idx, axis=0)    # (B, H, W, E)  -- SparseCore gather
    out = emb @ proj_weight.T + proj_bias           # (B, H, W, out_channels)
    return jnp.transpose(out, (0, 3, 1, 2))         # (B, out_channels, H, W)

if __name__ == "__main__":
    import jax
    _d = setup_inputs()
    print(jax.jit(kernel)(*tuple(_d.values())))

</pallas_src>

<mosaic_0001>
#map = affine_map<(d0, d1) -> (0, 0)>
#map1 = affine_map<(d0, d1) -> (0)>
module attributes {stable_mosaic.version = 14 : i64} {
  func.func @_gather_body(%arg0: i32, %arg1: i32, %arg2: memref<100000x64xf32, #tpu.memory_space<hbm>>, %arg3: memref<50176xi32, #tpu.memory_space<hbm>>, %arg4: memref<50176x64xf32, #tpu.memory_space<hbm>>, %arg5: memref<1680xi32, #tpu.memory_space<vmem>>, %arg6: memref<1568xi32, #tpu.memory_space<vmem>>, %arg7: memref<784x64xf32, #tpu.memory_space<vmem>>, %arg8: memref<784x64xf32, #tpu.memory_space<vmem>>, %arg9: memref<!tpu.dma_semaphore, #tpu.memory_space<semaphore_mem>>, %arg10: memref<!tpu.dma_semaphore, #tpu.memory_space<semaphore_mem>>, %arg11: memref<!tpu.dma_semaphore, #tpu.memory_space<semaphore_mem>>, %arg12: memref<!tpu.dma_semaphore, #tpu.memory_space<semaphore_mem>>) attributes {dimension_semantics = [#tpu.dimension_semantics<core_parallel>, #tpu.dimension_semantics<subcore_parallel>], iteration_bounds = array<i64: 2, 16>, scalar_prefetch = 0 : i64, scratch_operands = 8 : i64, tpu.core_type = #tpu.core_type<sc_vector_subcore>, window_params = [{transform_indices = #map}, {transform_indices = #map1}, {transform_indices = #map}]} {
    %mul3A = arith.constant 2 : i32
    %mul3A_0 = arith.muli %arg1, %mul3A : i32
    %add3A = arith.addi %mul3A_0, %arg0 : i32
    %mul3A_1 = arith.constant 1568 : i32
    %mul3A_2 = arith.muli %add3A, %mul3A_1 : i32
    %and3A = arith.constant 1 : i32
    %and3A_3 = arith.andi %add3A, %and3A : i32
    %mul3A_4 = arith.constant 112 : i32
    %mul3A_5 = arith.muli %mul3A_4, %and3A_3 : i32
    %sub3A = arith.subi %mul3A_2, %mul3A_5 : i32
    "tpu.region"() ({
      %run_scoped3A = tpu.sem_alloc : memref<!tpu.dma_semaphore, #tpu.memory_space<semaphore_mem>>
      %dma_start3A_49 = tpu.memref_slice %arg3[%sub3A] : memref<50176xi32, #tpu.memory_space<hbm>> -> memref<1680xi32, #tpu.memory_space<hbm>>
      %dma_start3A_50 = tpu.memref_slice %arg3[%sub3A] : memref<50176xi32, #tpu.memory_space<hbm>> -> memref<1680xi32, #tpu.memory_space<hbm>>
      tpu.enqueue_dma source(%dma_start3A_50 : memref<1680xi32, #tpu.memory_space<hbm>>) target(%arg5 : memref<1680xi32, #tpu.memory_space<vmem>>) target_semaphore(%run_scoped3A : memref<!tpu.dma_semaphore, #tpu.memory_space<semaphore_mem>>)
      %dma_wait3A_51 = tpu.memref_slice %arg3[%sub3A] : memref<50176xi32, #tpu.memory_space<hbm>> -> memref<1680xi32, #tpu.memory_space<hbm>>
      %dma_wait3A_52 = tpu.memref_slice %arg3[%sub3A] : memref<50176xi32, #tpu.memory_space<hbm>> -> memref<1680xi32, #tpu.memory_space<hbm>>
      tpu.wait_dma2 semaphore(%run_scoped3A : memref<!tpu.dma_semaphore, #tpu.memory_space<semaphore_mem>>) src(%dma_wait3A_52 : memref<1680xi32, #tpu.memory_space<hbm>>) dst(%arg5 : memref<1680xi32, #tpu.memory_space<vmem>>)
      tpu.yield
    }) : () -> ()
    %iota3A = tpu.iota {dimensions = array<i32: 0>} : vector<16xi32>
    %scan3A = arith.constant 0 : i32
    %scan3A_6 = arith.constant 0 : i32
    %scan3A_7 = arith.constant 98 : i32
    %scan3A_8 = arith.addi %scan3A_6, %scan3A_7 : i32
    %scan3A_9 = arith.constant 1 : i32
    scf.for %scan3A_49 = %scan3A_6 to %scan3A_8 step %scan3A_9  : i32 {
      %mul3A_50 = arith.constant 16 : i32
      %mul3A_51 = arith.muli %scan3A_49, %mul3A_50 : i32
      %add3A_52 = arith.addi %mul3A_51, %mul3A_2 : i32
      %add3A_53 = vector.broadcast %add3A_52 : i32 to vector<16xi32>
      %add3A_54 = arith.addi %iota3A, %add3A_53 : vector<16xi32>
      %and3A_55 = arith.constant 1 : i32
      %and3A_56 = vector.broadcast %and3A_55 : i32 to vector<16xi32>
      %and3A_57 = arith.andi %add3A_54, %and3A_56 : vector<16xi32>
      %shift_right_logical3A = arith.constant 6 : i32
      %shift_right_logical3A_58 = vector.broadcast %shift_right_logical3A : i32 to vector<16xi32>
      %shift_right_logical3A_59 = arith.shrui %add3A_54, %shift_right_logical3A_58 : vector<16xi32>
      %convert_element_type3A = arith.sitofp %shift_right_logical3A_59 : vector<16xi32> to vector<16xf32>
      %add3A_60 = arith.constant 5.000000e-01 : f32
      %add3A_61 = vector.broadcast %add3A_60 : f32 to vector<16xf32>
      %add3A_62 = arith.addf %convert_element_type3A, %add3A_61 : vector<16xf32>
      %mul3A_63 = arith.constant 0.142857149 : f32
      %mul3A_64 = vector.broadcast %mul3A_63 : f32 to vector<16xf32>
      %mul3A_65 = arith.mulf %add3A_62, %mul3A_64 : vector<16xf32>
      %convert_element_type3A_66 = arith.fptosi %mul3A_65 : vector<16xf32> to vector<16xi32>
      %shift_right_logical3A_67 = arith.constant 1 : i32
      %shift_right_logical3A_68 = vector.broadcast %shift_right_logical3A_67 : i32 to vector<16xi32>
      %shift_right_logical3A_69 = arith.shrui %add3A_54, %shift_right_logical3A_68 : vector<16xi32>
      %mul3A_70 = arith.constant 224 : i32
      %mul3A_71 = vector.broadcast %mul3A_70 : i32 to vector<16xi32>
      %mul3A_72 = arith.muli %mul3A_71, %convert_element_type3A_66 : vector<16xi32>
      %sub3A_73 = arith.subi %shift_right_logical3A_69, %mul3A_72 : vector<16xi32>
      %mul3A_74 = arith.constant 2 : i32
      %mul3A_75 = vector.broadcast %mul3A_74 : i32 to vector<16xi32>
      %mul3A_76 = arith.muli %mul3A_75, %convert_element_type3A_66 : vector<16xi32>
      %add3A_77 = arith.addi %mul3A_76, %and3A_57 : vector<16xi32>
      %mul3A_78 = arith.constant 224 : i32
      %mul3A_79 = vector.broadcast %mul3A_78 : i32 to vector<16xi32>
      %mul3A_80 = arith.muli %add3A_77, %mul3A_79 : vector<16xi32>
      %add3A_81 = arith.addi %mul3A_80, %sub3A_73 : vector<16xi32>
      %sub3A_82 = vector.broadcast %sub3A : i32 to vector<16xi32>
      %sub3A_83 = arith.subi %add3A_81, %sub3A_82 : vector<16xi32>
      %gather3A = tpu.vector_load_idx %arg5[%sub3A_83] : memref<1680xi32, #tpu.memory_space<vmem>>[vector<16xi32>], vector<16xi32>,
      %swap3A = arith.index_cast %mul3A_51 : i32 to index
      %swap3A_84 = tpu.vector_load %arg6[%swap3A] {strides = array<i32>} : memref<1568xi32, #tpu.memory_space<vmem>>, vector<16xi32>,
      tpu.vector_store %arg6[%swap3A], %gather3A {strides = array<i32>} : memref<1568xi32, #tpu.memory_space<vmem>>, vector<16xi32>,
    }
    %scan3A_10 = arith.constant 98 : i32
    %dma_start3A = arith.constant 0 : i32
    %dma_start3A_11 = tpu.memref_slice %arg6[%dma_start3A] : memref<1568xi32, #tpu.memory_space<vmem>> -> memref<784xi32, #tpu.memory_space<vmem>>
    %dma_start3A_12 = arith.constant 0 : i32
    %dma_start3A_13 = arith.constant 0 : i32
    %dma_start3A_14 = tpu.memref_slice %arg2[%dma_start3A_12, %dma_start3A_13] : memref<100000x64xf32, #tpu.memory_space<hbm>> -> memref<100000x64xf32, #tpu.memory_space<hbm>>
    tpu.enqueue_indirect_dma source(%dma_start3A_14 : memref<100000x64xf32, #tpu.memory_space<hbm>>) target(%arg7 : memref<784x64xf32, #tpu.memory_space<vmem>>) offsets(%dma_start3A_11 : memref<784xi32, #tpu.memory_space<vmem>>) semaphore(%arg9 : memref<!tpu.dma_semaphore, #tpu.memory_space<semaphore_mem>>)
    %dma_start3A_15 = arith.constant 784 : i32
    %dma_start3A_16 = tpu.memref_slice %arg6[%dma_start3A_15] : memref<1568xi32, #tpu.memory_space<vmem>> -> memref<784xi32, #tpu.memory_space<vmem>>
    %dma_start3A_17 = arith.constant 0 : i32
    %dma_start3A_18 = arith.constant 0 : i32
    %dma_start3A_19 = tpu.memref_slice %arg2[%dma_start3A_17, %dma_start3A_18] : memref<100000x64xf32, #tpu.memory_space<hbm>> -> memref<100000x64xf32, #tpu.memory_space<hbm>>
    tpu.enqueue_indirect_dma source(%dma_start3A_19 : memref<100000x64xf32, #tpu.memory_space<hbm>>) target(%arg8 : memref<784x64xf32, #tpu.memory_space<vmem>>) offsets(%dma_start3A_16 : memref<784xi32, #tpu.memory_space<vmem>>) semaphore(%arg10 : memref<!tpu.dma_semaphore, #tpu.memory_space<semaphore_mem>>)
    %dma_wait3A = arith.constant 0 : i32
    %dma_wait3A_20 = tpu.memref_slice %arg6[%dma_wait3A] : memref<1568xi32, #tpu.memory_space<vmem>> -> memref<784xi32, #tpu.memory_space<vmem>>
    %dma_wait3A_21 = arith.constant 0 : i32
    %dma_wait3A_22 = arith.constant 0 : i32
    %dma_wait3A_23 = tpu.memref_slice %arg2[%dma_wait3A_21, %dma_wait3A_22] : memref<100000x64xf32, #tpu.memory_space<hbm>> -> memref<100000x64xf32, #tpu.memory_space<hbm>>
    tpu.wait_indirect_dma semaphore(%arg9 : memref<!tpu.dma_semaphore, #tpu.memory_space<semaphore_mem>>) src(%dma_wait3A_23 : memref<100000x64xf32, #tpu.memory_space<hbm>>) dst(%arg7 : memref<784x64xf32, #tpu.memory_space<vmem>>)
    %add3A_24 = arith.constant 0 : i32
    %add3A_25 = arith.addi %mul3A_2, %add3A_24 : i32
    %dma_start3A_26 = arith.constant 0 : i32
    %dma_start3A_27 = tpu.memref_slice %arg4[%add3A_25, %dma_start3A_26] : memref<50176x64xf32, #tpu.memory_space<hbm>> -> memref<784x64xf32, #tpu.memory_space<hbm>>
    %dma_start3A_28 = arith.constant 0 : i32
    %dma_start3A_29 = tpu.memref_slice %arg4[%add3A_25, %dma_start3A_28] : memref<50176x64xf32, #tpu.memory_space<hbm>> -> memref<784x64xf32, #tpu.memory_space<hbm>>
    tpu.enqueue_dma source(%arg7 : memref<784x64xf32, #tpu.memory_space<vmem>>) target(%dma_start3A_29 : memref<784x64xf32, #tpu.memory_space<hbm>>) target_semaphore(%arg11 : memref<!tpu.dma_semaphore, #tpu.memory_space<semaphore_mem>>)
    %dma_wait3A_30 = arith.constant 784 : i32
    %dma_wait3A_31 = tpu.memref_slice %arg6[%dma_wait3A_30] : memref<1568xi32, #tpu.memory_space<vmem>> -> memref<784xi32, #tpu.memory_space<vmem>>
    %dma_wait3A_32 = arith.constant 0 : i32
    %dma_wait3A_33 = arith.constant 0 : i32
    %dma_wait3A_34 = tpu.memref_slice %arg2[%dma_wait3A_32, %dma_wait3A_33] : memref<100000x64xf32, #tpu.memory_space<hbm>> -> memref<100000x64xf32, #tpu.memory_space<hbm>>
    tpu.wait_indirect_dma semaphore(%arg10 : memref<!tpu.dma_semaphore, #tpu.memory_space<semaphore_mem>>) src(%dma_wait3A_34 : memref<100000x64xf32, #tpu.memory_space<hbm>>) dst(%arg8 : memref<784x64xf32, #tpu.memory_space<vmem>>)
    %add3A_35 = arith.constant 784 : i32
    %add3A_36 = arith.addi %mul3A_2, %add3A_35 : i32
    %dma_start3A_37 = arith.constant 0 : i32
    %dma_start3A_38 = tpu.memref_slice %arg4[%add3A_36, %dma_start3A_37] : memref<50176x64xf32, #tpu.memory_space<hbm>> -> memref<784x64xf32, #tpu.memory_space<hbm>>
    %dma_start3A_39 = arith.constant 0 : i32
    %dma_start3A_40 = tpu.memref_slice %arg4[%add3A_36, %dma_start3A_39] : memref<50176x64xf32, #tpu.memory_space<hbm>> -> memref<784x64xf32, #tpu.memory_space<hbm>>
    tpu.enqueue_dma source(%arg8 : memref<784x64xf32, #tpu.memory_space<vmem>>) target(%dma_start3A_40 : memref<784x64xf32, #tpu.memory_space<hbm>>) target_semaphore(%arg12 : memref<!tpu.dma_semaphore, #tpu.memory_space<semaphore_mem>>)
    %dma_wait3A_41 = arith.constant 0 : i32
    %dma_wait3A_42 = tpu.memref_slice %arg4[%add3A_25, %dma_wait3A_41] : memref<50176x64xf32, #tpu.memory_space<hbm>> -> memref<784x64xf32, #tpu.memory_space<hbm>>
    %dma_wait3A_43 = arith.constant 0 : i32
    %dma_wait3A_44 = tpu.memref_slice %arg4[%add3A_25, %dma_wait3A_43] : memref<50176x64xf32, #tpu.memory_space<hbm>> -> memref<784x64xf32, #tpu.memory_space<hbm>>
    tpu.wait_dma2 semaphore(%arg11 : memref<!tpu.dma_semaphore, #tpu.memory_space<semaphore_mem>>) src(%arg7 : memref<784x64xf32, #tpu.memory_space<vmem>>) dst(%dma_wait3A_44 : memref<784x64xf32, #tpu.memory_space<hbm>>)
    %dma_wait3A_45 = arith.constant 0 : i32
    %dma_wait3A_46 = tpu.memref_slice %arg4[%add3A_36, %dma_wait3A_45] : memref<50176x64xf32, #tpu.memory_space<hbm>> -> memref<784x64xf32, #tpu.memory_space<hbm>>
    %dma_wait3A_47 = arith.constant 0 : i32
    %dma_wait3A_48 = tpu.memref_slice %arg4[%add3A_36, %dma_wait3A_47] : memref<50176x64xf32, #tpu.memory_space<hbm>> -> memref<784x64xf32, #tpu.memory_space<hbm>>
    tpu.wait_dma2 semaphore(%arg12 : memref<!tpu.dma_semaphore, #tpu.memory_space<semaphore_mem>>) src(%arg8 : memref<784x64xf32, #tpu.memory_space<vmem>>) dst(%dma_wait3A_48 : memref<784x64xf32, #tpu.memory_space<hbm>>)
    return
  }
}

#map = affine_map<(d0, d1) -> (0, 0)>
#map1 = affine_map<(d0, d1) -> (0)>
module attributes {stable_mosaic.version = 14 : i64} {
  func.func @_gather_body(%arg0: i32, %arg1: i32, %arg2: memref<100000x64xf32, #tpu.memory_space<hbm>>, %arg3: memref<50176xi32, #tpu.memory_space<hbm>>, %arg4: memref<50176x64xf32, #tpu.memory_space<hbm>>, %arg5: memref<1680xi32, #tpu.memory_space<vmem>>, %arg6: memref<1568xi32, #tpu.memory_space<vmem>>, %arg7: memref<784x64xf32, #tpu.memory_space<vmem>>, %arg8: memref<784x64xf32, #tpu.memory_space<vmem>>, %arg9: memref<!tpu.dma_semaphore, #tpu.memory_space<semaphore_mem>>, %arg10: memref<!tpu.dma_semaphore, #tpu.memory_space<semaphore_mem>>, %arg11: memref<!tpu.dma_semaphore, #tpu.memory_space<semaphore_mem>>, %arg12: memref<!tpu.dma_semaphore, #tpu.memory_space<semaphore_mem>>) attributes {dimension_semantics = [#tpu.dimension_semantics<core_parallel>, #tpu.dimension_semantics<subcore_parallel>], iteration_bounds = array<i64: 2, 16>, scalar_prefetch = 0 : i64, scratch_operands = 8 : i64, tpu.core_type = #tpu.core_type<sc_vector_subcore>, window_params = [{transform_indices = #map}, {transform_indices = #map1}, {transform_indices = #map}]} {
    %mul3A = arith.constant 2 : i32
    %mul3A_0 = arith.muli %arg1, %mul3A : i32
    %add3A = arith.addi %mul3A_0, %arg0 : i32
    %mul3A_1 = arith.constant 1568 : i32
    %mul3A_2 = arith.muli %add3A, %mul3A_1 : i32
    %and3A = arith.constant 1 : i32
    %and3A_3 = arith.andi %add3A, %and3A : i32
    %mul3A_4 = arith.constant 112 : i32
    %mul3A_5 = arith.muli %mul3A_4, %and3A_3 : i32
    %sub3A = arith.subi %mul3A_2, %mul3A_5 : i32
    "tpu.region"() ({
      %run_scoped3A = tpu.sem_alloc : memref<!tpu.dma_semaphore, #tpu.memory_space<semaphore_mem>>
      %dma_start3A_49 = tpu.memref_slice %arg3[%sub3A] : memref<50176xi32, #tpu.memory_space<hbm>> -> memref<1680xi32, #tpu.memory_space<hbm>>
      %dma_start3A_50 = tpu.memref_slice %arg3[%sub3A] : memref<50176xi32, #tpu.memory_space<hbm>> -> memref<1680xi32, #tpu.memory_space<hbm>>
      tpu.enqueue_dma source(%dma_start3A_50 : memref<1680xi32, #tpu.memory_space<hbm>>) target(%arg5 : memref<1680xi32, #tpu.memory_space<vmem>>) target_semaphore(%run_scoped3A : memref<!tpu.dma_semaphore, #tpu.memory_space<semaphore_mem>>)
      %dma_wait3A_51 = tpu.memref_slice %arg3[%sub3A] : memref<50176xi32, #tpu.memory_space<hbm>> -> memref<1680xi32, #tpu.memory_space<hbm>>
      %dma_wait3A_52 = tpu.memref_slice %arg3[%sub3A] : memref<50176xi32, #tpu.memory_space<hbm>> -> memref<1680xi32, #tpu.memory_space<hbm>>
      tpu.wait_dma2 semaphore(%run_scoped3A : memref<!tpu.dma_semaphore, #tpu.memory_space<semaphore_mem>>) src(%dma_wait3A_52 : memref<1680xi32, #tpu.memory_space<hbm>>) dst(%arg5 : memref<1680xi32, #tpu.memory_space<vmem>>)
      tpu.yield
    }) : () -> ()
    %iota3A = tpu.iota {dimensions = array<i32: 0>} : vector<16xi32>
    %scan3A = arith.constant 0 : i32
    %scan3A_6 = arith.constant 0 : i32
    %scan3A_7 = arith.constant 98 : i32
    %scan3A_8 = arith.addi %scan3A_6, %scan3A_7 : i32
    %scan3A_9 = arith.constant 1 : i32
    scf.for %scan3A_49 = %scan3A_6 to %scan3A_8 step %scan3A_9  : i32 {
      %mul3A_50 = arith.constant 16 : i32
      %mul3A_51 = arith.muli %scan3A_49, %mul3A_50 : i32
      %add3A_52 = arith.addi %mul3A_51, %mul3A_2 : i32
      %add3A_53 = vector.broadcast %add3A_52 : i32 to vector<16xi32>
      %add3A_54 = arith.addi %iota3A, %add3A_53 : vector<16xi32>
      %and3A_55 = arith.constant 1 : i32
      %and3A_56 = vector.broadcast %and3A_55 : i32 to vector<16xi32>
      %and3A_57 = arith.andi %add3A_54, %and3A_56 : vector<16xi32>
      %shift_right_logical3A = arith.constant 6 : i32
      %shift_right_logical3A_58 = vector.broadcast %shift_right_logical3A : i32 to vector<16xi32>
      %shift_right_logical3A_59 = arith.shrui %add3A_54, %shift_right_logical3A_58 : vector<16xi32>
      %convert_element_type3A = arith.sitofp %shift_right_logical3A_59 : vector<16xi32> to vector<16xf32>
      %add3A_60 = arith.constant 5.000000e-01 : f32
      %add3A_61 = vector.broadcast %add3A_60 : f32 to vector<16xf32>
      %add3A_62 = arith.addf %convert_element_type3A, %add3A_61 : vector<16xf32>
      %mul3A_63 = arith.constant 0.142857149 : f32
      %mul3A_64 = vector.broadcast %mul3A_63 : f32 to vector<16xf32>
      %mul3A_65 = arith.mulf %add3A_62, %mul3A_64 : vector<16xf32>
      %convert_element_type3A_66 = arith.fptosi %mul3A_65 : vector<16xf32> to vector<16xi32>
      %shift_right_logical3A_67 = arith.constant 1 : i32
      %shift_right_logical3A_68 = vector.broadcast %shift_right_logical3A_67 : i32 to vector<16xi32>
      %shift_right_logical3A_69 = arith.shrui %add3A_54, %shift_right_logical3A_68 : vector<16xi32>
      %mul3A_70 = arith.constant 224 : i32
      %mul3A_71 = vector.broadcast %mul3A_70 : i32 to vector<16xi32>
      %mul3A_72 = arith.muli %mul3A_71, %convert_element_type3A_66 : vector<16xi32>
      %sub3A_73 = arith.subi %shift_right_logical3A_69, %mul3A_72 : vector<16xi32>
      %mul3A_74 = arith.constant 2 : i32
      %mul3A_75 = vector.broadcast %mul3A_74 : i32 to vector<16xi32>
      %mul3A_76 = arith.muli %mul3A_75, %convert_element_type3A_66 : vector<16xi32>
      %add3A_77 = arith.addi %mul3A_76, %and3A_57 : vector<16xi32>
      %mul3A_78 = arith.constant 224 : i32
      %mul3A_79 = vector.broadcast %mul3A_78 : i32 to vector<16xi32>
      %mul3A_80 = arith.muli %add3A_77, %mul3A_79 : vector<16xi32>
      %add3A_81 = arith.addi %mul3A_80, %sub3A_73 : vector<16xi32>
      %sub3A_82 = vector.broadcast %sub3A : i32 to vector<16xi32>
      %sub3A_83 = arith.subi %add3A_81, %sub3A_82 : vector<16xi32>
      %gather3A = tpu.vector_load_idx %arg5[%sub3A_83] : memref<1680xi32, #tpu.memory_space<vmem>>[vector<16xi32>], vector<16xi32>,
      %swap3A = arith.index_cast %mul3A_51 : i32 to index
      %swap3A_84 = tpu.vector_load %arg6[%swap3A] {strides = array<i32>} : memref<1568xi32, #tpu.memory_space<vmem>>, vector<16xi32>,
      tpu.vector_store %arg6[%swap3A], %gather3A {strides = array<i32>} : memref<1568xi32, #tpu.memory_space<vmem>>, vector<16xi32>,
    }
    %scan3A_10 = arith.constant 98 : i32
    %dma_start3A = arith.constant 0 : i32
    %dma_start3A_11 = tpu.memref_slice %arg6[%dma_start3A] : memref<1568xi32, #tpu.memory_space<vmem>> -> memref<784xi32, #tpu.memory_space<vmem>>
    %dma_start3A_12 = arith.constant 0 : i32
    %dma_start3A_13 = arith.constant 0 : i32
    %dma_start3A_14 = tpu.memref_slice %arg2[%dma_start3A_12, %dma_start3A_13] : memref<100000x64xf32, #tpu.memory_space<hbm>> -> memref<100000x64xf32, #tpu.memory_space<hbm>>
    tpu.enqueue_indirect_dma source(%dma_start3A_14 : memref<100000x64xf32, #tpu.memory_space<hbm>>) target(%arg7 : memref<784x64xf32, #tpu.memory_space<vmem>>) offsets(%dma_start3A_11 : memref<784xi32, #tpu.memory_space<vmem>>) semaphore(%arg9 : memref<!tpu.dma_semaphore, #tpu.memory_space<semaphore_mem>>)
    %dma_start3A_15 = arith.constant 784 : i32
    %dma_start3A_16 = tpu.memref_slice %arg6[%dma_start3A_15] : memref<1568xi32, #tpu.memory_space<vmem>> -> memref<784xi32, #tpu.memory_space<vmem>>
    %dma_start3A_17 = arith.constant 0 : i32
    %dma_start3A_18 = arith.constant 0 : i32
    %dma_start3A_19 = tpu.memref_slice %arg2[%dma_start3A_17, %dma_start3A_18] : memref<100000x64xf32, #tpu.memory_space<hbm>> -> memref<100000x64xf32, #tpu.memory_space<hbm>>
    tpu.enqueue_indirect_dma source(%dma_start3A_19 : memref<100000x64xf32, #tpu.memory_space<hbm>>) target(%arg8 : memref<784x64xf32, #tpu.memory_space<vmem>>) offsets(%dma_start3A_16 : memref<784xi32, #tpu.memory_space<vmem>>) semaphore(%arg10 : memref<!tpu.dma_semaphore, #tpu.memory_space<semaphore_mem>>)
    %dma_wait3A = arith.constant 0 : i32
    %dma_wait3A_20 = tpu.memref_slice %arg6[%dma_wait3A] : memref<1568xi32, #tpu.memory_space<vmem>> -> memref<784xi32, #tpu.memory_space<vmem>>
    %dma_wait3A_21 = arith.constant 0 : i32
    %dma_wait3A_22 = arith.constant 0 : i32
    %dma_wait3A_23 = tpu.memref_slice %arg2[%dma_wait3A_21, %dma_wait3A_22] : memref<100000x64xf32, #tpu.memory_space<hbm>> -> memref<100000x64xf32, #tpu.memory_space<hbm>>
    tpu.wait_indirect_dma semaphore(%arg9 : memref<!tpu.dma_semaphore, #tpu.memory_space<semaphore_mem>>) src(%dma_wait3A_23 : memref<100000x64xf32, #tpu.memory_space<hbm>>) dst(%arg7 : memref<784x64xf32, #tpu.memory_space<vmem>>)
    %add3A_24 = arith.constant 0 : i32
    %add3A_25 = arith.addi %mul3A_2, %add3A_24 : i32
    %dma_start3A_26 = arith.constant 0 : i32
    %dma_start3A_27 = tpu.memref_slice %arg4[%add3A_25, %dma_start3A_26] : memref<50176x64xf32, #tpu.memory_space<hbm>> -> memref<784x64xf32, #tpu.memory_space<hbm>>
    %dma_start3A_28 = arith.constant 0 : i32
    %dma_start3A_29 = tpu.memref_slice %arg4[%add3A_25, %dma_start3A_28] : memref<50176x64xf32, #tpu.memory_space<hbm>> -> memref<784x64xf32, #tpu.memory_space<hbm>>
    tpu.enqueue_dma source(%arg7 : memref<784x64xf32, #tpu.memory_space<vmem>>) target(%dma_start3A_29 : memref<784x64xf32, #tpu.memory_space<hbm>>) target_semaphore(%arg11 : memref<!tpu.dma_semaphore, #tpu.memory_space<semaphore_mem>>)
    %dma_wait3A_30 = arith.constant 784 : i32
    %dma_wait3A_31 = tpu.memref_slice %arg6[%dma_wait3A_30] : memref<1568xi32, #tpu.memory_space<vmem>> -> memref<784xi32, #tpu.memory_space<vmem>>
    %dma_wait3A_32 = arith.constant 0 : i32
    %dma_wait3A_33 = arith.constant 0 : i32
    %dma_wait3A_34 = tpu.memref_slice %arg2[%dma_wait3A_32, %dma_wait3A_33] : memref<100000x64xf32, #tpu.memory_space<hbm>> -> memref<100000x64xf32, #tpu.memory_space<hbm>>
    tpu.wait_indirect_dma semaphore(%arg10 : memref<!tpu.dma_semaphore, #tpu.memory_space<semaphore_mem>>) src(%dma_wait3A_34 : memref<100000x64xf32, #tpu.memory_space<hbm>>) dst(%arg8 : memref<784x64xf32, #tpu.memory_space<vmem>>)
    %add3A_35 = arith.constant 784 : i32
    %add3A_36 = arith.addi %mul3A_2, %add3A_35 : i32
    %dma_start3A_37 = arith.constant 0 : i32
    %dma_start3A_38 = tpu.memref_slice %arg4[%add3A_36, %dma_start3A_37] : memref<50176x64xf32, #tpu.memory_space<hbm>> -> memref<784x64xf32, #tpu.memory_space<hbm>>
    %dma_start3A_39 = arith.constant 0 : i32
    %dma_start3A_40 = tpu.memref_slice %arg4[%add3A_36, %dma_start3A_39] : memref<50176x64xf32, #tpu.memory_space<hbm>> -> memref<784x64xf32, #tpu.memory_space<hbm>>
    tpu.enqueue_dma source(%arg8 : memref<784x64xf32, #tpu.memory_space<vmem>>) target(%dma_start3A_40 : memref<784x64xf32, #tpu.memory_space<hbm>>) target_semaphore(%arg12 : memref<!tpu.dma_semaphore, #tpu.memory_space<semaphore_mem>>)
    %dma_wait3A_41 = arith.constant 0 : i32
    %dma_wait3A_42 = tpu.memref_slice %arg4[%add3A_25, %dma_wait3A_41] : memref<50176x64xf32, #tpu.memory_space<hbm>> -> memref<784x64xf32, #tpu.memory_space<hbm>>
    %dma_wait3A_43 = arith.constant 0 : i32
    %dma_wait3A_44 = tpu.memref_slice %arg4[%add3A_25, %dma_wait3A_43] : memref<50176x64xf32, #tpu.memory_space<hbm>> -> memref<784x64xf32, #tpu.memory_space<hbm>>
    tpu.wait_dma2 semaphore(%arg11 : memref<!tpu.dma_semaphore, #tpu.memory_space<semaphore_mem>>) src(%arg7 : memref<784x64xf32, #tpu.memory_space<vmem>>) dst(%dma_wait3A_44 : memref<784x64xf32, #tpu.memory_space<hbm>>)
    %dma_wait3A_45 = arith.constant 0 : i32
    %dma_wait3A_46 = tpu.memref_slice %arg4[%add3A_36, %dma_wait3A_45] : memref<50176x64xf32, #tpu.memory_space<hbm>> -> memref<784x64xf32, #tpu.memory_space<hbm>>
    %dma_wait3A_47 = arith.constant 0 : i32
    %dma_wait3A_48 = tpu.memref_slice %arg4[%add3A_36, %dma_wait3A_47] : memref<50176x64xf32, #tpu.memory_space<hbm>> -> memref<784x64xf32, #tpu.memory_space<hbm>>
    tpu.wait_dma2 semaphore(%arg12 : memref<!tpu.dma_semaphore, #tpu.memory_space<semaphore_mem>>) src(%arg8 : memref<784x64xf32, #tpu.memory_space<vmem>>) dst(%dma_wait3A_48 : memref<784x64xf32, #tpu.memory_space<hbm>>)
    return
  }
}

#map = affine_map<(d0, d1) -> (0, 0)>
#map1 = affine_map<(d0, d1) -> (0)>
module attributes {stable_mosaic.version = 14 : i64} {
  func.func @_gather_body(%arg0: i32, %arg1: i32, %arg2: memref<100000x64xf32, #tpu.memory_space<hbm>>, %arg3: memref<50176xi32, #tpu.memory_space<hbm>>, %arg4: memref<50176x64xf32, #tpu.memory_space<hbm>>, %arg5: memref<1680xi32, #tpu.memory_space<vmem>>, %arg6: memref<1568xi32, #tpu.memory_space<vmem>>, %arg7: memref<784x64xf32, #tpu.memory_space<vmem>>, %arg8: memref<784x64xf32, #tpu.memory_space<vmem>>, %arg9: memref<!tpu.dma_semaphore, #tpu.memory_space<semaphore_mem>>, %arg10: memref<!tpu.dma_semaphore, #tpu.memory_space<semaphore_mem>>, %arg11: memref<!tpu.dma_semaphore, #tpu.memory_space<semaphore_mem>>, %arg12: memref<!tpu.dma_semaphore, #tpu.memory_space<semaphore_mem>>) attributes {dimension_semantics = [#tpu.dimension_semantics<core_parallel>, #tpu.dimension_semantics<subcore_parallel>], iteration_bounds = array<i64: 2, 16>, scalar_prefetch = 0 : i64, scratch_operands = 8 : i64, tpu.core_type = #tpu.core_type<sc_vector_subcore>, window_params = [{transform_indices = #map}, {transform_indices = #map1}, {transform_indices = #map}]} {
    %mul3A = arith.constant 2 : i32
    %mul3A_0 = arith.muli %arg1, %mul3A : i32
    %add3A = arith.addi %mul3A_0, %arg0 : i32
    %mul3A_1 = arith.constant 1568 : i32
    %mul3A_2 = arith.muli %add3A, %mul3A_1 : i32
    %and3A = arith.constant 1 : i32
    %and3A_3 = arith.andi %add3A, %and3A : i32
    %mul3A_4 = arith.constant 112 : i32
    %mul3A_5 = arith.muli %mul3A_4, %and3A_3 : i32
    %sub3A = arith.subi %mul3A_2, %mul3A_5 : i32
    "tpu.region"() ({
      %run_scoped3A = tpu.sem_alloc : memref<!tpu.dma_semaphore, #tpu.memory_space<semaphore_mem>>
      %dma_start3A_49 = tpu.memref_slice %arg3[%sub3A] : memref<50176xi32, #tpu.memory_space<hbm>> -> memref<1680xi32, #tpu.memory_space<hbm>>
      %dma_start3A_50 = tpu.memref_slice %arg3[%sub3A] : memref<50176xi32, #tpu.memory_space<hbm>> -> memref<1680xi32, #tpu.memory_space<hbm>>
      tpu.enqueue_dma source(%dma_start3A_50 : memref<1680xi32, #tpu.memory_space<hbm>>) target(%arg5 : memref<1680xi32, #tpu.memory_space<vmem>>) target_semaphore(%run_scoped3A : memref<!tpu.dma_semaphore, #tpu.memory_space<semaphore_mem>>)
      %dma_wait3A_51 = tpu.memref_slice %arg3[%sub3A] : memref<50176xi32, #tpu.memory_space<hbm>> -> memref<1680xi32, #tpu.memory_space<hbm>>
      %dma_wait3A_52 = tpu.memref_slice %arg3[%sub3A] : memref<50176xi32, #tpu.memory_space<hbm>> -> memref<1680xi32, #tpu.memory_space<hbm>>
      tpu.wait_dma2 semaphore(%run_scoped3A : memref<!tpu.dma_semaphore, #tpu.memory_space<semaphore_mem>>) src(%dma_wait3A_52 : memref<1680xi32, #tpu.memory_space<hbm>>) dst(%arg5 : memref<1680xi32, #tpu.memory_space<vmem>>)
      tpu.yield
    }) : () -> ()
    %iota3A = tpu.iota {dimensions = array<i32: 0>} : vector<16xi32>
    %scan3A = arith.constant 0 : i32
    %scan3A_6 = arith.constant 0 : i32
    %scan3A_7 = arith.constant 98 : i32
    %scan3A_8 = arith.addi %scan3A_6, %scan3A_7 : i32
    %scan3A_9 = arith.constant 1 : i32
    scf.for %scan3A_49 = %scan3A_6 to %scan3A_8 step %scan3A_9  : i32 {
      %mul3A_50 = arith.constant 16 : i32
      %mul3A_51 = arith.muli %scan3A_49, %mul3A_50 : i32
      %add3A_52 = arith.addi %mul3A_51, %mul3A_2 : i32
      %add3A_53 = vector.broadcast %add3A_52 : i32 to vector<16xi32>
      %add3A_54 = arith.addi %iota3A, %add3A_53 : vector<16xi32>
      %and3A_55 = arith.constant 1 : i32
      %and3A_56 = vector.broadcast %and3A_55 : i32 to vector<16xi32>
      %and3A_57 = arith.andi %add3A_54, %and3A_56 : vector<16xi32>
      %shift_right_logical3A = arith.constant 6 : i32
      %shift_right_logical3A_58 = vector.broadcast %shift_right_logical3A : i32 to vector<16xi32>
      %shift_right_logical3A_59 = arith.shrui %add3A_54, %shift_right_logical3A_58 : vector<16xi32>
      %convert_element_type3A = arith.sitofp %shift_right_logical3A_59 : vector<16xi32> to vector<16xf32>
      %add3A_60 = arith.constant 5.000000e-01 : f32
      %add3A_61 = vector.broadcast %add3A_60 : f32 to vector<16xf32>
      %add3A_62 = arith.addf %convert_element_type3A, %add3A_61 : vector<16xf32>
      %mul3A_63 = arith.constant 0.142857149 : f32
      %mul3A_64 = vector.broadcast %mul3A_63 : f32 to vector<16xf32>
      %mul3A_65 = arith.mulf %add3A_62, %mul3A_64 : vector<16xf32>
      %convert_element_type3A_66 = arith.fptosi %mul3A_65 : vector<16xf32> to vector<16xi32>
      %shift_right_logical3A_67 = arith.constant 1 : i32
      %shift_right_logical3A_68 = vector.broadcast %shift_right_logical3A_67 : i32 to vector<16xi32>
      %shift_right_logical3A_69 = arith.shrui %add3A_54, %shift_right_logical3A_68 : vector<16xi32>
      %mul3A_70 = arith.constant 224 : i32
      %mul3A_71 = vector.broadcast %mul3A_70 : i32 to vector<16xi32>
      %mul3A_72 = arith.muli %mul3A_71, %convert_element_type3A_66 : vector<16xi32>
      %sub3A_73 = arith.subi %shift_right_logical3A_69, %mul3A_72 : vector<16xi32>
      %mul3A_74 = arith.constant 2 : i32
      %mul3A_75 = vector.broadcast %mul3A_74 : i32 to vector<16xi32>
      %mul3A_76 = arith.muli %mul3A_75, %convert_element_type3A_66 : vector<16xi32>
      %add3A_77 = arith.addi %mul3A_76, %and3A_57 : vector<16xi32>
      %mul3A_78 = arith.constant 224 : i32
      %mul3A_79 = vector.broadcast %mul3A_78 : i32 to vector<16xi32>
      %mul3A_80 = arith.muli %add3A_77, %mul3A_79 : vector<16xi32>
      %add3A_81 = arith.addi %mul3A_80, %sub3A_73 : vector<16xi32>
      %sub3A_82 = vector.broadcast %sub3A : i32 to vector<16xi32>
      %sub3A_83 = arith.subi %add3A_81, %sub3A_82 : vector<16xi32>
      %gather3A = tpu.vector_load_idx %arg5[%sub3A_83] : memref<1680xi32, #tpu.memory_space<vmem>>[vector<16xi32>], vector<16xi32>,
      %swap3A = arith.index_cast %mul3A_51 : i32 to index
      %swap3A_84 = tpu.vector_load %arg6[%swap3A] {strides = array<i32>} : memref<1568xi32, #tpu.memory_space<vmem>>, vector<16xi32>,
      tpu.vector_store %arg6[%swap3A], %gather3A {strides = array<i32>} : memref<1568xi32, #tpu.memory_space<vmem>>, vector<16xi32>,
    }
    %scan3A_10 = arith.constant 98 : i32
    %dma_start3A = arith.constant 0 : i32
    %dma_start3A_11 = tpu.memref_slice %arg6[%dma_start3A] : memref<1568xi32, #tpu.memory_space<vmem>> -> memref<784xi32, #tpu.memory_space<vmem>>
    %dma_start3A_12 = arith.constant 0 : i32
    %dma_start3A_13 = arith.constant 0 : i32
    %dma_start3A_14 = tpu.memref_slice %arg2[%dma_start3A_12, %dma_start3A_13] : memref<100000x64xf32, #tpu.memory_space<hbm>> -> memref<100000x64xf32, #tpu.memory_space<hbm>>
    tpu.enqueue_indirect_dma source(%dma_start3A_14 : memref<100000x64xf32, #tpu.memory_space<hbm>>) target(%arg7 : memref<784x64xf32, #tpu.memory_space<vmem>>) offsets(%dma_start3A_11 : memref<784xi32, #tpu.memory_space<vmem>>) semaphore(%arg9 : memref<!tpu.dma_semaphore, #tpu.memory_space<semaphore_mem>>)
    %dma_start3A_15 = arith.constant 784 : i32
    %dma_start3A_16 = tpu.memref_slice %arg6[%dma_start3A_15] : memref<1568xi32, #tpu.memory_space<vmem>> -> memref<784xi32, #tpu.memory_space<vmem>>
    %dma_start3A_17 = arith.constant 0 : i32
    %dma_start3A_18 = arith.constant 0 : i32
    %dma_start3A_19 = tpu.memref_slice %arg2[%dma_start3A_17, %dma_start3A_18] : memref<100000x64xf32, #tpu.memory_space<hbm>> -> memref<100000x64xf32, #tpu.memory_space<hbm>>
    tpu.enqueue_indirect_dma source(%dma_start3A_19 : memref<100000x64xf32, #tpu.memory_space<hbm>>) target(%arg8 : memref<784x64xf32, #tpu.memory_space<vmem>>) offsets(%dma_start3A_16 : memref<784xi32, #tpu.memory_space<vmem>>) semaphore(%arg10 : memref<!tpu.dma_semaphore, #tpu.memory_space<semaphore_mem>>)
    %dma_wait3A = arith.constant 0 : i32
    %dma_wait3A_20 = tpu.memref_slice %arg6[%dma_wait3A] : memref<1568xi32, #tpu.memory_space<vmem>> -> memref<784xi32, #tpu.memory_space<vmem>>
    %dma_wait3A_21 = arith.constant 0 : i32
    %dma_wait3A_22 = arith.constant 0 : i32
    %dma_wait3A_23 = tpu.memref_slice %arg2[%dma_wait3A_21, %dma_wait3A_22] : memref<100000x64xf32, #tpu.memory_space<hbm>> -> memref<100000x64xf32, #tpu.memory_space<hbm>>
    tpu.wait_indirect_dma semaphore(%arg9 : memref<!tpu.dma_semaphore, #tpu.memory_space<semaphore_mem>>) src(%dma_wait3A_23 : memref<100000x64xf32, #tpu.memory_space<hbm>>) dst(%arg7 : memref<784x64xf32, #tpu.memory_space<vmem>>)
    %add3A_24 = arith.constant 0 : i32
    %add3A_25 = arith.addi %mul3A_2, %add3A_24 : i32
    %dma_start3A_26 = arith.constant 0 : i32
    %dma_start3A_27 = tpu.memref_slice %arg4[%add3A_25, %dma_start3A_26] : memref<50176x64xf32, #tpu.memory_space<hbm>> -> memref<784x64xf32, #tpu.memory_space<hbm>>
    %dma_start3A_28 = arith.constant 0 : i32
    %dma_start3A_29 = tpu.memref_slice %arg4[%add3A_25, %dma_start3A_28] : memref<50176x64xf32, #tpu.memory_space<hbm>> -> memref<784x64xf32, #tpu.memory_space<hbm>>
    tpu.enqueue_dma source(%arg7 : memref<784x64xf32, #tpu.memory_space<vmem>>) target(%dma_start3A_29 : memref<784x64xf32, #tpu.memory_space<hbm>>) target_semaphore(%arg11 : memref<!tpu.dma_semaphore, #tpu.memory_space<semaphore_mem>>)
    %dma_wait3A_30 = arith.constant 784 : i32
    %dma_wait3A_31 = tpu.memref_slice %arg6[%dma_wait3A_30] : memref<1568xi32, #tpu.memory_space<vmem>> -> memref<784xi32, #tpu.memory_space<vmem>>
    %dma_wait3A_32 = arith.constant 0 : i32
    %dma_wait3A_33 = arith.constant 0 : i32
    %dma_wait3A_34 = tpu.memref_slice %arg2[%dma_wait3A_32, %dma_wait3A_33] : memref<100000x64xf32, #tpu.memory_space<hbm>> -> memref<100000x64xf32, #tpu.memory_space<hbm>>
    tpu.wait_indirect_dma semaphore(%arg10 : memref<!tpu.dma_semaphore, #tpu.memory_space<semaphore_mem>>) src(%dma_wait3A_34 : memref<100000x64xf32, #tpu.memory_space<hbm>>) dst(%arg8 : memref<784x64xf32, #tpu.memory_space<vmem>>)
    %add3A_35 = arith.constant 784 : i32
    %add3A_36 = arith.addi %mul3A_2, %add3A_35 : i32
    %dma_start3A_37 = arith.constant 0 : i32
    %dma_start3A_38 = tpu.memref_slice %arg4[%add3A_36, %dma_start3A_37] : memref<50176x64xf32, #tpu.memory_space<hbm>> -> memref<784x64xf32, #tpu.memory_space<hbm>>
    %dma_start3A_39 = arith.constant 0 : i32
    %dma_start3A_40 = tpu.memref_slice %arg4[%add3A_36, %dma_start3A_39] : memref<50176x64xf32, #tpu.memory_space<hbm>> -> memref<784x64xf32, #tpu.memory_space<hbm>>
    tpu.enqueue_dma source(%arg8 : memref<784x64xf32, #tpu.memory_space<vmem>>) target(%dma_start3A_40 : memref<784x64xf32, #tpu.memory_space<hbm>>) target_semaphore(%arg12 : memref<!tpu.dma_semaphore, #tpu.memory_space<semaphore_mem>>)
    %dma_wait3A_41 = arith.constant 0 : i32
    %dma_wait3A_42 = tpu.memref_slice %arg4[%add3A_25, %dma_wait3A_41] : memref<50176x64xf32, #tpu.memory_space<hbm>> -> memref<784x64xf32, #tpu.memory_space<hbm>>
    %dma_wait3A_43 = arith.constant 0 : i32
    %dma_wait3A_44 = tpu.memref_slice %arg4[%add3A_25, %dma_wait3A_43] : memref<50176x64xf32, #tpu.memory_space<hbm>> -> memref<784x64xf32, #tpu.memory_space<hbm>>
    tpu.wait_dma2 semaphore(%arg11 : memref<!tpu.dma_semaphore, #tpu.memory_space<semaphore_mem>>) src(%arg7 : memref<784x64xf32, #tpu.memory_space<vmem>>) dst(%dma_wait3A_44 : memref<784x64xf32, #tpu.memory_space<hbm>>)
    %dma_wait3A_45 = arith.constant 0 : i32
    %dma_wait3A_46 = tpu.memref_slice %arg4[%add3A_36, %dma_wait3A_45] : memref<50176x64xf32, #tpu.memory_space<hbm>> -> memref<784x64xf32, #tpu.memory_space<hbm>>
    %dma_wait3A_47 = arith.constant 0 : i32
    %dma_wait3A_48 = tpu.memref_slice %arg4[%add3A_36, %dma_wait3A_47] : memref<50176x64xf32, #tpu.memory_space<hbm>> -> memref<784x64xf32, #tpu.memory_space<hbm>>
    tpu.wait_dma2 semaphore(%arg12 : memref<!tpu.dma_semaphore, #tpu.memory_space<semaphore_mem>>) src(%arg8 : memref<784x64xf32, #tpu.memory_space<vmem>>) dst(%dma_wait3A_48 : memref<784x64xf32, #tpu.memory_space<hbm>>)
    return
  }
}

#map = affine_map<(d0, d1) -> (0, 0)>
#map1 = affine_map<(d0, d1) -> (0)>
module attributes {stable_mosaic.version = 14 : i64} {
  func.func @_gather_body(%arg0: i32, %arg1: i32, %arg2: memref<100000x64xf32, #tpu.memory_space<hbm>>, %arg3: memref<50176xi32, #tpu.memory_space<hbm>>, %arg4: memref<50176x64xf32, #tpu.memory_space<hbm>>, %arg5: memref<1680xi32, #tpu.memory_space<vmem>>, %arg6: memref<1568xi32, #tpu.memory_space<vmem>>, %arg7: memref<784x64xf32, #tpu.memory_space<vmem>>, %arg8: memref<784x64xf32, #tpu.memory_space<vmem>>, %arg9: memref<!tpu.dma_semaphore, #tpu.memory_space<semaphore_mem>>, %arg10: memref<!tpu.dma_semaphore, #tpu.memory_space<semaphore_mem>>, %arg11: memref<!tpu.dma_semaphore, #tpu.memory_space<semaphore_mem>>, %arg12: memref<!tpu.dma_semaphore, #tpu.memory_space<semaphore_mem>>) attributes {dimension_semantics = [#tpu.dimension_semantics<core_parallel>, #tpu.dimension_semantics<subcore_parallel>], iteration_bounds = array<i64: 2, 16>, scalar_prefetch = 0 : i64, scratch_operands = 8 : i64, tpu.core_type = #tpu.core_type<sc_vector_subcore>, window_params = [{transform_indices = #map}, {transform_indices = #map1}, {transform_indices = #map}]} {
    %mul3A = arith.constant 2 : i32
    %mul3A_0 = arith.muli %arg1, %mul3A : i32
    %add3A = arith.addi %mul3A_0, %arg0 : i32
    %mul3A_1 = arith.constant 1568 : i32
    %mul3A_2 = arith.muli %add3A, %mul3A_1 : i32
    %and3A = arith.constant 1 : i32
    %and3A_3 = arith.andi %add3A, %and3A : i32
    %mul3A_4 = arith.constant 112 : i32
    %mul3A_5 = arith.muli %mul3A_4, %and3A_3 : i32
    %sub3A = arith.subi %mul3A_2, %mul3A_5 : i32
    "tpu.region"() ({
      %run_scoped3A = tpu.sem_alloc : memref<!tpu.dma_semaphore, #tpu.memory_space<semaphore_mem>>
      %dma_start3A_49 = tpu.memref_slice %arg3[%sub3A] : memref<50176xi32, #tpu.memory_space<hbm>> -> memref<1680xi32, #tpu.memory_space<hbm>>
      %dma_start3A_50 = tpu.memref_slice %arg3[%sub3A] : memref<50176xi32, #tpu.memory_space<hbm>> -> memref<1680xi32, #tpu.memory_space<hbm>>
      tpu.enqueue_dma source(%dma_start3A_50 : memref<1680xi32, #tpu.memory_space<hbm>>) target(%arg5 : memref<1680xi32, #tpu.memory_space<vmem>>) target_semaphore(%run_scoped3A : memref<!tpu.dma_semaphore, #tpu.memory_space<semaphore_mem>>)
      %dma_wait3A_51 = tpu.memref_slice %arg3[%sub3A] : memref<50176xi32, #tpu.memory_space<hbm>> -> memref<1680xi32, #tpu.memory_space<hbm>>
      %dma_wait3A_52 = tpu.memref_slice %arg3[%sub3A] : memref<50176xi32, #tpu.memory_space<hbm>> -> memref<1680xi32, #tpu.memory_space<hbm>>
      tpu.wait_dma2 semaphore(%run_scoped3A : memref<!tpu.dma_semaphore, #tpu.memory_space<semaphore_mem>>) src(%dma_wait3A_52 : memref<1680xi32, #tpu.memory_space<hbm>>) dst(%arg5 : memref<1680xi32, #tpu.memory_space<vmem>>)
      tpu.yield
    }) : () -> ()
    %iota3A = tpu.iota {dimensions = array<i32: 0>} : vector<16xi32>
    %scan3A = arith.constant 0 : i32
    %scan3A_6 = arith.constant 0 : i32
    %scan3A_7 = arith.constant 98 : i32
    %scan3A_8 = arith.addi %scan3A_6, %scan3A_7 : i32
    %scan3A_9 = arith.constant 1 : i32
    scf.for %scan3A_49 = %scan3A_6 to %scan3A_8 step %scan3A_9  : i32 {
      %mul3A_50 = arith.constant 16 : i32
      %mul3A_51 = arith.muli %scan3A_49, %mul3A_50 : i32
      %add3A_52 = arith.addi %mul3A_51, %mul3A_2 : i32
      %add3A_53 = vector.broadcast %add3A_52 : i32 to vector<16xi32>
      %add3A_54 = arith.addi %iota3A, %add3A_53 : vector<16xi32>
      %and3A_55 = arith.constant 1 : i32
      %and3A_56 = vector.broadcast %and3A_55 : i32 to vector<16xi32>
      %and3A_57 = arith.andi %add3A_54, %and3A_56 : vector<16xi32>
      %shift_right_logical3A = arith.constant 6 : i32
      %shift_right_logical3A_58 = vector.broadcast %shift_right_logical3A : i32 to vector<16xi32>
      %shift_right_logical3A_59 = arith.shrui %add3A_54, %shift_right_logical3A_58 : vector<16xi32>
      %convert_element_type3A = arith.sitofp %shift_right_logical3A_59 : vector<16xi32> to vector<16xf32>
      %add3A_60 = arith.constant 5.000000e-01 : f32
      %add3A_61 = vector.broadcast %add3A_60 : f32 to vector<16xf32>
      %add3A_62 = arith.addf %convert_element_type3A, %add3A_61 : vector<16xf32>
      %mul3A_63 = arith.constant 0.142857149 : f32
      %mul3A_64 = vector.broadcast %mul3A_63 : f32 to vector<16xf32>
      %mul3A_65 = arith.mulf %add3A_62, %mul3A_64 : vector<16xf32>
      %convert_element_type3A_66 = arith.fptosi %mul3A_65 : vector<16xf32> to vector<16xi32>
      %shift_right_logical3A_67 = arith.constant 1 : i32
      %shift_right_logical3A_68 = vector.broadcast %shift_right_logical3A_67 : i32 to vector<16xi32>
      %shift_right_logical3A_69 = arith.shrui %add3A_54, %shift_right_logical3A_68 : vector<16xi32>
      %mul3A_70 = arith.constant 224 : i32
      %mul3A_71 = vector.broadcast %mul3A_70 : i32 to vector<16xi32>
      %mul3A_72 = arith.muli %mul3A_71, %convert_element_type3A_66 : vector<16xi32>
      %sub3A_73 = arith.subi %shift_right_logical3A_69, %mul3A_72 : vector<16xi32>
      %mul3A_74 = arith.constant 2 : i32
      %mul3A_75 = vector.broadcast %mul3A_74 : i32 to vector<16xi32>
      %mul3A_76 = arith.muli %mul3A_75, %convert_element_type3A_66 : vector<16xi32>
      %add3A_77 = arith.addi %mul3A_76, %and3A_57 : vector<16xi32>
      %mul3A_78 = arith.constant 224 : i32
      %mul3A_79 = vector.broadcast %mul3A_78 : i32 to vector<16xi32>
      %mul3A_80 = arith.muli %add3A_77, %mul3A_79 : vector<16xi32>
      %add3A_81 = arith.addi %mul3A_80, %sub3A_73 : vector<16xi32>
      %sub3A_82 = vector.broadcast %sub3A : i32 to vector<16xi32>
      %sub3A_83 = arith.subi %add3A_81, %sub3A_82 : vector<16xi32>
      %gather3A = tpu.vector_load_idx %arg5[%sub3A_83] : memref<1680xi32, #tpu.memory_space<vmem>>[vector<16xi32>], vector<16xi32>,
      %swap3A = arith.index_cast %mul3A_51 : i32 to index
      %swap3A_84 = tpu.vector_load %arg6[%swap3A] {strides = array<i32>} : memref<1568xi32, #tpu.memory_space<vmem>>, vector<16xi32>,
      tpu.vector_store %arg6[%swap3A], %gather3A {strides = array<i32>} : memref<1568xi32, #tpu.memory_space<vmem>>, vector<16xi32>,
    }
    %scan3A_10 = arith.constant 98 : i32
    %dma_start3A = arith.constant 0 : i32
    %dma_start3A_11 = tpu.memref_slice %arg6[%dma_start3A] : memref<1568xi32, #tpu.memory_space<vmem>> -> memref<784xi32, #tpu.memory_space<vmem>>
    %dma_start3A_12 = arith.constant 0 : i32
    %dma_start3A_13 = arith.constant 0 : i32
    %dma_start3A_14 = tpu.memref_slice %arg2[%dma_start3A_12, %dma_start3A_13] : memref<100000x64xf32, #tpu.memory_space<hbm>> -> memref<100000x64xf32, #tpu.memory_space<hbm>>
    tpu.enqueue_indirect_dma source(%dma_start3A_14 : memref<100000x64xf32, #tpu.memory_space<hbm>>) target(%arg7 : memref<784x64xf32, #tpu.memory_space<vmem>>) offsets(%dma_start3A_11 : memref<784xi32, #tpu.memory_space<vmem>>) semaphore(%arg9 : memref<!tpu.dma_semaphore, #tpu.memory_space<semaphore_mem>>)
    %dma_start3A_15 = arith.constant 784 : i32
    %dma_start3A_16 = tpu.memref_slice %arg6[%dma_start3A_15] : memref<1568xi32, #tpu.memory_space<vmem>> -> memref<784xi32, #tpu.memory_space<vmem>>
    %dma_start3A_17 = arith.constant 0 : i32
    %dma_start3A_18 = arith.constant 0 : i32
    %dma_start3A_19 = tpu.memref_slice %arg2[%dma_start3A_17, %dma_start3A_18] : memref<100000x64xf32, #tpu.memory_space<hbm>> -> memref<100000x64xf32, #tpu.memory_space<hbm>>
    tpu.enqueue_indirect_dma source(%dma_start3A_19 : memref<100000x64xf32, #tpu.memory_space<hbm>>) target(%arg8 : memref<784x64xf32, #tpu.memory_space<vmem>>) offsets(%dma_start3A_16 : memref<784xi32, #tpu.memory_space<vmem>>) semaphore(%arg10 : memref<!tpu.dma_semaphore, #tpu.memory_space<semaphore_mem>>)
    %dma_wait3A = arith.constant 0 : i32
    %dma_wait3A_20 = tpu.memref_slice %arg6[%dma_wait3A] : memref<1568xi32, #tpu.memory_space<vmem>> -> memref<784xi32, #tpu.memory_space<vmem>>
    %dma_wait3A_21 = arith.constant 0 : i32
    %dma_wait3A_22 = arith.constant 0 : i32
    %dma_wait3A_23 = tpu.memref_slice %arg2[%dma_wait3A_21, %dma_wait3A_22] : memref<100000x64xf32, #tpu.memory_space<hbm>> -> memref<100000x64xf32, #tpu.memory_space<hbm>>
    tpu.wait_indirect_dma semaphore(%arg9 : memref<!tpu.dma_semaphore, #tpu.memory_space<semaphore_mem>>) src(%dma_wait3A_23 : memref<100000x64xf32, #tpu.memory_space<hbm>>) dst(%arg7 : memref<784x64xf32, #tpu.memory_space<vmem>>)
    %add3A_24 = arith.constant 0 : i32
    %add3A_25 = arith.addi %mul3A_2, %add3A_24 : i32
    %dma_start3A_26 = arith.constant 0 : i32
    %dma_start3A_27 = tpu.memref_slice %arg4[%add3A_25, %dma_start3A_26] : memref<50176x64xf32, #tpu.memory_space<hbm>> -> memref<784x64xf32, #tpu.memory_space<hbm>>
    %dma_start3A_28 = arith.constant 0 : i32
    %dma_start3A_29 = tpu.memref_slice %arg4[%add3A_25, %dma_start3A_28] : memref<50176x64xf32, #tpu.memory_space<hbm>> -> memref<784x64xf32, #tpu.memory_space<hbm>>
    tpu.enqueue_dma source(%arg7 : memref<784x64xf32, #tpu.memory_space<vmem>>) target(%dma_start3A_29 : memref<784x64xf32, #tpu.memory_space<hbm>>) target_semaphore(%arg11 : memref<!tpu.dma_semaphore, #tpu.memory_space<semaphore_mem>>)
    %dma_wait3A_30 = arith.constant 784 : i32
    %dma_wait3A_31 = tpu.memref_slice %arg6[%dma_wait3A_30] : memref<1568xi32, #tpu.memory_space<vmem>> -> memref<784xi32, #tpu.memory_space<vmem>>
    %dma_wait3A_32 = arith.constant 0 : i32
    %dma_wait3A_33 = arith.constant 0 : i32
    %dma_wait3A_34 = tpu.memref_slice %arg2[%dma_wait3A_32, %dma_wait3A_33] : memref<100000x64xf32, #tpu.memory_space<hbm>> -> memref<100000x64xf32, #tpu.memory_space<hbm>>
    tpu.wait_indirect_dma semaphore(%arg10 : memref<!tpu.dma_semaphore, #tpu.memory_space<semaphore_mem>>) src(%dma_wait3A_34 : memref<100000x64xf32, #tpu.memory_space<hbm>>) dst(%arg8 : memref<784x64xf32, #tpu.memory_space<vmem>>)
    %add3A_35 = arith.constant 784 : i32
    %add3A_36 = arith.addi %mul3A_2, %add3A_35 : i32
    %dma_start3A_37 = arith.constant 0 : i32
    %dma_start3A_38 = tpu.memref_slice %arg4[%add3A_36, %dma_start3A_37] : memref<50176x64xf32, #tpu.memory_space<hbm>> -> memref<784x64xf32, #tpu.memory_space<hbm>>
    %dma_start3A_39 = arith.constant 0 : i32
    %dma_start3A_40 = tpu.memref_slice %arg4[%add3A_36, %dma_start3A_39] : memref<50176x64xf32, #tpu.memory_space<hbm>> -> memref<784x64xf32, #tpu.memory_space<hbm>>
    tpu.enqueue_dma source(%arg8 : memref<784x64xf32, #tpu.memory_space<vmem>>) target(%dma_start3A_40 : memref<784x64xf32, #tpu.memory_space<hbm>>) target_semaphore(%arg12 : memref<!tpu.dma_semaphore, #tpu.memory_space<semaphore_mem>>)
    %dma_wait3A_41 = arith.constant 0 : i32
    %dma_wait3A_42 = tpu.memref_slice %arg4[%add3A_25, %dma_wait3A_41] : memref<50176x64xf32, #tpu.memory_space<hbm>> -> memref<784x64xf32, #tpu.memory_space<hbm>>
    %dma_wait3A_43 = arith.constant 0 : i32
    %dma_wait3A_44 = tpu.memref_slice %arg4[%add3A_25, %dma_wait3A_43] : memref<50176x64xf32, #tpu.memory_space<hbm>> -> memref<784x64xf32, #tpu.memory_space<hbm>>
    tpu.wait_dma2 semaphore(%arg11 : memref<!tpu.dma_semaphore, #tpu.memory_space<semaphore_mem>>) src(%arg7 : memref<784x64xf32, #tpu.memory_space<vmem>>) dst(%dma_wait3A_44 : memref<784x64xf32, #tpu.memory_space<hbm>>)
    %dma_wait3A_45 = arith.constant 0 : i32
    %dma_wait3A_46 = tpu.memref_slice %arg4[%add3A_36, %dma_wait3A_45] : memref<50176x64xf32, #tpu.memory_space<hbm>> -> memref<784x64xf32, #tpu.memory_space<hbm>>
    %dma_wait3A_47 = arith.constant 0 : i32
    %dma_wait3A_48 = tpu.memref_slice %arg4[%add3A_36, %dma_wait3A_47] : memref<50176x64xf32, #tpu.memory_space<hbm>> -> memref<784x64xf32, #tpu.memory_space<hbm>>
    tpu.wait_dma2 semaphore(%arg12 : memref<!tpu.dma_semaphore, #tpu.memory_space<semaphore_mem>>) src(%arg8 : memref<784x64xf32, #tpu.memory_space<vmem>>) dst(%dma_wait3A_48 : memref<784x64xf32, #tpu.memory_space<hbm>>)
    return
  }
}

module attributes {stable_mosaic.version = 14 : i64} {
  func.func @_hash_body(%arg0: i32, %arg1: memref<16x224x224xf32, #tpu.memory_space<vmem>>, %arg2: memref<224x224xi32, #tpu.memory_space<vmem>>) attributes {dimension_semantics = [#tpu.dimension_semantics<arbitrary>], iteration_bounds = array<i64: 6>, scalar_prefetch = 0 : i64, scratch_operands = 0 : i64, tpu.core_type = #tpu.core_type<tc>, window_params = [{transform_indices = @transform_0, window_bounds = array<i64: 16, 224, 224>}, {pipeline_mode = #tpu.pipeline_mode<synchronous>, transform_indices = @transform_1, window_bounds = array<i64: 224, 224>}]} {
    %get3A = arith.constant 0 : index
    %get3A_0 = arith.constant 0 : index
    %get3A_1 = arith.constant 0 : index
    %get3A_2 = vector.load %arg1[%get3A, %get3A_0, %get3A_1] : memref<16x224x224xf32, #tpu.memory_space<vmem>>, vector<16x224x224xf32>
    %mul3A = arith.constant 1.000000e+02 : f32
    %mul3A_3 = vector.broadcast %mul3A : f32 to vector<16x224x224xf32>
    %mul3A_4 = arith.mulf %get3A_2, %mul3A_3 : vector<16x224x224xf32>
    %convert_element_type3A = arith.fptosi %mul3A_4 : vector<16x224x224xf32> to vector<16x224x224xi32>
    %slice3A = vector.extract_strided_slice %convert_element_type3A {offsets = [0, 0, 0], sizes = [16, 224, 1], strides = [1, 1, 1]} : vector<16x224x224xi32> to vector<16x224x1xi32>
    %slice3A_5 = vector.extract_strided_slice %convert_element_type3A {offsets = [0, 0, 0], sizes = [16, 224, 223], strides = [1, 1, 1]} : vector<16x224x224xi32> to vector<16x224x223xi32>
    %concatenate3A = tpu.concatenate %slice3A, %slice3A_5 in 2 : vector<16x224x1xi32>, vector<16x224x223xi32> -> vector<16x224x224xi32>
    %slice3A_6 = vector.extract_strided_slice %convert_element_type3A {offsets = [0, 0, 1], sizes = [16, 224, 223], strides = [1, 1, 1]} : vector<16x224x224xi32> to vector<16x224x223xi32>
    %slice3A_7 = vector.extract_strided_slice %convert_element_type3A {offsets = [0, 0, 223], sizes = [16, 224, 1], strides = [1, 1, 1]} : vector<16x224x224xi32> to vector<16x224x1xi32>
    %concatenate3A_8 = tpu.concatenate %slice3A_6, %slice3A_7 in 2 : vector<16x224x223xi32>, vector<16x224x1xi32> -> vector<16x224x224xi32>
    %add3A = arith.addi %concatenate3A, %convert_element_type3A : vector<16x224x224xi32>
    %add3A_9 = arith.addi %add3A, %concatenate3A_8 : vector<16x224x224xi32>
    %slice3A_10 = vector.extract_strided_slice %add3A_9 {offsets = [0, 0, 0], sizes = [16, 1, 224], strides = [1, 1, 1]} : vector<16x224x224xi32> to vector<16x1x224xi32>
    %slice3A_11 = vector.extract_strided_slice %add3A_9 {offsets = [0, 0, 0], sizes = [16, 223, 224], strides = [1, 1, 1]} : vector<16x224x224xi32> to vector<16x223x224xi32>
    %concatenate3A_12 = tpu.concatenate %slice3A_10, %slice3A_11 in 1 : vector<16x1x224xi32>, vector<16x223x224xi32> -> vector<16x224x224xi32>
    %slice3A_13 = vector.extract_strided_slice %add3A_9 {offsets = [0, 1, 0], sizes = [16, 223, 224], strides = [1, 1, 1]} : vector<16x224x224xi32> to vector<16x223x224xi32>
    %slice3A_14 = vector.extract_strided_slice %add3A_9 {offsets = [0, 223, 0], sizes = [16, 1, 224], strides = [1, 1, 1]} : vector<16x224x224xi32> to vector<16x1x224xi32>
    %concatenate3A_15 = tpu.concatenate %slice3A_13, %slice3A_14 in 1 : vector<16x223x224xi32>, vector<16x1x224xi32> -> vector<16x224x224xi32>
    %add3A_16 = arith.addi %concatenate3A_12, %add3A_9 : vector<16x224x224xi32>
    %add3A_17 = arith.addi %add3A_16, %concatenate3A_15 : vector<16x224x224xi32>
    %abs3A = math.absi %add3A_17 : vector<16x224x224xi32>
    %convert_element_type3A_18 = arith.sitofp %abs3A : vector<16x224x224xi32> to vector<16x224x224xf32>
    %mul3A_19 = arith.constant 9.99999974E-6 : f32
    %mul3A_20 = vector.broadcast %mul3A_19 : f32 to vector<16x224x224xf32>
    %mul3A_21 = arith.mulf %convert_element_type3A_18, %mul3A_20 : vector<16x224x224xf32>
    %convert_element_type3A_22 = arith.fptosi %mul3A_21 : vector<16x224x224xf32> to vector<16x224x224xi32>
    %mul3A_23 = arith.constant 100000 : i32
    %mul3A_24 = vector.broadcast %mul3A_23 : i32 to vector<16x224x224xi32>
    %mul3A_25 = arith.muli %convert_element_type3A_22, %mul3A_24 : vector<16x224x224xi32>
    %sub3A = arith.subi %abs3A, %mul3A_25 : vector<16x224x224xi32>
    %lt3A = arith.constant 0 : i32
    %lt3A_26 = vector.broadcast %lt3A : i32 to vector<16x224x224xi32>
    %lt3A_27 = arith.cmpi slt, %sub3A, %lt3A_26 : vector<16x224x224xi32>
    %add3A_28 = arith.constant 100000 : i32
    %add3A_29 = vector.broadcast %add3A_28 : i32 to vector<16x224x224xi32>
    %add3A_30 = arith.addi %sub3A, %add3A_29 : vector<16x224x224xi32>
    %select_n3A = arith.select %lt3A_27, %add3A_30, %sub3A : vector<16x224x224xi1>, vector<16x224x224xi32>
    %ge3A = arith.constant 100000 : i32
    %ge3A_31 = vector.broadcast %ge3A : i32 to vector<16x224x224xi32>
    %ge3A_32 = arith.cmpi sge, %select_n3A, %ge3A_31 : vector<16x224x224xi32>
    %sub3A_33 = arith.constant 100000 : i32
    %sub3A_34 = vector.broadcast %sub3A_33 : i32 to vector<16x224x224xi32>
    %sub3A_35 = arith.subi %select_n3A, %sub3A_34 : vector<16x224x224xi32>
    %select_n3A_36 = arith.select %ge3A_32, %sub3A_35, %select_n3A : vector<16x224x224xi1>, vector<16x224x224xi32>
    %reduce_sum3A = arith.constant dense<0> : vector<224x224xi32>
    %reduce_sum3A_37 = vector.multi_reduction <add>, %select_n3A_36, %reduce_sum3A [0] : vector<16x224x224xi32> to vector<224x224xi32>
    %eq3A = arith.constant 0 : i32
    %eq3A_38 = arith.cmpi eq, %arg0, %eq3A : i32
    %convert_element_type3A_39 = arith.extui %eq3A_38 : i1 to i32
    %cond3A = arith.constant 0 : i32
    %cond3A_40 = arith.cmpi ne, %convert_element_type3A_39, %cond3A : i32
    scf.if %cond3A_40 {
      %swap3A = arith.constant 0 : index
      %swap3A_45 = arith.constant 0 : index
      %swap3A_46 = vector.load %arg2[%swap3A, %swap3A_45] : memref<224x224xi32, #tpu.memory_space<vmem>>, vector<224x224xi32>
      tpu.vector_store %arg2[%swap3A, %swap3A_45], %reduce_sum3A_37 {strides = array<i32>} : memref<224x224xi32, #tpu.memory_space<vmem>>, vector<224x224xi32>,
    } else {
    }
    %ne3A = arith.constant 0 : i32
    %ne3A_41 = arith.cmpi ne, %arg0, %ne3A : i32
    %convert_element_type3A_42 = arith.extui %ne3A_41 : i1 to i32
    %cond3A_43 = arith.constant 0 : i32
    %cond3A_44 = arith.cmpi ne, %convert_element_type3A_42, %cond3A_43 : i32
    scf.if %cond3A_44 {
      %get3A_45 = arith.constant 0 : index
      %get3A_46 = arith.constant 0 : index
      %get3A_47 = vector.load %arg2[%get3A_45, %get3A_46] : memref<224x224xi32, #tpu.memory_space<vmem>>, vector<224x224xi32>
      %add3A_48 = arith.addi %get3A_47, %reduce_sum3A_37 : vector<224x224xi32>
      %swap3A = arith.constant 0 : index
      %swap3A_49 = arith.constant 0 : index
      %swap3A_50 = vector.load %arg2[%swap3A, %swap3A_49] : memref<224x224xi32, #tpu.memory_space<vmem>>, vector<224x224xi32>
      tpu.vector_store %arg2[%swap3A, %swap3A_49], %add3A_48 {strides = array<i32>} : memref<224x224xi32, #tpu.memory_space<vmem>>, vector<224x224xi32>,
    } else {
    }
    return
  }
  func.func @transform_0(%arg0: i32) -> (i32, i32, i32) {
    %add3A = arith.constant 0 : i32
    %add3A_0 = arith.addi %add3A, %arg0 : i32
    %c0_i32 = arith.constant 0 : i32
    %c0_i32_1 = arith.constant 0 : i32
    %c0_i32_2 = arith.constant 0 : i32
    return %add3A_0, %c0_i32, %c0_i32_1 : i32, i32, i32
  }
  func.func @transform_1(%arg0: i32) -> (i32, i32) {
    %c0_i32 = arith.constant 0 : i32
    %c0_i32_0 = arith.constant 0 : i32
    %c0_i32_1 = arith.constant 0 : i32
    return %c0_i32, %c0_i32_0 : i32, i32
  }
}

module attributes {stable_mosaic.version = 14 : i64} {
  func.func @_hash_body(%arg0: i32, %arg1: memref<16x224x224xf32, #tpu.memory_space<vmem>>, %arg2: memref<224x224xi32, #tpu.memory_space<vmem>>) attributes {dimension_semantics = [#tpu.dimension_semantics<arbitrary>], iteration_bounds = array<i64: 6>, scalar_prefetch = 0 : i64, scratch_operands = 0 : i64, tpu.core_type = #tpu.core_type<tc>, window_params = [{transform_indices = @transform_0, window_bounds = array<i64: 16, 224, 224>}, {pipeline_mode = #tpu.pipeline_mode<synchronous>, transform_indices = @transform_1, window_bounds = array<i64: 224, 224>}]} {
    %get3A = arith.constant 0 : index
    %get3A_0 = arith.constant 0 : index
    %get3A_1 = arith.constant 0 : index
    %get3A_2 = vector.load %arg1[%get3A, %get3A_0, %get3A_1] : memref<16x224x224xf32, #tpu.memory_space<vmem>>, vector<16x224x224xf32>
    %mul3A = arith.constant 1.000000e+02 : f32
    %mul3A_3 = vector.broadcast %mul3A : f32 to vector<16x224x224xf32>
    %mul3A_4 = arith.mulf %get3A_2, %mul3A_3 : vector<16x224x224xf32>
    %convert_element_type3A = arith.fptosi %mul3A_4 : vector<16x224x224xf32> to vector<16x224x224xi32>
    %slice3A = vector.extract_strided_slice %convert_element_type3A {offsets = [0, 0, 0], sizes = [16, 224, 1], strides = [1, 1, 1]} : vector<16x224x224xi32> to vector<16x224x1xi32>
    %slice3A_5 = vector.extract_strided_slice %convert_element_type3A {offsets = [0, 0, 0], sizes = [16, 224, 223], strides = [1, 1, 1]} : vector<16x224x224xi32> to vector<16x224x223xi32>
    %concatenate3A = tpu.concatenate %slice3A, %slice3A_5 in 2 : vector<16x224x1xi32>, vector<16x224x223xi32> -> vector<16x224x224xi32>
    %slice3A_6 = vector.extract_strided_slice %convert_element_type3A {offsets = [0, 0, 1], sizes = [16, 224, 223], strides = [1, 1, 1]} : vector<16x224x224xi32> to vector<16x224x223xi32>
    %slice3A_7 = vector.extract_strided_slice %convert_element_type3A {offsets = [0, 0, 223], sizes = [16, 224, 1], strides = [1, 1, 1]} : vector<16x224x224xi32> to vector<16x224x1xi32>
    %concatenate3A_8 = tpu.concatenate %slice3A_6, %slice3A_7 in 2 : vector<16x224x223xi32>, vector<16x224x1xi32> -> vector<16x224x224xi32>
    %add3A = arith.addi %concatenate3A, %convert_element_type3A : vector<16x224x224xi32>
    %add3A_9 = arith.addi %add3A, %concatenate3A_8 : vector<16x224x224xi32>
    %slice3A_10 = vector.extract_strided_slice %add3A_9 {offsets = [0, 0, 0], sizes = [16, 1, 224], strides = [1, 1, 1]} : vector<16x224x224xi32> to vector<16x1x224xi32>
    %slice3A_11 = vector.extract_strided_slice %add3A_9 {offsets = [0, 0, 0], sizes = [16, 223, 224], strides = [1, 1, 1]} : vector<16x224x224xi32> to vector<16x223x224xi32>
    %concatenate3A_12 = tpu.concatenate %slice3A_10, %slice3A_11 in 1 : vector<16x1x224xi32>, vector<16x223x224xi32> -> vector<16x224x224xi32>
    %slice3A_13 = vector.extract_strided_slice %add3A_9 {offsets = [0, 1, 0], sizes = [16, 223, 224], strides = [1, 1, 1]} : vector<16x224x224xi32> to vector<16x223x224xi32>
    %slice3A_14 = vector.extract_strided_slice %add3A_9 {offsets = [0, 223, 0], sizes = [16, 1, 224], strides = [1, 1, 1]} : vector<16x224x224xi32> to vector<16x1x224xi32>
    %concatenate3A_15 = tpu.concatenate %slice3A_13, %slice3A_14 in 1 : vector<16x223x224xi32>, vector<16x1x224xi32> -> vector<16x224x224xi32>
    %add3A_16 = arith.addi %concatenate3A_12, %add3A_9 : vector<16x224x224xi32>
    %add3A_17 = arith.addi %add3A_16, %concatenate3A_15 : vector<16x224x224xi32>
    %abs3A = math.absi %add3A_17 : vector<16x224x224xi32>
    %convert_element_type3A_18 = arith.sitofp %abs3A : vector<16x224x224xi32> to vector<16x224x224xf32>
    %mul3A_19 = arith.constant 9.99999974E-6 : f32
    %mul3A_20 = vector.broadcast %mul3A_19 : f32 to vector<16x224x224xf32>
    %mul3A_21 = arith.mulf %convert_element_type3A_18, %mul3A_20 : vector<16x224x224xf32>
    %convert_element_type3A_22 = arith.fptosi %mul3A_21 : vector<16x224x224xf32> to vector<16x224x224xi32>
    %mul3A_23 = arith.constant 100000 : i32
    %mul3A_24 = vector.broadcast %mul3A_23 : i32 to vector<16x224x224xi32>
    %mul3A_25 = arith.muli %convert_element_type3A_22, %mul3A_24 : vector<16x224x224xi32>
    %sub3A = arith.subi %abs3A, %mul3A_25 : vector<16x224x224xi32>
    %lt3A = arith.constant 0 : i32
    %lt3A_26 = vector.broadcast %lt3A : i32 to vector<16x224x224xi32>
    %lt3A_27 = arith.cmpi slt, %sub3A, %lt3A_26 : vector<16x224x224xi32>
    %add3A_28 = arith.constant 100000 : i32
    %add3A_29 = vector.broadcast %add3A_28 : i32 to vector<16x224x224xi32>
    %add3A_30 = arith.addi %sub3A, %add3A_29 : vector<16x224x224xi32>
    %select_n3A = arith.select %lt3A_27, %add3A_30, %sub3A : vector<16x224x224xi1>, vector<16x224x224xi32>
    %ge3A = arith.constant 100000 : i32
    %ge3A_31 = vector.broadcast %ge3A : i32 to vector<16x224x224xi32>
    %ge3A_32 = arith.cmpi sge, %select_n3A, %ge3A_31 : vector<16x224x224xi32>
    %sub3A_33 = arith.constant 100000 : i32
    %sub3A_34 = vector.broadcast %sub3A_33 : i32 to vector<16x224x224xi32>
    %sub3A_35 = arith.subi %select_n3A, %sub3A_34 : vector<16x224x224xi32>
    %select_n3A_36 = arith.select %ge3A_32, %sub3A_35, %select_n3A : vector<16x224x224xi1>, vector<16x224x224xi32>
    %reduce_sum3A = arith.constant dense<0> : vector<224x224xi32>
    %reduce_sum3A_37 = vector.multi_reduction <add>, %select_n3A_36, %reduce_sum3A [0] : vector<16x224x224xi32> to vector<224x224xi32>
    %eq3A = arith.constant 0 : i32
    %eq3A_38 = arith.cmpi eq, %arg0, %eq3A : i32
    %convert_element_type3A_39 = arith.extui %eq3A_38 : i1 to i32
    %cond3A = arith.constant 0 : i32
    %cond3A_40 = arith.cmpi ne, %convert_element_type3A_39, %cond3A : i32
    scf.if %cond3A_40 {
      %swap3A = arith.constant 0 : index
      %swap3A_45 = arith.constant 0 : index
      %swap3A_46 = vector.load %arg2[%swap3A, %swap3A_45] : memref<224x224xi32, #tpu.memory_space<vmem>>, vector<224x224xi32>
      tpu.vector_store %arg2[%swap3A, %swap3A_45], %reduce_sum3A_37 {strides = array<i32>} : memref<224x224xi32, #tpu.memory_space<vmem>>, vector<224x224xi32>,
    } else {
    }
    %ne3A = arith.constant 0 : i32
    %ne3A_41 = arith.cmpi ne, %arg0, %ne3A : i32
    %convert_element_type3A_42 = arith.extui %ne3A_41 : i1 to i32
    %cond3A_43 = arith.constant 0 : i32
    %cond3A_44 = arith.cmpi ne, %convert_element_type3A_42, %cond3A_43 : i32
    scf.if %cond3A_44 {
      %get3A_45 = arith.constant 0 : index
      %get3A_46 = arith.constant 0 : index
      %get3A_47 = vector.load %arg2[%get3A_45, %get3A_46] : memref<224x224xi32, #tpu.memory_space<vmem>>, vector<224x224xi32>
      %add3A_48 = arith.addi %get3A_47, %reduce_sum3A_37 : vector<224x224xi32>
      %swap3A = arith.constant 0 : index
      %swap3A_49 = arith.constant 0 : index
      %swap3A_50 = vector.load %arg2[%swap3A, %swap3A_49] : memref<224x224xi32, #tpu.memory_space<vmem>>, vector<224x224xi32>
      tpu.vector_store %arg2[%swap3A, %swap3A_49], %add3A_48 {strides = array<i32>} : memref<224x224xi32, #tpu.memory_space<vmem>>, vector<224x224xi32>,
    } else {
    }
    return
  }
  func.func @transform_0(%arg0: i32) -> (i32, i32, i32) {
    %add3A = arith.constant 6 : i32
    %add3A_0 = arith.addi %add3A, %arg0 : i32
    %c0_i32 = arith.constant 0 : i32
    %c0_i32_1 = arith.constant 0 : i32
    %c0_i32_2 = arith.constant 0 : i32
    return %add3A_0, %c0_i32, %c0_i32_1 : i32, i32, i32
  }
  func.func @transform_1(%arg0: i32) -> (i32, i32) {
    %c0_i32 = arith.constant 0 : i32
    %c0_i32_0 = arith.constant 0 : i32
    %c0_i32_1 = arith.constant 0 : i32
    return %c0_i32, %c0_i32_0 : i32, i32
  }
}

module attributes {stable_mosaic.version = 14 : i64} {
  func.func @_hash_body(%arg0: i32, %arg1: memref<16x224x224xf32, #tpu.memory_space<vmem>>, %arg2: memref<224x224xi32, #tpu.memory_space<vmem>>) attributes {dimension_semantics = [#tpu.dimension_semantics<arbitrary>], iteration_bounds = array<i64: 6>, scalar_prefetch = 0 : i64, scratch_operands = 0 : i64, tpu.core_type = #tpu.core_type<tc>, window_params = [{transform_indices = @transform_0, window_bounds = array<i64: 16, 224, 224>}, {pipeline_mode = #tpu.pipeline_mode<synchronous>, transform_indices = @transform_1, window_bounds = array<i64: 224, 224>}]} {
    %get3A = arith.constant 0 : index
    %get3A_0 = arith.constant 0 : index
    %get3A_1 = arith.constant 0 : index
    %get3A_2 = vector.load %arg1[%get3A, %get3A_0, %get3A_1] : memref<16x224x224xf32, #tpu.memory_space<vmem>>, vector<16x224x224xf32>
    %mul3A = arith.constant 1.000000e+02 : f32
    %mul3A_3 = vector.broadcast %mul3A : f32 to vector<16x224x224xf32>
    %mul3A_4 = arith.mulf %get3A_2, %mul3A_3 : vector<16x224x224xf32>
    %convert_element_type3A = arith.fptosi %mul3A_4 : vector<16x224x224xf32> to vector<16x224x224xi32>
    %slice3A = vector.extract_strided_slice %convert_element_type3A {offsets = [0, 0, 0], sizes = [16, 224, 1], strides = [1, 1, 1]} : vector<16x224x224xi32> to vector<16x224x1xi32>
    %slice3A_5 = vector.extract_strided_slice %convert_element_type3A {offsets = [0, 0, 0], sizes = [16, 224, 223], strides = [1, 1, 1]} : vector<16x224x224xi32> to vector<16x224x223xi32>
    %concatenate3A = tpu.concatenate %slice3A, %slice3A_5 in 2 : vector<16x224x1xi32>, vector<16x224x223xi32> -> vector<16x224x224xi32>
    %slice3A_6 = vector.extract_strided_slice %convert_element_type3A {offsets = [0, 0, 1], sizes = [16, 224, 223], strides = [1, 1, 1]} : vector<16x224x224xi32> to vector<16x224x223xi32>
    %slice3A_7 = vector.extract_strided_slice %convert_element_type3A {offsets = [0, 0, 223], sizes = [16, 224, 1], strides = [1, 1, 1]} : vector<16x224x224xi32> to vector<16x224x1xi32>
    %concatenate3A_8 = tpu.concatenate %slice3A_6, %slice3A_7 in 2 : vector<16x224x223xi32>, vector<16x224x1xi32> -> vector<16x224x224xi32>
    %add3A = arith.addi %concatenate3A, %convert_element_type3A : vector<16x224x224xi32>
    %add3A_9 = arith.addi %add3A, %concatenate3A_8 : vector<16x224x224xi32>
    %slice3A_10 = vector.extract_strided_slice %add3A_9 {offsets = [0, 0, 0], sizes = [16, 1, 224], strides = [1, 1, 1]} : vector<16x224x224xi32> to vector<16x1x224xi32>
    %slice3A_11 = vector.extract_strided_slice %add3A_9 {offsets = [0, 0, 0], sizes = [16, 223, 224], strides = [1, 1, 1]} : vector<16x224x224xi32> to vector<16x223x224xi32>
    %concatenate3A_12 = tpu.concatenate %slice3A_10, %slice3A_11 in 1 : vector<16x1x224xi32>, vector<16x223x224xi32> -> vector<16x224x224xi32>
    %slice3A_13 = vector.extract_strided_slice %add3A_9 {offsets = [0, 1, 0], sizes = [16, 223, 224], strides = [1, 1, 1]} : vector<16x224x224xi32> to vector<16x223x224xi32>
    %slice3A_14 = vector.extract_strided_slice %add3A_9 {offsets = [0, 223, 0], sizes = [16, 1, 224], strides = [1, 1, 1]} : vector<16x224x224xi32> to vector<16x1x224xi32>
    %concatenate3A_15 = tpu.concatenate %slice3A_13, %slice3A_14 in 1 : vector<16x223x224xi32>, vector<16x1x224xi32> -> vector<16x224x224xi32>
    %add3A_16 = arith.addi %concatenate3A_12, %add3A_9 : vector<16x224x224xi32>
    %add3A_17 = arith.addi %add3A_16, %concatenate3A_15 : vector<16x224x224xi32>
    %abs3A = math.absi %add3A_17 : vector<16x224x224xi32>
    %convert_element_type3A_18 = arith.sitofp %abs3A : vector<16x224x224xi32> to vector<16x224x224xf32>
    %mul3A_19 = arith.constant 9.99999974E-6 : f32
    %mul3A_20 = vector.broadcast %mul3A_19 : f32 to vector<16x224x224xf32>
    %mul3A_21 = arith.mulf %convert_element_type3A_18, %mul3A_20 : vector<16x224x224xf32>
    %convert_element_type3A_22 = arith.fptosi %mul3A_21 : vector<16x224x224xf32> to vector<16x224x224xi32>
    %mul3A_23 = arith.constant 100000 : i32
    %mul3A_24 = vector.broadcast %mul3A_23 : i32 to vector<16x224x224xi32>
    %mul3A_25 = arith.muli %convert_element_type3A_22, %mul3A_24 : vector<16x224x224xi32>
    %sub3A = arith.subi %abs3A, %mul3A_25 : vector<16x224x224xi32>
    %lt3A = arith.constant 0 : i32
    %lt3A_26 = vector.broadcast %lt3A : i32 to vector<16x224x224xi32>
    %lt3A_27 = arith.cmpi slt, %sub3A, %lt3A_26 : vector<16x224x224xi32>
    %add3A_28 = arith.constant 100000 : i32
    %add3A_29 = vector.broadcast %add3A_28 : i32 to vector<16x224x224xi32>
    %add3A_30 = arith.addi %sub3A, %add3A_29 : vector<16x224x224xi32>
    %select_n3A = arith.select %lt3A_27, %add3A_30, %sub3A : vector<16x224x224xi1>, vector<16x224x224xi32>
    %ge3A = arith.constant 100000 : i32
    %ge3A_31 = vector.broadcast %ge3A : i32 to vector<16x224x224xi32>
    %ge3A_32 = arith.cmpi sge, %select_n3A, %ge3A_31 : vector<16x224x224xi32>
    %sub3A_33 = arith.constant 100000 : i32
    %sub3A_34 = vector.broadcast %sub3A_33 : i32 to vector<16x224x224xi32>
    %sub3A_35 = arith.subi %select_n3A, %sub3A_34 : vector<16x224x224xi32>
    %select_n3A_36 = arith.select %ge3A_32, %sub3A_35, %select_n3A : vector<16x224x224xi1>, vector<16x224x224xi32>
    %reduce_sum3A = arith.constant dense<0> : vector<224x224xi32>
    %reduce_sum3A_37 = vector.multi_reduction <add>, %select_n3A_36, %reduce_sum3A [0] : vector<16x224x224xi32> to vector<224x224xi32>
    %eq3A = arith.constant 0 : i32
    %eq3A_38 = arith.cmpi eq, %arg0, %eq3A : i32
    %convert_element_type3A_39 = arith.extui %eq3A_38 : i1 to i32
    %cond3A = arith.constant 0 : i32
    %cond3A_40 = arith.cmpi ne, %convert_element_type3A_39, %cond3A : i32
    scf.if %cond3A_40 {
      %swap3A = arith.constant 0 : index
      %swap3A_45 = arith.constant 0 : index
      %swap3A_46 = vector.load %arg2[%swap3A, %swap3A_45] : memref<224x224xi32, #tpu.memory_space<vmem>>, vector<224x224xi32>
      tpu.vector_store %arg2[%swap3A, %swap3A_45], %reduce_sum3A_37 {strides = array<i32>} : memref<224x224xi32, #tpu.memory_space<vmem>>, vector<224x224xi32>,
    } else {
    }
    %ne3A = arith.constant 0 : i32
    %ne3A_41 = arith.cmpi ne, %arg0, %ne3A : i32
    %convert_element_type3A_42 = arith.extui %ne3A_41 : i1 to i32
    %cond3A_43 = arith.constant 0 : i32
    %cond3A_44 = arith.cmpi ne, %convert_element_type3A_42, %cond3A_43 : i32
    scf.if %cond3A_44 {
      %get3A_45 = arith.constant 0 : index
      %get3A_46 = arith.constant 0 : index
      %get3A_47 = vector.load %arg2[%get3A_45, %get3A_46] : memref<224x224xi32, #tpu.memory_space<vmem>>, vector<224x224xi32>
      %add3A_48 = arith.addi %get3A_47, %reduce_sum3A_37 : vector<224x224xi32>
      %swap3A = arith.constant 0 : index
      %swap3A_49 = arith.constant 0 : index
      %swap3A_50 = vector.load %arg2[%swap3A, %swap3A_49] : memref<224x224xi32, #tpu.memory_space<vmem>>, vector<224x224xi32>
      tpu.vector_store %arg2[%swap3A, %swap3A_49], %add3A_48 {strides = array<i32>} : memref<224x224xi32, #tpu.memory_space<vmem>>, vector<224x224xi32>,
    } else {
    }
    return
  }
  func.func @transform_0(%arg0: i32) -> (i32, i32, i32) {
    %add3A = arith.constant 12 : i32
    %add3A_0 = arith.addi %add3A, %arg0 : i32
    %c0_i32 = arith.constant 0 : i32
    %c0_i32_1 = arith.constant 0 : i32
    %c0_i32_2 = arith.constant 0 : i32
    return %add3A_0, %c0_i32, %c0_i32_1 : i32, i32, i32
  }
  func.func @transform_1(%arg0: i32) -> (i32, i32) {
    %c0_i32 = arith.constant 0 : i32
    %c0_i32_0 = arith.constant 0 : i32
    %c0_i32_1 = arith.constant 0 : i32
    return %c0_i32, %c0_i32_0 : i32, i32
  }
}

module attributes {stable_mosaic.version = 14 : i64} {
  func.func @_hash_body(%arg0: i32, %arg1: memref<16x224x224xf32, #tpu.memory_space<vmem>>, %arg2: memref<224x224xi32, #tpu.memory_space<vmem>>) attributes {dimension_semantics = [#tpu.dimension_semantics<arbitrary>], iteration_bounds = array<i64: 6>, scalar_prefetch = 0 : i64, scratch_operands = 0 : i64, tpu.core_type = #tpu.core_type<tc>, window_params = [{transform_indices = @transform_0, window_bounds = array<i64: 16, 224, 224>}, {pipeline_mode = #tpu.pipeline_mode<synchronous>, transform_indices = @transform_1, window_bounds = array<i64: 224, 224>}]} {
    %get3A = arith.constant 0 : index
    %get3A_0 = arith.constant 0 : index
    %get3A_1 = arith.constant 0 : index
    %get3A_2 = vector.load %arg1[%get3A, %get3A_0, %get3A_1] : memref<16x224x224xf32, #tpu.memory_space<vmem>>, vector<16x224x224xf32>
    %mul3A = arith.constant 1.000000e+02 : f32
    %mul3A_3 = vector.broadcast %mul3A : f32 to vector<16x224x224xf32>
    %mul3A_4 = arith.mulf %get3A_2, %mul3A_3 : vector<16x224x224xf32>
    %convert_element_type3A = arith.fptosi %mul3A_4 : vector<16x224x224xf32> to vector<16x224x224xi32>
    %slice3A = vector.extract_strided_slice %convert_element_type3A {offsets = [0, 0, 0], sizes = [16, 224, 1], strides = [1, 1, 1]} : vector<16x224x224xi32> to vector<16x224x1xi32>
    %slice3A_5 = vector.extract_strided_slice %convert_element_type3A {offsets = [0, 0, 0], sizes = [16, 224, 223], strides = [1, 1, 1]} : vector<16x224x224xi32> to vector<16x224x223xi32>
    %concatenate3A = tpu.concatenate %slice3A, %slice3A_5 in 2 : vector<16x224x1xi32>, vector<16x224x223xi32> -> vector<16x224x224xi32>
    %slice3A_6 = vector.extract_strided_slice %convert_element_type3A {offsets = [0, 0, 1], sizes = [16, 224, 223], strides = [1, 1, 1]} : vector<16x224x224xi32> to vector<16x224x223xi32>
    %slice3A_7 = vector.extract_strided_slice %convert_element_type3A {offsets = [0, 0, 223], sizes = [16, 224, 1], strides = [1, 1, 1]} : vector<16x224x224xi32> to vector<16x224x1xi32>
    %concatenate3A_8 = tpu.concatenate %slice3A_6, %slice3A_7 in 2 : vector<16x224x223xi32>, vector<16x224x1xi32> -> vector<16x224x224xi32>
    %add3A = arith.addi %concatenate3A, %convert_element_type3A : vector<16x224x224xi32>
    %add3A_9 = arith.addi %add3A, %concatenate3A_8 : vector<16x224x224xi32>
    %slice3A_10 = vector.extract_strided_slice %add3A_9 {offsets = [0, 0, 0], sizes = [16, 1, 224], strides = [1, 1, 1]} : vector<16x224x224xi32> to vector<16x1x224xi32>
    %slice3A_11 = vector.extract_strided_slice %add3A_9 {offsets = [0, 0, 0], sizes = [16, 223, 224], strides = [1, 1, 1]} : vector<16x224x224xi32> to vector<16x223x224xi32>
    %concatenate3A_12 = tpu.concatenate %slice3A_10, %slice3A_11 in 1 : vector<16x1x224xi32>, vector<16x223x224xi32> -> vector<16x224x224xi32>
    %slice3A_13 = vector.extract_strided_slice %add3A_9 {offsets = [0, 1, 0], sizes = [16, 223, 224], strides = [1, 1, 1]} : vector<16x224x224xi32> to vector<16x223x224xi32>
    %slice3A_14 = vector.extract_strided_slice %add3A_9 {offsets = [0, 223, 0], sizes = [16, 1, 224], strides = [1, 1, 1]} : vector<16x224x224xi32> to vector<16x1x224xi32>
    %concatenate3A_15 = tpu.concatenate %slice3A_13, %slice3A_14 in 1 : vector<16x223x224xi32>, vector<16x1x224xi32> -> vector<16x224x224xi32>
    %add3A_16 = arith.addi %concatenate3A_12, %add3A_9 : vector<16x224x224xi32>
    %add3A_17 = arith.addi %add3A_16, %concatenate3A_15 : vector<16x224x224xi32>
    %abs3A = math.absi %add3A_17 : vector<16x224x224xi32>
    %convert_element_type3A_18 = arith.sitofp %abs3A : vector<16x224x224xi32> to vector<16x224x224xf32>
    %mul3A_19 = arith.constant 9.99999974E-6 : f32
    %mul3A_20 = vector.broadcast %mul3A_19 : f32 to vector<16x224x224xf32>
    %mul3A_21 = arith.mulf %convert_element_type3A_18, %mul3A_20 : vector<16x224x224xf32>
    %convert_element_type3A_22 = arith.fptosi %mul3A_21 : vector<16x224x224xf32> to vector<16x224x224xi32>
    %mul3A_23 = arith.constant 100000 : i32
    %mul3A_24 = vector.broadcast %mul3A_23 : i32 to vector<16x224x224xi32>
    %mul3A_25 = arith.muli %convert_element_type3A_22, %mul3A_24 : vector<16x224x224xi32>
    %sub3A = arith.subi %abs3A, %mul3A_25 : vector<16x224x224xi32>
    %lt3A = arith.constant 0 : i32
    %lt3A_26 = vector.broadcast %lt3A : i32 to vector<16x224x224xi32>
    %lt3A_27 = arith.cmpi slt, %sub3A, %lt3A_26 : vector<16x224x224xi32>
    %add3A_28 = arith.constant 100000 : i32
    %add3A_29 = vector.broadcast %add3A_28 : i32 to vector<16x224x224xi32>
    %add3A_30 = arith.addi %sub3A, %add3A_29 : vector<16x224x224xi32>
    %select_n3A = arith.select %lt3A_27, %add3A_30, %sub3A : vector<16x224x224xi1>, vector<16x224x224xi32>
    %ge3A = arith.constant 100000 : i32
    %ge3A_31 = vector.broadcast %ge3A : i32 to vector<16x224x224xi32>
    %ge3A_32 = arith.cmpi sge, %select_n3A, %ge3A_31 : vector<16x224x224xi32>
    %sub3A_33 = arith.constant 100000 : i32
    %sub3A_34 = vector.broadcast %sub3A_33 : i32 to vector<16x224x224xi32>
    %sub3A_35 = arith.subi %select_n3A, %sub3A_34 : vector<16x224x224xi32>
    %select_n3A_36 = arith.select %ge3A_32, %sub3A_35, %select_n3A : vector<16x224x224xi1>, vector<16x224x224xi32>
    %reduce_sum3A = arith.constant dense<0> : vector<224x224xi32>
    %reduce_sum3A_37 = vector.multi_reduction <add>, %select_n3A_36, %reduce_sum3A [0] : vector<16x224x224xi32> to vector<224x224xi32>
    %eq3A = arith.constant 0 : i32
    %eq3A_38 = arith.cmpi eq, %arg0, %eq3A : i32
    %convert_element_type3A_39 = arith.extui %eq3A_38 : i1 to i32
    %cond3A = arith.constant 0 : i32
    %cond3A_40 = arith.cmpi ne, %convert_element_type3A_39, %cond3A : i32
    scf.if %cond3A_40 {
      %swap3A = arith.constant 0 : index
      %swap3A_45 = arith.constant 0 : index
      %swap3A_46 = vector.load %arg2[%swap3A, %swap3A_45] : memref<224x224xi32, #tpu.memory_space<vmem>>, vector<224x224xi32>
      tpu.vector_store %arg2[%swap3A, %swap3A_45], %reduce_sum3A_37 {strides = array<i32>} : memref<224x224xi32, #tpu.memory_space<vmem>>, vector<224x224xi32>,
    } else {
    }
    %ne3A = arith.constant 0 : i32
    %ne3A_41 = arith.cmpi ne, %arg0, %ne3A : i32
    %convert_element_type3A_42 = arith.extui %ne3A_41 : i1 to i32
    %cond3A_43 = arith.constant 0 : i32
    %cond3A_44 = arith.cmpi ne, %convert_element_type3A_42, %cond3A_43 : i32
    scf.if %cond3A_44 {
      %get3A_45 = arith.constant 0 : index
      %get3A_46 = arith.constant 0 : index
      %get3A_47 = vector.load %arg2[%get3A_45, %get3A_46] : memref<224x224xi32, #tpu.memory_space<vmem>>, vector<224x224xi32>
      %add3A_48 = arith.addi %get3A_47, %reduce_sum3A_37 : vector<224x224xi32>
      %swap3A = arith.constant 0 : index
      %swap3A_49 = arith.constant 0 : index
      %swap3A_50 = vector.load %arg2[%swap3A, %swap3A_49] : memref<224x224xi32, #tpu.memory_space<vmem>>, vector<224x224xi32>
      tpu.vector_store %arg2[%swap3A, %swap3A_49], %add3A_48 {strides = array<i32>} : memref<224x224xi32, #tpu.memory_space<vmem>>, vector<224x224xi32>,
    } else {
    }
    return
  }
  func.func @transform_0(%arg0: i32) -> (i32, i32, i32) {
    %add3A = arith.constant 18 : i32
    %add3A_0 = arith.addi %add3A, %arg0 : i32
    %c0_i32 = arith.constant 0 : i32
    %c0_i32_1 = arith.constant 0 : i32
    %c0_i32_2 = arith.constant 0 : i32
    return %add3A_0, %c0_i32, %c0_i32_1 : i32, i32, i32
  }
  func.func @transform_1(%arg0: i32) -> (i32, i32) {
    %c0_i32 = arith.constant 0 : i32
    %c0_i32_0 = arith.constant 0 : i32
    %c0_i32_1 = arith.constant 0 : i32
    return %c0_i32, %c0_i32_0 : i32, i32
  }
}

module attributes {stable_mosaic.version = 14 : i64} {
  func.func @_proj_body_first(%arg0: i32, %arg1: memref<896x128xf32, #tpu.memory_space<vmem>>, %arg2: memref<192x128xf32, #tpu.memory_space<vmem>>, %arg3: memref<96x1xf32, #tpu.memory_space<vmem>>, %arg4: memref<1x96x8x224xf32, #tpu.memory_space<vmem>>) attributes {dimension_semantics = [#tpu.dimension_semantics<arbitrary>], iteration_bounds = array<i64: 28>, scalar_prefetch = 0 : i64, scratch_operands = 0 : i64, tpu.core_type = #tpu.core_type<tc>, window_params = [{transform_indices = @transform_0, window_bounds = array<i64: 896, 128>}, {pipeline_mode = #tpu.pipeline_mode<synchronous>, transform_indices = @transform_1, window_bounds = array<i64: 192, 128>}, {pipeline_mode = #tpu.pipeline_mode<synchronous>, transform_indices = @transform_2, window_bounds = array<i64: 96, 1>}, {transform_indices = @transform_3, window_bounds = array<i64: 1, 96, 8, 224>}]} {
    %get3A = arith.constant 0 : index
    %get3A_0 = arith.constant 0 : index
    %get3A_1 = vector.load %arg2[%get3A, %get3A_0] : memref<192x128xf32, #tpu.memory_space<vmem>>, vector<192x128xf32>
    %get3A_2 = arith.constant 0 : index
    %get3A_3 = arith.constant 0 : index
    %get3A_4 = vector.load %arg3[%get3A_2, %get3A_3] : memref<96x1xf32, #tpu.memory_space<vmem>>, vector<96x1xf32>
    %get3A_5 = arith.constant 0 : index
    %get3A_6 = arith.constant 0 : index
    %get3A_7 = vector.load %arg1[%get3A_5, %get3A_6] : memref<896x128xf32, #tpu.memory_space<vmem>>, vector<224x128xf32>
    %dot_general3A = arith.constant dense<0.000000e+00> : vector<192x224xf32>
    %dot_general3A_8 = tpu.matmul %get3A_1, %get3A_7, %dot_general3A {dimension_numbers = #tpu.dot_dimension_numbers<[1], [1], [0], [0], [0, 0, 1, 0], [], []>, transpose_lhs_hint = false} : vector<192x128xf32>, vector<224x128xf32>, vector<192x224xf32> -> vector<192x224xf32>
    %slice3A = vector.extract_strided_slice %dot_general3A_8 {offsets = [0, 0], sizes = [96, 224], strides = [1, 1]} : vector<192x224xf32> to vector<96x224xf32>
    %add3A = vector.broadcast %get3A_4 : vector<96x1xf32> to vector<96x224xf32>
    %add3A_9 = arith.addf %slice3A, %add3A : vector<96x224xf32>
    %swap3A = arith.constant 0 : index
    %swap3A_10 = arith.constant 0 : index
    %swap3A_11 = arith.constant 0 : index
    %swap3A_12 = arith.constant 0 : index
    %swap3A_13 = vector.load %arg4[%swap3A, %swap3A_10, %swap3A_11, %swap3A_12] : memref<1x96x8x224xf32, #tpu.memory_space<vmem>>, vector<1x96x1x224xf32>
    %swap3A_14 = vector.shape_cast %swap3A_13 : vector<1x96x1x224xf32> to vector<96x224xf32>
    %swap3A_15 = vector.shape_cast %add3A_9 : vector<96x224xf32> to vector<1x96x1x224xf32>
    tpu.vector_store %arg4[%swap3A, %swap3A_10, %swap3A_11, %swap3A_12], %swap3A_15 {strides = array<i32>} : memref<1x96x8x224xf32, #tpu.memory_space<vmem>>, vector<1x96x1x224xf32>,
    %slice3A_16 = vector.extract_strided_slice %dot_general3A_8 {offsets = [96, 0], sizes = [96, 224], strides = [1, 1]} : vector<192x224xf32> to vector<96x224xf32>
    %add3A_17 = vector.broadcast %get3A_4 : vector<96x1xf32> to vector<96x224xf32>
    %add3A_18 = arith.addf %slice3A_16, %add3A_17 : vector<96x224xf32>
    %swap3A_19 = arith.constant 0 : index
    %swap3A_20 = arith.constant 0 : index
    %swap3A_21 = arith.constant 1 : index
    %swap3A_22 = arith.constant 0 : index
    %swap3A_23 = vector.load %arg4[%swap3A_19, %swap3A_20, %swap3A_21, %swap3A_22] : memref<1x96x8x224xf32, #tpu.memory_space<vmem>>, vector<1x96x1x224xf32>
    %swap3A_24 = vector.shape_cast %swap3A_23 : vector<1x96x1x224xf32> to vector<96x224xf32>
    %swap3A_25 = vector.shape_cast %add3A_18 : vector<96x224xf32> to vector<1x96x1x224xf32>
    tpu.vector_store %arg4[%swap3A_19, %swap3A_20, %swap3A_21, %swap3A_22], %swap3A_25 {strides = array<i32>} : memref<1x96x8x224xf32, #tpu.memory_space<vmem>>, vector<1x96x1x224xf32>,
    %get3A_26 = arith.constant 224 : index
    %get3A_27 = arith.constant 0 : index
    %get3A_28 = vector.load %arg1[%get3A_26, %get3A_27] : memref<896x128xf32, #tpu.memory_space<vmem>>, vector<224x128xf32>
    %dot_general3A_29 = arith.constant dense<0.000000e+00> : vector<192x224xf32>
    %dot_general3A_30 = tpu.matmul %get3A_1, %get3A_28, %dot_general3A_29 {dimension_numbers = #tpu.dot_dimension_numbers<[1], [1], [0], [0], [0, 0, 1, 0], [], []>, transpose_lhs_hint = false} : vector<192x128xf32>, vector<224x128xf32>, vector<192x224xf32> -> vector<192x224xf32>
    %slice3A_31 = vector.extract_strided_slice %dot_general3A_30 {offsets = [0, 0], sizes = [96, 224], strides = [1, 1]} : vector<192x224xf32> to vector<96x224xf32>
    %add3A_32 = vector.broadcast %get3A_4 : vector<96x1xf32> to vector<96x224xf32>
    %add3A_33 = arith.addf %slice3A_31, %add3A_32 : vector<96x224xf32>
    %swap3A_34 = arith.constant 0 : index
    %swap3A_35 = arith.constant 0 : index
    %swap3A_36 = arith.constant 2 : index
    %swap3A_37 = arith.constant 0 : index
    %swap3A_38 = vector.load %arg4[%swap3A_34, %swap3A_35, %swap3A_36, %swap3A_37] : memref<1x96x8x224xf32, #tpu.memory_space<vmem>>, vector<1x96x1x224xf32>
    %swap3A_39 = vector.shape_cast %swap3A_38 : vector<1x96x1x224xf32> to vector<96x224xf32>
    %swap3A_40 = vector.shape_cast %add3A_33 : vector<96x224xf32> to vector<1x96x1x224xf32>
    tpu.vector_store %arg4[%swap3A_34, %swap3A_35, %swap3A_36, %swap3A_37], %swap3A_40 {strides = array<i32>} : memref<1x96x8x224xf32, #tpu.memory_space<vmem>>, vector<1x96x1x224xf32>,
    %slice3A_41 = vector.extract_strided_slice %dot_general3A_30 {offsets = [96, 0], sizes = [96, 224], strides = [1, 1]} : vector<192x224xf32> to vector<96x224xf32>
    %add3A_42 = vector.broadcast %get3A_4 : vector<96x1xf32> to vector<96x224xf32>
    %add3A_43 = arith.addf %slice3A_41, %add3A_42 : vector<96x224xf32>
    %swap3A_44 = arith.constant 0 : index
    %swap3A_45 = arith.constant 0 : index
    %swap3A_46 = arith.constant 3 : index
    %swap3A_47 = arith.constant 0 : index
    %swap3A_48 = vector.load %arg4[%swap3A_44, %swap3A_45, %swap3A_46, %swap3A_47] : memref<1x96x8x224xf32, #tpu.memory_space<vmem>>, vector<1x96x1x224xf32>
    %swap3A_49 = vector.shape_cast %swap3A_48 : vector<1x96x1x224xf32> to vector<96x224xf32>
    %swap3A_50 = vector.shape_cast %add3A_43 : vector<96x224xf32> to vector<1x96x1x224xf32>
    tpu.vector_store %arg4[%swap3A_44, %swap3A_45, %swap3A_46, %swap3A_47], %swap3A_50 {strides = array<i32>} : memref<1x96x8x224xf32, #tpu.memory_space<vmem>>, vector<1x96x1x224xf32>,
    %get3A_51 = arith.constant 448 : index
    %get3A_52 = arith.constant 0 : index
    %get3A_53 = vector.load %arg1[%get3A_51, %get3A_52] : memref<896x128xf32, #tpu.memory_space<vmem>>, vector<224x128xf32>
    %dot_general3A_54 = arith.constant dense<0.000000e+00> : vector<192x224xf32>
    %dot_general3A_55 = tpu.matmul %get3A_1, %get3A_53, %dot_general3A_54 {dimension_numbers = #tpu.dot_dimension_numbers<[1], [1], [0], [0], [0, 0, 1, 0], [], []>, transpose_lhs_hint = false} : vector<192x128xf32>, vector<224x128xf32>, vector<192x224xf32> -> vector<192x224xf32>
    %slice3A_56 = vector.extract_strided_slice %dot_general3A_55 {offsets = [0, 0], sizes = [96, 224], strides = [1, 1]} : vector<192x224xf32> to vector<96x224xf32>
    %add3A_57 = vector.broadcast %get3A_4 : vector<96x1xf32> to vector<96x224xf32>
    %add3A_58 = arith.addf %slice3A_56, %add3A_57 : vector<96x224xf32>
    %swap3A_59 = arith.constant 0 : index
    %swap3A_60 = arith.constant 0 : index
    %swap3A_61 = arith.constant 4 : index
    %swap3A_62 = arith.constant 0 : index
    %swap3A_63 = vector.load %arg4[%swap3A_59, %swap3A_60, %swap3A_61, %swap3A_62] : memref<1x96x8x224xf32, #tpu.memory_space<vmem>>, vector<1x96x1x224xf32>
    %swap3A_64 = vector.shape_cast %swap3A_63 : vector<1x96x1x224xf32> to vector<96x224xf32>
    %swap3A_65 = vector.shape_cast %add3A_58 : vector<96x224xf32> to vector<1x96x1x224xf32>
    tpu.vector_store %arg4[%swap3A_59, %swap3A_60, %swap3A_61, %swap3A_62], %swap3A_65 {strides = array<i32>} : memref<1x96x8x224xf32, #tpu.memory_space<vmem>>, vector<1x96x1x224xf32>,
    %slice3A_66 = vector.extract_strided_slice %dot_general3A_55 {offsets = [96, 0], sizes = [96, 224], strides = [1, 1]} : vector<192x224xf32> to vector<96x224xf32>
    %add3A_67 = vector.broadcast %get3A_4 : vector<96x1xf32> to vector<96x224xf32>
    %add3A_68 = arith.addf %slice3A_66, %add3A_67 : vector<96x224xf32>
    %swap3A_69 = arith.constant 0 : index
    %swap3A_70 = arith.constant 0 : index
    %swap3A_71 = arith.constant 5 : index
    %swap3A_72 = arith.constant 0 : index
    %swap3A_73 = vector.load %arg4[%swap3A_69, %swap3A_70, %swap3A_71, %swap3A_72] : memref<1x96x8x224xf32, #tpu.memory_space<vmem>>, vector<1x96x1x224xf32>
    %swap3A_74 = vector.shape_cast %swap3A_73 : vector<1x96x1x224xf32> to vector<96x224xf32>
    %swap3A_75 = vector.shape_cast %add3A_68 : vector<96x224xf32> to vector<1x96x1x224xf32>
    tpu.vector_store %arg4[%swap3A_69, %swap3A_70, %swap3A_71, %swap3A_72], %swap3A_75 {strides = array<i32>} : memref<1x96x8x224xf32, #tpu.memory_space<vmem>>, vector<1x96x1x224xf32>,
    %get3A_76 = arith.constant 672 : index
    %get3A_77 = arith.constant 0 : index
    %get3A_78 = vector.load %arg1[%get3A_76, %get3A_77] : memref<896x128xf32, #tpu.memory_space<vmem>>, vector<224x128xf32>
    %dot_general3A_79 = arith.constant dense<0.000000e+00> : vector<192x224xf32>
    %dot_general3A_80 = tpu.matmul %get3A_1, %get3A_78, %dot_general3A_79 {dimension_numbers = #tpu.dot_dimension_numbers<[1], [1], [0], [0], [0, 0, 1, 0], [], []>, transpose_lhs_hint = false} : vector<192x128xf32>, vector<224x128xf32>, vector<192x224xf32> -> vector<192x224xf32>
    %slice3A_81 = vector.extract_strided_slice %dot_general3A_80 {offsets = [0, 0], sizes = [96, 224], strides = [1, 1]} : vector<192x224xf32> to vector<96x224xf32>
    %add3A_82 = vector.broadcast %get3A_4 : vector<96x1xf32> to vector<96x224xf32>
    %add3A_83 = arith.addf %slice3A_81, %add3A_82 : vector<96x224xf32>
    %swap3A_84 = arith.constant 0 : index
    %swap3A_85 = arith.constant 0 : index
    %swap3A_86 = arith.constant 6 : index
    %swap3A_87 = arith.constant 0 : index
    %swap3A_88 = vector.load %arg4[%swap3A_84, %swap3A_85, %swap3A_86, %swap3A_87] : memref<1x96x8x224xf32, #tpu.memory_space<vmem>>, vector<1x96x1x224xf32>
    %swap3A_89 = vector.shape_cast %swap3A_88 : vector<1x96x1x224xf32> to vector<96x224xf32>
    %swap3A_90 = vector.shape_cast %add3A_83 : vector<96x224xf32> to vector<1x96x1x224xf32>
    tpu.vector_store %arg4[%swap3A_84, %swap3A_85, %swap3A_86, %swap3A_87], %swap3A_90 {strides = array<i32>} : memref<1x96x8x224xf32, #tpu.memory_space<vmem>>, vector<1x96x1x224xf32>,
    %slice3A_91 = vector.extract_strided_slice %dot_general3A_80 {offsets = [96, 0], sizes = [96, 224], strides = [1, 1]} : vector<192x224xf32> to vector<96x224xf32>
    %add3A_92 = vector.broadcast %get3A_4 : vector<96x1xf32> to vector<96x224xf32>
    %add3A_93 = arith.addf %slice3A_91, %add3A_92 : vector<96x224xf32>
    %swap3A_94 = arith.constant 0 : index
    %swap3A_95 = arith.constant 0 : index
    %swap3A_96 = arith.constant 7 : index
    %swap3A_97 = arith.constant 0 : index
    %swap3A_98 = vector.load %arg4[%swap3A_94, %swap3A_95, %swap3A_96, %swap3A_97] : memref<1x96x8x224xf32, #tpu.memory_space<vmem>>, vector<1x96x1x224xf32>
    %swap3A_99 = vector.shape_cast %swap3A_98 : vector<1x96x1x224xf32> to vector<96x224xf32>
    %swap3A_100 = vector.shape_cast %add3A_93 : vector<96x224xf32> to vector<1x96x1x224xf32>
    tpu.vector_store %arg4[%swap3A_94, %swap3A_95, %swap3A_96, %swap3A_97], %swap3A_100 {strides = array<i32>} : memref<1x96x8x224xf32, #tpu.memory_space<vmem>>, vector<1x96x1x224xf32>,
    return
  }
  func.func @transform_0(%arg0: i32) -> (i32, i32) {
    %c0_i32 = arith.constant 0 : i32
    %c0_i32_0 = arith.constant 0 : i32
    return %arg0, %c0_i32 : i32, i32
  }
  func.func @transform_1(%arg0: i32) -> (i32, i32) {
    %c0_i32 = arith.constant 0 : i32
    %c0_i32_0 = arith.constant 0 : i32
    %c0_i32_1 = arith.constant 0 : i32
    return %c0_i32, %c0_i32_0 : i32, i32
  }
  func.func @transform_2(%arg0: i32) -> (i32, i32) {
    %c0_i32 = arith.constant 0 : i32
    %c0_i32_0 = arith.constant 0 : i32
    %c0_i32_1 = arith.constant 0 : i32
    return %c0_i32, %c0_i32_0 : i32, i32
  }
  func.func @transform_3(%arg0: i32) -> (i32, i32, i32, i32) {
    %c0_i32 = arith.constant 0 : i32
    %c0_i32_0 = arith.constant 0 : i32
    %c0_i32_1 = arith.constant 0 : i32
    %c0_i32_2 = arith.constant 0 : i32
    return %c0_i32, %c0_i32_0, %arg0, %c0_i32_1 : i32, i32, i32, i32
  }
}

module attributes {stable_mosaic.version = 14 : i64} {
  func.func @_proj_body(%arg0: i32, %arg1: memref<4x96x224x224xf32, #tpu.memory_space<any>>, %arg2: memref<896x128xf32, #tpu.memory_space<vmem>>, %arg3: memref<192x128xf32, #tpu.memory_space<vmem>>, %arg4: memref<96x1xf32, #tpu.memory_space<vmem>>, %arg5: memref<1x96x8x224xf32, #tpu.memory_space<vmem>>) attributes {dimension_semantics = [#tpu.dimension_semantics<arbitrary>], iteration_bounds = array<i64: 28>, scalar_prefetch = 0 : i64, scratch_operands = 0 : i64, tpu.core_type = #tpu.core_type<tc>, window_params = [{}, {transform_indices = @transform_1, window_bounds = array<i64: 896, 128>}, {pipeline_mode = #tpu.pipeline_mode<synchronous>, transform_indices = @transform_2, window_bounds = array<i64: 192, 128>}, {pipeline_mode = #tpu.pipeline_mode<synchronous>, transform_indices = @transform_3, window_bounds = array<i64: 96, 1>}, {transform_indices = @transform_4, window_bounds = array<i64: 1, 96, 8, 224>}]} {
    %get3A = arith.constant 0 : index
    %get3A_0 = arith.constant 0 : index
    %get3A_1 = vector.load %arg3[%get3A, %get3A_0] : memref<192x128xf32, #tpu.memory_space<vmem>>, vector<192x128xf32>
    %get3A_2 = arith.constant 0 : index
    %get3A_3 = arith.constant 0 : index
    %get3A_4 = vector.load %arg4[%get3A_2, %get3A_3] : memref<96x1xf32, #tpu.memory_space<vmem>>, vector<96x1xf32>
    %get3A_5 = arith.constant 0 : index
    %get3A_6 = arith.constant 0 : index
    %get3A_7 = vector.load %arg2[%get3A_5, %get3A_6] : memref<896x128xf32, #tpu.memory_space<vmem>>, vector<224x128xf32>
    %dot_general3A = arith.constant dense<0.000000e+00> : vector<192x224xf32>
    %dot_general3A_8 = tpu.matmul %get3A_1, %get3A_7, %dot_general3A {dimension_numbers = #tpu.dot_dimension_numbers<[1], [1], [0], [0], [0, 0, 1, 0], [], []>, transpose_lhs_hint = false} : vector<192x128xf32>, vector<224x128xf32>, vector<192x224xf32> -> vector<192x224xf32>
    %slice3A = vector.extract_strided_slice %dot_general3A_8 {offsets = [0, 0], sizes = [96, 224], strides = [1, 1]} : vector<192x224xf32> to vector<96x224xf32>
    %add3A = vector.broadcast %get3A_4 : vector<96x1xf32> to vector<96x224xf32>
    %add3A_9 = arith.addf %slice3A, %add3A : vector<96x224xf32>
    %swap3A = arith.constant 0 : index
    %swap3A_10 = arith.constant 0 : index
    %swap3A_11 = arith.constant 0 : index
    %swap3A_12 = arith.constant 0 : index
    %swap3A_13 = vector.load %arg5[%swap3A, %swap3A_10, %swap3A_11, %swap3A_12] : memref<1x96x8x224xf32, #tpu.memory_space<vmem>>, vector<1x96x1x224xf32>
    %swap3A_14 = vector.shape_cast %swap3A_13 : vector<1x96x1x224xf32> to vector<96x224xf32>
    %swap3A_15 = vector.shape_cast %add3A_9 : vector<96x224xf32> to vector<1x96x1x224xf32>
    tpu.vector_store %arg5[%swap3A, %swap3A_10, %swap3A_11, %swap3A_12], %swap3A_15 {strides = array<i32>} : memref<1x96x8x224xf32, #tpu.memory_space<vmem>>, vector<1x96x1x224xf32>,
    %slice3A_16 = vector.extract_strided_slice %dot_general3A_8 {offsets = [96, 0], sizes = [96, 224], strides = [1, 1]} : vector<192x224xf32> to vector<96x224xf32>
    %add3A_17 = vector.broadcast %get3A_4 : vector<96x1xf32> to vector<96x224xf32>
    %add3A_18 = arith.addf %slice3A_16, %add3A_17 : vector<96x224xf32>
    %swap3A_19 = arith.constant 0 : index
    %swap3A_20 = arith.constant 0 : index
    %swap3A_21 = arith.constant 1 : index
    %swap3A_22 = arith.constant 0 : index
    %swap3A_23 = vector.load %arg5[%swap3A_19, %swap3A_20, %swap3A_21, %swap3A_22] : memref<1x96x8x224xf32, #tpu.memory_space<vmem>>, vector<1x96x1x224xf32>
    %swap3A_24 = vector.shape_cast %swap3A_23 : vector<1x96x1x224xf32> to vector<96x224xf32>
    %swap3A_25 = vector.shape_cast %add3A_18 : vector<96x224xf32> to vector<1x96x1x224xf32>
    tpu.vector_store %arg5[%swap3A_19, %swap3A_20, %swap3A_21, %swap3A_22], %swap3A_25 {strides = array<i32>} : memref<1x96x8x224xf32, #tpu.memory_space<vmem>>, vector<1x96x1x224xf32>,
    %get3A_26 = arith.constant 224 : index
    %get3A_27 = arith.constant 0 : index
    %get3A_28 = vector.load %arg2[%get3A_26, %get3A_27] : memref<896x128xf32, #tpu.memory_space<vmem>>, vector<224x128xf32>
    %dot_general3A_29 = arith.constant dense<0.000000e+00> : vector<192x224xf32>
    %dot_general3A_30 = tpu.matmul %get3A_1, %get3A_28, %dot_general3A_29 {dimension_numbers = #tpu.dot_dimension_numbers<[1], [1], [0], [0], [0, 0, 1, 0], [], []>, transpose_lhs_hint = false} : vector<192x128xf32>, vector<224x128xf32>, vector<192x224xf32> -> vector<192x224xf32>
    %slice3A_31 = vector.extract_strided_slice %dot_general3A_30 {offsets = [0, 0], sizes = [96, 224], strides = [1, 1]} : vector<192x224xf32> to vector<96x224xf32>
    %add3A_32 = vector.broadcast %get3A_4 : vector<96x1xf32> to vector<96x224xf32>
    %add3A_33 = arith.addf %slice3A_31, %add3A_32 : vector<96x224xf32>
    %swap3A_34 = arith.constant 0 : index
    %swap3A_35 = arith.constant 0 : index
    %swap3A_36 = arith.constant 2 : index
    %swap3A_37 = arith.constant 0 : index
    %swap3A_38 = vector.load %arg5[%swap3A_34, %swap3A_35, %swap3A_36, %swap3A_37] : memref<1x96x8x224xf32, #tpu.memory_space<vmem>>, vector<1x96x1x224xf32>
    %swap3A_39 = vector.shape_cast %swap3A_38 : vector<1x96x1x224xf32> to vector<96x224xf32>
    %swap3A_40 = vector.shape_cast %add3A_33 : vector<96x224xf32> to vector<1x96x1x224xf32>
    tpu.vector_store %arg5[%swap3A_34, %swap3A_35, %swap3A_36, %swap3A_37], %swap3A_40 {strides = array<i32>} : memref<1x96x8x224xf32, #tpu.memory_space<vmem>>, vector<1x96x1x224xf32>,
    %slice3A_41 = vector.extract_strided_slice %dot_general3A_30 {offsets = [96, 0], sizes = [96, 224], strides = [1, 1]} : vector<192x224xf32> to vector<96x224xf32>
    %add3A_42 = vector.broadcast %get3A_4 : vector<96x1xf32> to vector<96x224xf32>
    %add3A_43 = arith.addf %slice3A_41, %add3A_42 : vector<96x224xf32>
    %swap3A_44 = arith.constant 0 : index
    %swap3A_45 = arith.constant 0 : index
    %swap3A_46 = arith.constant 3 : index
    %swap3A_47 = arith.constant 0 : index
    %swap3A_48 = vector.load %arg5[%swap3A_44, %swap3A_45, %swap3A_46, %swap3A_47] : memref<1x96x8x224xf32, #tpu.memory_space<vmem>>, vector<1x96x1x224xf32>
    %swap3A_49 = vector.shape_cast %swap3A_48 : vector<1x96x1x224xf32> to vector<96x224xf32>
    %swap3A_50 = vector.shape_cast %add3A_43 : vector<96x224xf32> to vector<1x96x1x224xf32>
    tpu.vector_store %arg5[%swap3A_44, %swap3A_45, %swap3A_46, %swap3A_47], %swap3A_50 {strides = array<i32>} : memref<1x96x8x224xf32, #tpu.memory_space<vmem>>, vector<1x96x1x224xf32>,
    %get3A_51 = arith.constant 448 : index
    %get3A_52 = arith.constant 0 : index
    %get3A_53 = vector.load %arg2[%get3A_51, %get3A_52] : memref<896x128xf32, #tpu.memory_space<vmem>>, vector<224x128xf32>
    %dot_general3A_54 = arith.constant dense<0.000000e+00> : vector<192x224xf32>
    %dot_general3A_55 = tpu.matmul %get3A_1, %get3A_53, %dot_general3A_54 {dimension_numbers = #tpu.dot_dimension_numbers<[1], [1], [0], [0], [0, 0, 1, 0], [], []>, transpose_lhs_hint = false} : vector<192x128xf32>, vector<224x128xf32>, vector<192x224xf32> -> vector<192x224xf32>
    %slice3A_56 = vector.extract_strided_slice %dot_general3A_55 {offsets = [0, 0], sizes = [96, 224], strides = [1, 1]} : vector<192x224xf32> to vector<96x224xf32>
    %add3A_57 = vector.broadcast %get3A_4 : vector<96x1xf32> to vector<96x224xf32>
    %add3A_58 = arith.addf %slice3A_56, %add3A_57 : vector<96x224xf32>
    %swap3A_59 = arith.constant 0 : index
    %swap3A_60 = arith.constant 0 : index
    %swap3A_61 = arith.constant 4 : index
    %swap3A_62 = arith.constant 0 : index
    %swap3A_63 = vector.load %arg5[%swap3A_59, %swap3A_60, %swap3A_61, %swap3A_62] : memref<1x96x8x224xf32, #tpu.memory_space<vmem>>, vector<1x96x1x224xf32>
    %swap3A_64 = vector.shape_cast %swap3A_63 : vector<1x96x1x224xf32> to vector<96x224xf32>
    %swap3A_65 = vector.shape_cast %add3A_58 : vector<96x224xf32> to vector<1x96x1x224xf32>
    tpu.vector_store %arg5[%swap3A_59, %swap3A_60, %swap3A_61, %swap3A_62], %swap3A_65 {strides = array<i32>} : memref<1x96x8x224xf32, #tpu.memory_space<vmem>>, vector<1x96x1x224xf32>,
    %slice3A_66 = vector.extract_strided_slice %dot_general3A_55 {offsets = [96, 0], sizes = [96, 224], strides = [1, 1]} : vector<192x224xf32> to vector<96x224xf32>
    %add3A_67 = vector.broadcast %get3A_4 : vector<96x1xf32> to vector<96x224xf32>
    %add3A_68 = arith.addf %slice3A_66, %add3A_67 : vector<96x224xf32>
    %swap3A_69 = arith.constant 0 : index
    %swap3A_70 = arith.constant 0 : index
    %swap3A_71 = arith.constant 5 : index
    %swap3A_72 = arith.constant 0 : index
    %swap3A_73 = vector.load %arg5[%swap3A_69, %swap3A_70, %swap3A_71, %swap3A_72] : memref<1x96x8x224xf32, #tpu.memory_space<vmem>>, vector<1x96x1x224xf32>
    %swap3A_74 = vector.shape_cast %swap3A_73 : vector<1x96x1x224xf32> to vector<96x224xf32>
    %swap3A_75 = vector.shape_cast %add3A_68 : vector<96x224xf32> to vector<1x96x1x224xf32>
    tpu.vector_store %arg5[%swap3A_69, %swap3A_70, %swap3A_71, %swap3A_72], %swap3A_75 {strides = array<i32>} : memref<1x96x8x224xf32, #tpu.memory_space<vmem>>, vector<1x96x1x224xf32>,
    %get3A_76 = arith.constant 672 : index
    %get3A_77 = arith.constant 0 : index
    %get3A_78 = vector.load %arg2[%get3A_76, %get3A_77] : memref<896x128xf32, #tpu.memory_space<vmem>>, vector<224x128xf32>
    %dot_general3A_79 = arith.constant dense<0.000000e+00> : vector<192x224xf32>
    %dot_general3A_80 = tpu.matmul %get3A_1, %get3A_78, %dot_general3A_79 {dimension_numbers = #tpu.dot_dimension_numbers<[1], [1], [0], [0], [0, 0, 1, 0], [], []>, transpose_lhs_hint = false} : vector<192x128xf32>, vector<224x128xf32>, vector<192x224xf32> -> vector<192x224xf32>
    %slice3A_81 = vector.extract_strided_slice %dot_general3A_80 {offsets = [0, 0], sizes = [96, 224], strides = [1, 1]} : vector<192x224xf32> to vector<96x224xf32>
    %add3A_82 = vector.broadcast %get3A_4 : vector<96x1xf32> to vector<96x224xf32>
    %add3A_83 = arith.addf %slice3A_81, %add3A_82 : vector<96x224xf32>
    %swap3A_84 = arith.constant 0 : index
    %swap3A_85 = arith.constant 0 : index
    %swap3A_86 = arith.constant 6 : index
    %swap3A_87 = arith.constant 0 : index
    %swap3A_88 = vector.load %arg5[%swap3A_84, %swap3A_85, %swap3A_86, %swap3A_87] : memref<1x96x8x224xf32, #tpu.memory_space<vmem>>, vector<1x96x1x224xf32>
    %swap3A_89 = vector.shape_cast %swap3A_88 : vector<1x96x1x224xf32> to vector<96x224xf32>
    %swap3A_90 = vector.shape_cast %add3A_83 : vector<96x224xf32> to vector<1x96x1x224xf32>
    tpu.vector_store %arg5[%swap3A_84, %swap3A_85, %swap3A_86, %swap3A_87], %swap3A_90 {strides = array<i32>} : memref<1x96x8x224xf32, #tpu.memory_space<vmem>>, vector<1x96x1x224xf32>,
    %slice3A_91 = vector.extract_strided_slice %dot_general3A_80 {offsets = [96, 0], sizes = [96, 224], strides = [1, 1]} : vector<192x224xf32> to vector<96x224xf32>
    %add3A_92 = vector.broadcast %get3A_4 : vector<96x1xf32> to vector<96x224xf32>
    %add3A_93 = arith.addf %slice3A_91, %add3A_92 : vector<96x224xf32>
    %swap3A_94 = arith.constant 0 : index
    %swap3A_95 = arith.constant 0 : index
    %swap3A_96 = arith.constant 7 : index
    %swap3A_97 = arith.constant 0 : index
    %swap3A_98 = vector.load %arg5[%swap3A_94, %swap3A_95, %swap3A_96, %swap3A_97] : memref<1x96x8x224xf32, #tpu.memory_space<vmem>>, vector<1x96x1x224xf32>
    %swap3A_99 = vector.shape_cast %swap3A_98 : vector<1x96x1x224xf32> to vector<96x224xf32>
    %swap3A_100 = vector.shape_cast %add3A_93 : vector<96x224xf32> to vector<1x96x1x224xf32>
    tpu.vector_store %arg5[%swap3A_94, %swap3A_95, %swap3A_96, %swap3A_97], %swap3A_100 {strides = array<i32>} : memref<1x96x8x224xf32, #tpu.memory_space<vmem>>, vector<1x96x1x224xf32>,
    return
  }
  func.func @transform_1(%arg0: i32) -> (i32, i32) {
    %c0_i32 = arith.constant 0 : i32
    %c0_i32_0 = arith.constant 0 : i32
    return %arg0, %c0_i32 : i32, i32
  }
  func.func @transform_2(%arg0: i32) -> (i32, i32) {
    %c0_i32 = arith.constant 0 : i32
    %c0_i32_0 = arith.constant 0 : i32
    %c0_i32_1 = arith.constant 0 : i32
    return %c0_i32, %c0_i32_0 : i32, i32
  }
  func.func @transform_3(%arg0: i32) -> (i32, i32) {
    %c0_i32 = arith.constant 0 : i32
    %c0_i32_0 = arith.constant 0 : i32
    %c0_i32_1 = arith.constant 0 : i32
    return %c0_i32, %c0_i32_0 : i32, i32
  }
  func.func @transform_4(%arg0: i32) -> (i32, i32, i32, i32) {
    %c1_i32 = arith.constant 1 : i32
    %c0_i32 = arith.constant 0 : i32
    %c0_i32_0 = arith.constant 0 : i32
    %c0_i32_1 = arith.constant 0 : i32
    return %c1_i32, %c0_i32, %arg0, %c0_i32_0 : i32, i32, i32, i32
  }
}

module attributes {stable_mosaic.version = 14 : i64} {
  func.func @_proj_body(%arg0: i32, %arg1: memref<4x96x224x224xf32, #tpu.memory_space<any>>, %arg2: memref<896x128xf32, #tpu.memory_space<vmem>>, %arg3: memref<192x128xf32, #tpu.memory_space<vmem>>, %arg4: memref<96x1xf32, #tpu.memory_space<vmem>>, %arg5: memref<1x96x8x224xf32, #tpu.memory_space<vmem>>) attributes {dimension_semantics = [#tpu.dimension_semantics<arbitrary>], iteration_bounds = array<i64: 28>, scalar_prefetch = 0 : i64, scratch_operands = 0 : i64, tpu.core_type = #tpu.core_type<tc>, window_params = [{}, {transform_indices = @transform_1, window_bounds = array<i64: 896, 128>}, {pipeline_mode = #tpu.pipeline_mode<synchronous>, transform_indices = @transform_2, window_bounds = array<i64: 192, 128>}, {pipeline_mode = #tpu.pipeline_mode<synchronous>, transform_indices = @transform_3, window_bounds = array<i64: 96, 1>}, {transform_indices = @transform_4, window_bounds = array<i64: 1, 96, 8, 224>}]} {
    %get3A = arith.constant 0 : index
    %get3A_0 = arith.constant 0 : index
    %get3A_1 = vector.load %arg3[%get3A, %get3A_0] : memref<192x128xf32, #tpu.memory_space<vmem>>, vector<192x128xf32>
    %get3A_2 = arith.constant 0 : index
    %get3A_3 = arith.constant 0 : index
    %get3A_4 = vector.load %arg4[%get3A_2, %get3A_3] : memref<96x1xf32, #tpu.memory_space<vmem>>, vector<96x1xf32>
    %get3A_5 = arith.constant 0 : index
    %get3A_6 = arith.constant 0 : index
    %get3A_7 = vector.load %arg2[%get3A_5, %get3A_6] : memref<896x128xf32, #tpu.memory_space<vmem>>, vector<224x128xf32>
    %dot_general3A = arith.constant dense<0.000000e+00> : vector<192x224xf32>
    %dot_general3A_8 = tpu.matmul %get3A_1, %get3A_7, %dot_general3A {dimension_numbers = #tpu.dot_dimension_numbers<[1], [1], [0], [0], [0, 0, 1, 0], [], []>, transpose_lhs_hint = false} : vector<192x128xf32>, vector<224x128xf32>, vector<192x224xf32> -> vector<192x224xf32>
    %slice3A = vector.extract_strided_slice %dot_general3A_8 {offsets = [0, 0], sizes = [96, 224], strides = [1, 1]} : vector<192x224xf32> to vector<96x224xf32>
    %add3A = vector.broadcast %get3A_4 : vector<96x1xf32> to vector<96x224xf32>
    %add3A_9 = arith.addf %slice3A, %add3A : vector<96x224xf32>
    %swap3A = arith.constant 0 : index
    %swap3A_10 = arith.constant 0 : index
    %swap3A_11 = arith.constant 0 : index
    %swap3A_12 = arith.constant 0 : index
    %swap3A_13 = vector.load %arg5[%swap3A, %swap3A_10, %swap3A_11, %swap3A_12] : memref<1x96x8x224xf32, #tpu.memory_space<vmem>>, vector<1x96x1x224xf32>
    %swap3A_14 = vector.shape_cast %swap3A_13 : vector<1x96x1x224xf32> to vector<96x224xf32>
    %swap3A_15 = vector.shape_cast %add3A_9 : vector<96x224xf32> to vector<1x96x1x224xf32>
    tpu.vector_store %arg5[%swap3A, %swap3A_10, %swap3A_11, %swap3A_12], %swap3A_15 {strides = array<i32>} : memref<1x96x8x224xf32, #tpu.memory_space<vmem>>, vector<1x96x1x224xf32>,
    %slice3A_16 = vector.extract_strided_slice %dot_general3A_8 {offsets = [96, 0], sizes = [96, 224], strides = [1, 1]} : vector<192x224xf32> to vector<96x224xf32>
    %add3A_17 = vector.broadcast %get3A_4 : vector<96x1xf32> to vector<96x224xf32>
    %add3A_18 = arith.addf %slice3A_16, %add3A_17 : vector<96x224xf32>
    %swap3A_19 = arith.constant 0 : index
    %swap3A_20 = arith.constant 0 : index
    %swap3A_21 = arith.constant 1 : index
    %swap3A_22 = arith.constant 0 : index
    %swap3A_23 = vector.load %arg5[%swap3A_19, %swap3A_20, %swap3A_21, %swap3A_22] : memref<1x96x8x224xf32, #tpu.memory_space<vmem>>, vector<1x96x1x224xf32>
    %swap3A_24 = vector.shape_cast %swap3A_23 : vector<1x96x1x224xf32> to vector<96x224xf32>
    %swap3A_25 = vector.shape_cast %add3A_18 : vector<96x224xf32> to vector<1x96x1x224xf32>
    tpu.vector_store %arg5[%swap3A_19, %swap3A_20, %swap3A_21, %swap3A_22], %swap3A_25 {strides = array<i32>} : memref<1x96x8x224xf32, #tpu.memory_space<vmem>>, vector<1x96x1x224xf32>,
    %get3A_26 = arith.constant 224 : index
    %get3A_27 = arith.constant 0 : index
    %get3A_28 = vector.load %arg2[%get3A_26, %get3A_27] : memref<896x128xf32, #tpu.memory_space<vmem>>, vector<224x128xf32>
    %dot_general3A_29 = arith.constant dense<0.000000e+00> : vector<192x224xf32>
    %dot_general3A_30 = tpu.matmul %get3A_1, %get3A_28, %dot_general3A_29 {dimension_numbers = #tpu.dot_dimension_numbers<[1], [1], [0], [0], [0, 0, 1, 0], [], []>, transpose_lhs_hint = false} : vector<192x128xf32>, vector<224x128xf32>, vector<192x224xf32> -> vector<192x224xf32>
    %slice3A_31 = vector.extract_strided_slice %dot_general3A_30 {offsets = [0, 0], sizes = [96, 224], strides = [1, 1]} : vector<192x224xf32> to vector<96x224xf32>
    %add3A_32 = vector.broadcast %get3A_4 : vector<96x1xf32> to vector<96x224xf32>
    %add3A_33 = arith.addf %slice3A_31, %add3A_32 : vector<96x224xf32>
    %swap3A_34 = arith.constant 0 : index
    %swap3A_35 = arith.constant 0 : index
    %swap3A_36 = arith.constant 2 : index
    %swap3A_37 = arith.constant 0 : index
    %swap3A_38 = vector.load %arg5[%swap3A_34, %swap3A_35, %swap3A_36, %swap3A_37] : memref<1x96x8x224xf32, #tpu.memory_space<vmem>>, vector<1x96x1x224xf32>
    %swap3A_39 = vector.shape_cast %swap3A_38 : vector<1x96x1x224xf32> to vector<96x224xf32>
    %swap3A_40 = vector.shape_cast %add3A_33 : vector<96x224xf32> to vector<1x96x1x224xf32>
    tpu.vector_store %arg5[%swap3A_34, %swap3A_35, %swap3A_36, %swap3A_37], %swap3A_40 {strides = array<i32>} : memref<1x96x8x224xf32, #tpu.memory_space<vmem>>, vector<1x96x1x224xf32>,
    %slice3A_41 = vector.extract_strided_slice %dot_general3A_30 {offsets = [96, 0], sizes = [96, 224], strides = [1, 1]} : vector<192x224xf32> to vector<96x224xf32>
    %add3A_42 = vector.broadcast %get3A_4 : vector<96x1xf32> to vector<96x224xf32>
    %add3A_43 = arith.addf %slice3A_41, %add3A_42 : vector<96x224xf32>
    %swap3A_44 = arith.constant 0 : index
    %swap3A_45 = arith.constant 0 : index
    %swap3A_46 = arith.constant 3 : index
    %swap3A_47 = arith.constant 0 : index
    %swap3A_48 = vector.load %arg5[%swap3A_44, %swap3A_45, %swap3A_46, %swap3A_47] : memref<1x96x8x224xf32, #tpu.memory_space<vmem>>, vector<1x96x1x224xf32>
    %swap3A_49 = vector.shape_cast %swap3A_48 : vector<1x96x1x224xf32> to vector<96x224xf32>
    %swap3A_50 = vector.shape_cast %add3A_43 : vector<96x224xf32> to vector<1x96x1x224xf32>
    tpu.vector_store %arg5[%swap3A_44, %swap3A_45, %swap3A_46, %swap3A_47], %swap3A_50 {strides = array<i32>} : memref<1x96x8x224xf32, #tpu.memory_space<vmem>>, vector<1x96x1x224xf32>,
    %get3A_51 = arith.constant 448 : index
    %get3A_52 = arith.constant 0 : index
    %get3A_53 = vector.load %arg2[%get3A_51, %get3A_52] : memref<896x128xf32, #tpu.memory_space<vmem>>, vector<224x128xf32>
    %dot_general3A_54 = arith.constant dense<0.000000e+00> : vector<192x224xf32>
    %dot_general3A_55 = tpu.matmul %get3A_1, %get3A_53, %dot_general3A_54 {dimension_numbers = #tpu.dot_dimension_numbers<[1], [1], [0], [0], [0, 0, 1, 0], [], []>, transpose_lhs_hint = false} : vector<192x128xf32>, vector<224x128xf32>, vector<192x224xf32> -> vector<192x224xf32>
    %slice3A_56 = vector.extract_strided_slice %dot_general3A_55 {offsets = [0, 0], sizes = [96, 224], strides = [1, 1]} : vector<192x224xf32> to vector<96x224xf32>
    %add3A_57 = vector.broadcast %get3A_4 : vector<96x1xf32> to vector<96x224xf32>
    %add3A_58 = arith.addf %slice3A_56, %add3A_57 : vector<96x224xf32>
    %swap3A_59 = arith.constant 0 : index
    %swap3A_60 = arith.constant 0 : index
    %swap3A_61 = arith.constant 4 : index
    %swap3A_62 = arith.constant 0 : index
    %swap3A_63 = vector.load %arg5[%swap3A_59, %swap3A_60, %swap3A_61, %swap3A_62] : memref<1x96x8x224xf32, #tpu.memory_space<vmem>>, vector<1x96x1x224xf32>
    %swap3A_64 = vector.shape_cast %swap3A_63 : vector<1x96x1x224xf32> to vector<96x224xf32>
    %swap3A_65 = vector.shape_cast %add3A_58 : vector<96x224xf32> to vector<1x96x1x224xf32>
    tpu.vector_store %arg5[%swap3A_59, %swap3A_60, %swap3A_61, %swap3A_62], %swap3A_65 {strides = array<i32>} : memref<1x96x8x224xf32, #tpu.memory_space<vmem>>, vector<1x96x1x224xf32>,
    %slice3A_66 = vector.extract_strided_slice %dot_general3A_55 {offsets = [96, 0], sizes = [96, 224], strides = [1, 1]} : vector<192x224xf32> to vector<96x224xf32>
    %add3A_67 = vector.broadcast %get3A_4 : vector<96x1xf32> to vector<96x224xf32>
    %add3A_68 = arith.addf %slice3A_66, %add3A_67 : vector<96x224xf32>
    %swap3A_69 = arith.constant 0 : index
    %swap3A_70 = arith.constant 0 : index
    %swap3A_71 = arith.constant 5 : index
    %swap3A_72 = arith.constant 0 : index
    %swap3A_73 = vector.load %arg5[%swap3A_69, %swap3A_70, %swap3A_71, %swap3A_72] : memref<1x96x8x224xf32, #tpu.memory_space<vmem>>, vector<1x96x1x224xf32>
    %swap3A_74 = vector.shape_cast %swap3A_73 : vector<1x96x1x224xf32> to vector<96x224xf32>
    %swap3A_75 = vector.shape_cast %add3A_68 : vector<96x224xf32> to vector<1x96x1x224xf32>
    tpu.vector_store %arg5[%swap3A_69, %swap3A_70, %swap3A_71, %swap3A_72], %swap3A_75 {strides = array<i32>} : memref<1x96x8x224xf32, #tpu.memory_space<vmem>>, vector<1x96x1x224xf32>,
    %get3A_76 = arith.constant 672 : index
    %get3A_77 = arith.constant 0 : index
    %get3A_78 = vector.load %arg2[%get3A_76, %get3A_77] : memref<896x128xf32, #tpu.memory_space<vmem>>, vector<224x128xf32>
    %dot_general3A_79 = arith.constant dense<0.000000e+00> : vector<192x224xf32>
    %dot_general3A_80 = tpu.matmul %get3A_1, %get3A_78, %dot_general3A_79 {dimension_numbers = #tpu.dot_dimension_numbers<[1], [1], [0], [0], [0, 0, 1, 0], [], []>, transpose_lhs_hint = false} : vector<192x128xf32>, vector<224x128xf32>, vector<192x224xf32> -> vector<192x224xf32>
    %slice3A_81 = vector.extract_strided_slice %dot_general3A_80 {offsets = [0, 0], sizes = [96, 224], strides = [1, 1]} : vector<192x224xf32> to vector<96x224xf32>
    %add3A_82 = vector.broadcast %get3A_4 : vector<96x1xf32> to vector<96x224xf32>
    %add3A_83 = arith.addf %slice3A_81, %add3A_82 : vector<96x224xf32>
    %swap3A_84 = arith.constant 0 : index
    %swap3A_85 = arith.constant 0 : index
    %swap3A_86 = arith.constant 6 : index
    %swap3A_87 = arith.constant 0 : index
    %swap3A_88 = vector.load %arg5[%swap3A_84, %swap3A_85, %swap3A_86, %swap3A_87] : memref<1x96x8x224xf32, #tpu.memory_space<vmem>>, vector<1x96x1x224xf32>
    %swap3A_89 = vector.shape_cast %swap3A_88 : vector<1x96x1x224xf32> to vector<96x224xf32>
    %swap3A_90 = vector.shape_cast %add3A_83 : vector<96x224xf32> to vector<1x96x1x224xf32>
    tpu.vector_store %arg5[%swap3A_84, %swap3A_85, %swap3A_86, %swap3A_87], %swap3A_90 {strides = array<i32>} : memref<1x96x8x224xf32, #tpu.memory_space<vmem>>, vector<1x96x1x224xf32>,
    %slice3A_91 = vector.extract_strided_slice %dot_general3A_80 {offsets = [96, 0], sizes = [96, 224], strides = [1, 1]} : vector<192x224xf32> to vector<96x224xf32>
    %add3A_92 = vector.broadcast %get3A_4 : vector<96x1xf32> to vector<96x224xf32>
    %add3A_93 = arith.addf %slice3A_91, %add3A_92 : vector<96x224xf32>
    %swap3A_94 = arith.constant 0 : index
    %swap3A_95 = arith.constant 0 : index
    %swap3A_96 = arith.constant 7 : index
    %swap3A_97 = arith.constant 0 : index
    %swap3A_98 = vector.load %arg5[%swap3A_94, %swap3A_95, %swap3A_96, %swap3A_97] : memref<1x96x8x224xf32, #tpu.memory_space<vmem>>, vector<1x96x1x224xf32>
    %swap3A_99 = vector.shape_cast %swap3A_98 : vector<1x96x1x224xf32> to vector<96x224xf32>
    %swap3A_100 = vector.shape_cast %add3A_93 : vector<96x224xf32> to vector<1x96x1x224xf32>
    tpu.vector_store %arg5[%swap3A_94, %swap3A_95, %swap3A_96, %swap3A_97], %swap3A_100 {strides = array<i32>} : memref<1x96x8x224xf32, #tpu.memory_space<vmem>>, vector<1x96x1x224xf32>,
    return
  }
  func.func @transform_1(%arg0: i32) -> (i32, i32) {
    %c0_i32 = arith.constant 0 : i32
    %c0_i32_0 = arith.constant 0 : i32
    return %arg0, %c0_i32 : i32, i32
  }
  func.func @transform_2(%arg0: i32) -> (i32, i32) {
    %c0_i32 = arith.constant 0 : i32
    %c0_i32_0 = arith.constant 0 : i32
    %c0_i32_1 = arith.constant 0 : i32
    return %c0_i32, %c0_i32_0 : i32, i32
  }
  func.func @transform_3(%arg0: i32) -> (i32, i32) {
    %c0_i32 = arith.constant 0 : i32
    %c0_i32_0 = arith.constant 0 : i32
    %c0_i32_1 = arith.constant 0 : i32
    return %c0_i32, %c0_i32_0 : i32, i32
  }
  func.func @transform_4(%arg0: i32) -> (i32, i32, i32, i32) {
    %c2_i32 = arith.constant 2 : i32
    %c0_i32 = arith.constant 0 : i32
    %c0_i32_0 = arith.constant 0 : i32
    %c0_i32_1 = arith.constant 0 : i32
    return %c2_i32, %c0_i32, %arg0, %c0_i32_0 : i32, i32, i32, i32
  }
}

module attributes {stable_mosaic.version = 14 : i64} {
  func.func @_proj_body(%arg0: i32, %arg1: memref<4x96x224x224xf32, #tpu.memory_space<any>>, %arg2: memref<896x128xf32, #tpu.memory_space<vmem>>, %arg3: memref<192x128xf32, #tpu.memory_space<vmem>>, %arg4: memref<96x1xf32, #tpu.memory_space<vmem>>, %arg5: memref<1x96x8x224xf32, #tpu.memory_space<vmem>>) attributes {dimension_semantics = [#tpu.dimension_semantics<arbitrary>], iteration_bounds = array<i64: 28>, scalar_prefetch = 0 : i64, scratch_operands = 0 : i64, tpu.core_type = #tpu.core_type<tc>, window_params = [{}, {transform_indices = @transform_1, window_bounds = array<i64: 896, 128>}, {pipeline_mode = #tpu.pipeline_mode<synchronous>, transform_indices = @transform_2, window_bounds = array<i64: 192, 128>}, {pipeline_mode = #tpu.pipeline_mode<synchronous>, transform_indices = @transform_3, window_bounds = array<i64: 96, 1>}, {transform_indices = @transform_4, window_bounds = array<i64: 1, 96, 8, 224>}]} {
    %get3A = arith.constant 0 : index
    %get3A_0 = arith.constant 0 : index
    %get3A_1 = vector.load %arg3[%get3A, %get3A_0] : memref<192x128xf32, #tpu.memory_space<vmem>>, vector<192x128xf32>
    %get3A_2 = arith.constant 0 : index
    %get3A_3 = arith.constant 0 : index
    %get3A_4 = vector.load %arg4[%get3A_2, %get3A_3] : memref<96x1xf32, #tpu.memory_space<vmem>>, vector<96x1xf32>
    %get3A_5 = arith.constant 0 : index
    %get3A_6 = arith.constant 0 : index
    %get3A_7 = vector.load %arg2[%get3A_5, %get3A_6] : memref<896x128xf32, #tpu.memory_space<vmem>>, vector<224x128xf32>
    %dot_general3A = arith.constant dense<0.000000e+00> : vector<192x224xf32>
    %dot_general3A_8 = tpu.matmul %get3A_1, %get3A_7, %dot_general3A {dimension_numbers = #tpu.dot_dimension_numbers<[1], [1], [0], [0], [0, 0, 1, 0], [], []>, transpose_lhs_hint = false} : vector<192x128xf32>, vector<224x128xf32>, vector<192x224xf32> -> vector<192x224xf32>
    %slice3A = vector.extract_strided_slice %dot_general3A_8 {offsets = [0, 0], sizes = [96, 224], strides = [1, 1]} : vector<192x224xf32> to vector<96x224xf32>
    %add3A = vector.broadcast %get3A_4 : vector<96x1xf32> to vector<96x224xf32>
    %add3A_9 = arith.addf %slice3A, %add3A : vector<96x224xf32>
    %swap3A = arith.constant 0 : index
    %swap3A_10 = arith.constant 0 : index
    %swap3A_11 = arith.constant 0 : index
    %swap3A_12 = arith.constant 0 : index
    %swap3A_13 = vector.load %arg5[%swap3A, %swap3A_10, %swap3A_11, %swap3A_12] : memref<1x96x8x224xf32, #tpu.memory_space<vmem>>, vector<1x96x1x224xf32>
    %swap3A_14 = vector.shape_cast %swap3A_13 : vector<1x96x1x224xf32> to vector<96x224xf32>
    %swap3A_15 = vector.shape_cast %add3A_9 : vector<96x224xf32> to vector<1x96x1x224xf32>
    tpu.vector_store %arg5[%swap3A, %swap3A_10, %swap3A_11, %swap3A_12], %swap3A_15 {strides = array<i32>} : memref<1x96x8x224xf32, #tpu.memory_space<vmem>>, vector<1x96x1x224xf32>,
    %slice3A_16 = vector.extract_strided_slice %dot_general3A_8 {offsets = [96, 0], sizes = [96, 224], strides = [1, 1]} : vector<192x224xf32> to vector<96x224xf32>
    %add3A_17 = vector.broadcast %get3A_4 : vector<96x1xf32> to vector<96x224xf32>
    %add3A_18 = arith.addf %slice3A_16, %add3A_17 : vector<96x224xf32>
    %swap3A_19 = arith.constant 0 : index
    %swap3A_20 = arith.constant 0 : index
    %swap3A_21 = arith.constant 1 : index
    %swap3A_22 = arith.constant 0 : index
    %swap3A_23 = vector.load %arg5[%swap3A_19, %swap3A_20, %swap3A_21, %swap3A_22] : memref<1x96x8x224xf32, #tpu.memory_space<vmem>>, vector<1x96x1x224xf32>
    %swap3A_24 = vector.shape_cast %swap3A_23 : vector<1x96x1x224xf32> to vector<96x224xf32>
    %swap3A_25 = vector.shape_cast %add3A_18 : vector<96x224xf32> to vector<1x96x1x224xf32>
    tpu.vector_store %arg5[%swap3A_19, %swap3A_20, %swap3A_21, %swap3A_22], %swap3A_25 {strides = array<i32>} : memref<1x96x8x224xf32, #tpu.memory_space<vmem>>, vector<1x96x1x224xf32>,
    %get3A_26 = arith.constant 224 : index
    %get3A_27 = arith.constant 0 : index
    %get3A_28 = vector.load %arg2[%get3A_26, %get3A_27] : memref<896x128xf32, #tpu.memory_space<vmem>>, vector<224x128xf32>
    %dot_general3A_29 = arith.constant dense<0.000000e+00> : vector<192x224xf32>
    %dot_general3A_30 = tpu.matmul %get3A_1, %get3A_28, %dot_general3A_29 {dimension_numbers = #tpu.dot_dimension_numbers<[1], [1], [0], [0], [0, 0, 1, 0], [], []>, transpose_lhs_hint = false} : vector<192x128xf32>, vector<224x128xf32>, vector<192x224xf32> -> vector<192x224xf32>
    %slice3A_31 = vector.extract_strided_slice %dot_general3A_30 {offsets = [0, 0], sizes = [96, 224], strides = [1, 1]} : vector<192x224xf32> to vector<96x224xf32>
    %add3A_32 = vector.broadcast %get3A_4 : vector<96x1xf32> to vector<96x224xf32>
    %add3A_33 = arith.addf %slice3A_31, %add3A_32 : vector<96x224xf32>
    %swap3A_34 = arith.constant 0 : index
    %swap3A_35 = arith.constant 0 : index
    %swap3A_36 = arith.constant 2 : index
    %swap3A_37 = arith.constant 0 : index
    %swap3A_38 = vector.load %arg5[%swap3A_34, %swap3A_35, %swap3A_36, %swap3A_37] : memref<1x96x8x224xf32, #tpu.memory_space<vmem>>, vector<1x96x1x224xf32>
    %swap3A_39 = vector.shape_cast %swap3A_38 : vector<1x96x1x224xf32> to vector<96x224xf32>
    %swap3A_40 = vector.shape_cast %add3A_33 : vector<96x224xf32> to vector<1x96x1x224xf32>
    tpu.vector_store %arg5[%swap3A_34, %swap3A_35, %swap3A_36, %swap3A_37], %swap3A_40 {strides = array<i32>} : memref<1x96x8x224xf32, #tpu.memory_space<vmem>>, vector<1x96x1x224xf32>,
    %slice3A_41 = vector.extract_strided_slice %dot_general3A_30 {offsets = [96, 0], sizes = [96, 224], strides = [1, 1]} : vector<192x224xf32> to vector<96x224xf32>
    %add3A_42 = vector.broadcast %get3A_4 : vector<96x1xf32> to vector<96x224xf32>
    %add3A_43 = arith.addf %slice3A_41, %add3A_42 : vector<96x224xf32>
    %swap3A_44 = arith.constant 0 : index
    %swap3A_45 = arith.constant 0 : index
    %swap3A_46 = arith.constant 3 : index
    %swap3A_47 = arith.constant 0 : index
    %swap3A_48 = vector.load %arg5[%swap3A_44, %swap3A_45, %swap3A_46, %swap3A_47] : memref<1x96x8x224xf32, #tpu.memory_space<vmem>>, vector<1x96x1x224xf32>
    %swap3A_49 = vector.shape_cast %swap3A_48 : vector<1x96x1x224xf32> to vector<96x224xf32>
    %swap3A_50 = vector.shape_cast %add3A_43 : vector<96x224xf32> to vector<1x96x1x224xf32>
    tpu.vector_store %arg5[%swap3A_44, %swap3A_45, %swap3A_46, %swap3A_47], %swap3A_50 {strides = array<i32>} : memref<1x96x8x224xf32, #tpu.memory_space<vmem>>, vector<1x96x1x224xf32>,
    %get3A_51 = arith.constant 448 : index
    %get3A_52 = arith.constant 0 : index
    %get3A_53 = vector.load %arg2[%get3A_51, %get3A_52] : memref<896x128xf32, #tpu.memory_space<vmem>>, vector<224x128xf32>
    %dot_general3A_54 = arith.constant dense<0.000000e+00> : vector<192x224xf32>
    %dot_general3A_55 = tpu.matmul %get3A_1, %get3A_53, %dot_general3A_54 {dimension_numbers = #tpu.dot_dimension_numbers<[1], [1], [0], [0], [0, 0, 1, 0], [], []>, transpose_lhs_hint = false} : vector<192x128xf32>, vector<224x128xf32>, vector<192x224xf32> -> vector<192x224xf32>
    %slice3A_56 = vector.extract_strided_slice %dot_general3A_55 {offsets = [0, 0], sizes = [96, 224], strides = [1, 1]} : vector<192x224xf32> to vector<96x224xf32>
    %add3A_57 = vector.broadcast %get3A_4 : vector<96x1xf32> to vector<96x224xf32>
    %add3A_58 = arith.addf %slice3A_56, %add3A_57 : vector<96x224xf32>
    %swap3A_59 = arith.constant 0 : index
    %swap3A_60 = arith.constant 0 : index
    %swap3A_61 = arith.constant 4 : index
    %swap3A_62 = arith.constant 0 : index
    %swap3A_63 = vector.load %arg5[%swap3A_59, %swap3A_60, %swap3A_61, %swap3A_62] : memref<1x96x8x224xf32, #tpu.memory_space<vmem>>, vector<1x96x1x224xf32>
    %swap3A_64 = vector.shape_cast %swap3A_63 : vector<1x96x1x224xf32> to vector<96x224xf32>
    %swap3A_65 = vector.shape_cast %add3A_58 : vector<96x224xf32> to vector<1x96x1x224xf32>
    tpu.vector_store %arg5[%swap3A_59, %swap3A_60, %swap3A_61, %swap3A_62], %swap3A_65 {strides = array<i32>} : memref<1x96x8x224xf32, #tpu.memory_space<vmem>>, vector<1x96x1x224xf32>,
    %slice3A_66 = vector.extract_strided_slice %dot_general3A_55 {offsets = [96, 0], sizes = [96, 224], strides = [1, 1]} : vector<192x224xf32> to vector<96x224xf32>
    %add3A_67 = vector.broadcast %get3A_4 : vector<96x1xf32> to vector<96x224xf32>
    %add3A_68 = arith.addf %slice3A_66, %add3A_67 : vector<96x224xf32>
    %swap3A_69 = arith.constant 0 : index
    %swap3A_70 = arith.constant 0 : index
    %swap3A_71 = arith.constant 5 : index
    %swap3A_72 = arith.constant 0 : index
    %swap3A_73 = vector.load %arg5[%swap3A_69, %swap3A_70, %swap3A_71, %swap3A_72] : memref<1x96x8x224xf32, #tpu.memory_space<vmem>>, vector<1x96x1x224xf32>
    %swap3A_74 = vector.shape_cast %swap3A_73 : vector<1x96x1x224xf32> to vector<96x224xf32>
    %swap3A_75 = vector.shape_cast %add3A_68 : vector<96x224xf32> to vector<1x96x1x224xf32>
    tpu.vector_store %arg5[%swap3A_69, %swap3A_70, %swap3A_71, %swap3A_72], %swap3A_75 {strides = array<i32>} : memref<1x96x8x224xf32, #tpu.memory_space<vmem>>, vector<1x96x1x224xf32>,
    %get3A_76 = arith.constant 672 : index
    %get3A_77 = arith.constant 0 : index
    %get3A_78 = vector.load %arg2[%get3A_76, %get3A_77] : memref<896x128xf32, #tpu.memory_space<vmem>>, vector<224x128xf32>
    %dot_general3A_79 = arith.constant dense<0.000000e+00> : vector<192x224xf32>
    %dot_general3A_80 = tpu.matmul %get3A_1, %get3A_78, %dot_general3A_79 {dimension_numbers = #tpu.dot_dimension_numbers<[1], [1], [0], [0], [0, 0, 1, 0], [], []>, transpose_lhs_hint = false} : vector<192x128xf32>, vector<224x128xf32>, vector<192x224xf32> -> vector<192x224xf32>
    %slice3A_81 = vector.extract_strided_slice %dot_general3A_80 {offsets = [0, 0], sizes = [96, 224], strides = [1, 1]} : vector<192x224xf32> to vector<96x224xf32>
    %add3A_82 = vector.broadcast %get3A_4 : vector<96x1xf32> to vector<96x224xf32>
    %add3A_83 = arith.addf %slice3A_81, %add3A_82 : vector<96x224xf32>
    %swap3A_84 = arith.constant 0 : index
    %swap3A_85 = arith.constant 0 : index
    %swap3A_86 = arith.constant 6 : index
    %swap3A_87 = arith.constant 0 : index
    %swap3A_88 = vector.load %arg5[%swap3A_84, %swap3A_85, %swap3A_86, %swap3A_87] : memref<1x96x8x224xf32, #tpu.memory_space<vmem>>, vector<1x96x1x224xf32>
    %swap3A_89 = vector.shape_cast %swap3A_88 : vector<1x96x1x224xf32> to vector<96x224xf32>
    %swap3A_90 = vector.shape_cast %add3A_83 : vector<96x224xf32> to vector<1x96x1x224xf32>
    tpu.vector_store %arg5[%swap3A_84, %swap3A_85, %swap3A_86, %swap3A_87], %swap3A_90 {strides = array<i32>} : memref<1x96x8x224xf32, #tpu.memory_space<vmem>>, vector<1x96x1x224xf32>,
    %slice3A_91 = vector.extract_strided_slice %dot_general3A_80 {offsets = [96, 0], sizes = [96, 224], strides = [1, 1]} : vector<192x224xf32> to vector<96x224xf32>
    %add3A_92 = vector.broadcast %get3A_4 : vector<96x1xf32> to vector<96x224xf32>
    %add3A_93 = arith.addf %slice3A_91, %add3A_92 : vector<96x224xf32>
    %swap3A_94 = arith.constant 0 : index
    %swap3A_95 = arith.constant 0 : index
    %swap3A_96 = arith.constant 7 : index
    %swap3A_97 = arith.constant 0 : index
    %swap3A_98 = vector.load %arg5[%swap3A_94, %swap3A_95, %swap3A_96, %swap3A_97] : memref<1x96x8x224xf32, #tpu.memory_space<vmem>>, vector<1x96x1x224xf32>
    %swap3A_99 = vector.shape_cast %swap3A_98 : vector<1x96x1x224xf32> to vector<96x224xf32>
    %swap3A_100 = vector.shape_cast %add3A_93 : vector<96x224xf32> to vector<1x96x1x224xf32>
    tpu.vector_store %arg5[%swap3A_94, %swap3A_95, %swap3A_96, %swap3A_97], %swap3A_100 {strides = array<i32>} : memref<1x96x8x224xf32, #tpu.memory_space<vmem>>, vector<1x96x1x224xf32>,
    return
  }
  func.func @transform_1(%arg0: i32) -> (i32, i32) {
    %c0_i32 = arith.constant 0 : i32
    %c0_i32_0 = arith.constant 0 : i32
    return %arg0, %c0_i32 : i32, i32
  }
  func.func @transform_2(%arg0: i32) -> (i32, i32) {
    %c0_i32 = arith.constant 0 : i32
    %c0_i32_0 = arith.constant 0 : i32
    %c0_i32_1 = arith.constant 0 : i32
    return %c0_i32, %c0_i32_0 : i32, i32
  }
  func.func @transform_3(%arg0: i32) -> (i32, i32) {
    %c0_i32 = arith.constant 0 : i32
    %c0_i32_0 = arith.constant 0 : i32
    %c0_i32_1 = arith.constant 0 : i32
    return %c0_i32, %c0_i32_0 : i32, i32
  }
  func.func @transform_4(%arg0: i32) -> (i32, i32, i32, i32) {
    %c3_i32 = arith.constant 3 : i32
    %c0_i32 = arith.constant 0 : i32
    %c0_i32_0 = arith.constant 0 : i32
    %c0_i32_1 = arith.constant 0 : i32
    return %c3_i32, %c0_i32, %arg0, %c0_i32_0 : i32, i32, i32, i32
  }
}

</mosaic_0001>

<sc_bundles>
// kernel: kernel.14.cloned.1.call-start
scs
__scs_entry_jumppad:
0x0: {  	(pc) =	sbr.rel $0x88, $3  }
0x1: {  	(tag) =	ssettag $0x0;
	lr =	simm.s32 $0x1  }
0x2: {  	[smem:$0x3F9D] =	sst lr;
	_ =	strace $0xD0000000  }
0x3: {  	_ = 	snop  }
0x4: {  	_ = 	snop  }
0x5: {  	_ = 	snop  }
0x6: {  	_ = 	snop  }
0x7: {  	_ = 	snop  }
__scs_overlays_trampoline_lowered:
0x8: {  	[smem:$0x3FAC] =	sst s0  }
0x9: {  	[smem:$0x3FAD] =	sst s1  }
0xa: {  	[smem:$0x3FAE] =	sst s2  }
0xb: {  	[smem:$0x3FAF] =	sst s3  }
0xc: {  	[smem:$0x3FB0] =	sst s4  }
0xd: {  	[smem:$0x3FB1] =	sst s5  }
0xe: {  	[smem:$0x3FB2] =	sst s6  }
0xf: {  	[smem:$0x3FB3] =	sst s7  }
0x10: {  	[smem:$0x3FB4] =	sst s8  }
0x11: {  	[smem:$0x3FB5] =	sst s9;
	s0 =	simm.s32 @!p0 $0x0  }
0x12: {  	s1 =	sld [smem:$0x3F9B];
	s0 =	simm.s32 @p0 $0x1  }
0x13: {  	[smem:$0x3FB6] =	sst s0;
	s0 =	simm.s32 @!p1 $0x0  }
0x14: {  	s2 =	sld [smem:$0x3F9A];
	s0 =	simm.s32 @p1 $0x1  }
0x15: {  	[smem:$0x3FB7] =	sst s0;
	s0 =	simm.s32 @!p2 $0x0  }
0x16: {  	s3 =	sld [smem:$0x3FDB];
	s0 =	simm.s32 @p2 $0x1  }
0x17: {  	s4 =	simm.s32 $0x1BF5;
	[smem:$0x3FB9] =	sst s0  }
0x18: {  	s0 =	sld [smem:$0x3F9C];
	_ =	swait.ge [sflag:s4], $0x0  }
0x19: {  	s7 =	sld [smem:$0x3F9D]  }
0x1a: {  	s8 =	sadd.s32 $0xFFFFE003, lr  }
0x1b: {  	s9 =	sadd.s32 $0xFFFFFEF7, lr;
	s5 =	simm.s32 $0xFFFFFFFF;
	p2 =	slt.u32 s8, $0xFFFFF086  }
0x1c: {  	p1 =	slt.u32 s9, $0xF7A;
	s5 =	simm.s32 @!p2 $0x0  }
0x1d: {  	s5 =	simm.s32 @p1 $0x1;
	p0 =	seq.s32 s7, s2  }
0x1e: {  	s7 =	smul.u32 @!p0 $0xF7A, s2;
	p2 =	seq.s32 @!p0 s5, $0x0  }
0x1f: {  	s9 =	smul.u32 $0xF7A, s1;
	s8 =	simm.s32 @!p0 $0x1BF5;
	p2 =	por !p2, p0  }
0x20: {  	[sflag:s8] =	ssyncset.s32 @!p0 $0xFFFFF086;
	s6 =	sadd.s32 @!p0 s3, s7;
	s7 =	simm.s32 @!p0 $0x108  }
0x21: {  	s3 =	sadd.s32 s3, s9;
	s6 =	sadd.s32 @!p0 $0x88, s6;
	s7 =	simm.s32 @p2 $0x1082  }
0x22: {  	[simem:s7], [sflag:s8] =	dma.local @!p0 [hbm:s6], $0xF7A  }
0x23: {  	s9 =	sor.u32 $0xD0000000, s2;
	s6 =	simm.s32 $0x108;
	_ =	swait.ge @!p0 [sflag:s8], $0x0  }
0x24: {  	s3 =	sadd.s32 $0x88, s3;
	s6 =	simm.s32 @!p1 $0x1082;
	[sflag:s4] =	ssyncset.s32 $0xFFFFF086  }
0x25: {  	[simem:s6], [sflag:s4] =	dma.local [hbm:s3], $0xF7A  }
0x26: {  	[smem:$0x3F9D] =	sst s1;
	(tag) =	ssettag s2;
	_ =	strace s9  }
0x27: {  	s1 =	sld [smem:$0x3FAD]  }
0x28: {  	s2 =	sld [smem:$0x3FAE]  }
0x29: {  	s4 =	sld [smem:$0x3FB0]  }
0x2a: {  	p0 =	seq.s32 s5, $0x0;
	s5 =	sld [smem:$0x3FB1]  }
0x2b: {  	s6 =	sld [smem:$0x3FB2]  }
0x2c: {  	s7 =	sld [smem:$0x3FB3]  }
0x2d: {  	s3 =	simm.s32 $0x108;
	s8 =	sld [smem:$0x3FB4]  }
0x2e: {  	s3 =	simm.s32 @!p0 $0x1082;
	s9 =	sld [smem:$0x3FB5]  }
0x2f: {  	lr =	sadd.s32 s0, s3;
	s0 =	sld [smem:$0x3FAC]  }
0x30: {  	s3 =	sld [smem:$0x3FAF]  }
0x31: {  	[smem:$0x3FB8] =	sst s10  }
0x32: {  	s10 =	sld [smem:$0x3FB6];
	_ =	sdelay $0x3  }
0x33: {  	p0 =	seq.s32 s10, $0x1;
	s10 =	sld [smem:$0x3FB8];
	_ =	sdelay $0x3  }
0x34: {  	[smem:$0x3FB8] =	sst s10  }
0x35: {  	s10 =	sld [smem:$0x3FB7];
	_ =	sdelay $0x3  }
0x36: {  	p1 =	seq.s32 s10, $0x1;
	s10 =	sld [smem:$0x3FB8];
	_ =	sdelay $0x3  }
0x37: {  	[smem:$0x3FB8] =	sst s10  }
0x38: {  	s10 =	sld [smem:$0x3FB9]  }
0x39: {  	_ = 	snop;
	(pc) =	sbr.ind lr, $3  }
0x3a: {  	_ = 	snop  }
0x3b: {  	_ = 	snop  }
0x3c: {  	p2 =	seq.s32 s10, $0x1;
	s10 =	sld [smem:$0x3FB8]  }
0x3d: {  	_ =	shalt  }
0x3e: {  	_ =	shalt  }
0x3f: {  	_ =	shalt  }
0x40: {  	_ =	shalt  }
0x41: {  	_ =	shalt  }
0x42: {  	_ =	shalt  }
0x43: {  	_ =	shalt  }
0x44: {  	_ =	shalt  }
0x45: {  	_ =	shalt  }
0x46: {  	_ =	shalt  }
0x47: {  	_ =	shalt  }
0x48: {  	_ =	shalt  }
0x49: {  	_ =	shalt  }
0x4a: {  	_ =	shalt  }
0x4b: {  	_ =	shalt  }
0x4c: {  	_ =	shalt  }
0x4d: {  	_ =	shalt  }
0x4e: {  	_ =	shalt  }
0x4f: {  	_ =	shalt  }
0x50: {  	_ =	shalt  }
0x51: {  	_ =	shalt  }
0x52: {  	_ =	shalt  }
0x53: {  	_ =	shalt  }
0x54: {  	_ =	shalt  }
0x55: {  	_ =	shalt  }
0x56: {  	_ =	shalt  }
0x57: {  	_ =	shalt  }
0x58: {  	_ =	shalt  }
0x59: {  	_ =	shalt  }
0x5a: {  	_ =	shalt  }
0x5b: {  	_ =	shalt  }
0x5c: {  	_ =	shalt  }
0x5d: {  	_ =	shalt  }
0x5e: {  	_ =	shalt  }
0x5f: {  	_ =	shalt  }
0x60: {  	_ =	shalt  }
0x61: {  	_ =	shalt  }
0x62: {  	_ =	shalt  }
0x63: {  	_ =	shalt  }
0x64: {  	_ =	shalt  }
0x65: {  	_ =	shalt  }
0x66: {  	_ =	shalt  }
0x67: {  	_ =	shalt  }
0x68: {  	_ =	shalt  }
0x69: {  	_ =	shalt  }
0x6a: {  	_ =	shalt  }
0x6b: {  	_ =	shalt  }
0x6c: {  	_ =	shalt  }
0x6d: {  	_ =	shalt  }
0x6e: {  	_ =	shalt  }
0x6f: {  	_ =	shalt  }
0x70: {  	_ =	shalt  }
0x71: {  	_ =	shalt  }
0x72: {  	_ =	shalt  }
0x73: {  	_ =	shalt  }
0x74: {  	_ =	shalt  }
0x75: {  	_ =	shalt  }
0x76: {  	_ =	shalt  }
0x77: {  	_ =	shalt  }
0x78: {  	_ =	shalt  }
0x79: {  	_ =	shalt  }
0x7a: {  	_ =	shalt  }
0x7b: {  	_ =	shalt  }
0x7c: {  	_ =	shalt  }
0x7d: {  	_ =	shalt  }
0x7e: {  	_ =	shalt  }
0x7f: {  	_ =	shalt  }
0x80: {  	_ =	shalt  }
0x81: {  	_ =	shalt  }
0x82: {  	_ =	shalt  }
0x83: {  	_ =	shalt  }
0x84: {  	_ =	shalt  }
0x85: {  	_ =	shalt  }
0x86: {  	_ =	shalt  }
0x87: {  	_ =	shalt  }
.Lfunc_end0:
.L_simem_size_0:
called_computation_lowered:
.L_overlay_start_0:
0x88: {  	s2 =	sld [smem:$0x3FD9]  }
0x89: {  	s3 =	sld [smem:$0x3FFE];
	_ =	sdelay $0x1  }
0x8a: {  	s1 =	srdreg.scid  }
0x8b: {  	s0 =	sand.u32 $0x1, s1  }
0x8c: {  	s17 =	sshll.u32 s0, $0xA;
	s2 =	sadd.s32 s3, s2  }
0x8d: {  	s2 =	sadd.s32 s2, s17  }
0x8e: {  	[smem:$0x3FC4] =	sst s2  }
0x8f: {  	_ = 	snop  }
0x90: {  	s2 =	sld [smem:$0x3FD0];
	(tm) =	ssettm $0x1  }
0x91: {  	s18 =	sld [smem:$0x3FFB];
	_ =	sdelay $0x3  }
0x92: {  	_ =	strace s18  }
0x93: {  	s3 =	sld [smem:$0x3FFC];
	_ =	sdelay $0x3  }
0x94: {  	_ =	strace s3  }
0x95: {  	s3 =	sld [smem:$0x3FFD];
	_ =	sdelay $0x3  }
0x96: {  	_ =	strace s3  }
0x97: {  	_ =	strace $0x8FFFFFFF  }
0x98: {  	s19 =	sld [smem:$0x3FDB];
	_ =	sdelay $0x1  }
0x99: {  	s4 =	simm.s32 $_scs_section_size  }
0x9a: {  	s5 =	simm.s32 $_size__tile_overlayer_lowered;
	s6 =	simm.s32 $_tile_overlayer_lowered  }
0x9b: {  	s22 =	simm.s32 $0x1BFF;
	s21 =	sshll.u32 s6, $0x1;
	s3 =	sadd.s32 s4, s19  }
0x9c: {  	s7 =	simm.s32 $0x0;
	s20 =	sshll.u32 s5, $0x1;
	s5 =	sadd.s32 s21, s3  }
0x9d: {  	[timem:s7], [sflag:s22] =	dma.local [hbm:s5], s20  }
0x9e: {  	_ =	swait.ge [sflag:s22], s20  }
0x9f: {  	s4 =	ssub.s32 $0x0, s20;
	[sflag:s22] =	ssyncset.done $0x0  }
0xa0: {  	[sflag:s22] =	ssyncadd.s32 s4;
	_ =	sdelay $0x1  }
0xa1: {  	s23 =	simm.s32 $0x1B8B  }
0xa2: {  	_ =	swait.ge [sflag:s23], $0x1  }
0xa3: {  	[sflag:s23] =	ssyncset.done $0x0  }
0xa4: {  	s25 =	simm.s32 $0x1B8E;
	s24 =	sld [smem:$0x3FFE];
	[sflag:s23] =	ssyncadd.s32 $0xFFFFFFFF  }
0xa5: {  	s26 =	simm.s32 $execute0_lowered;
	[smem:$0x3FD2] =	sst s25  }
0xa6: {  	s5 =	sshll.u32 s26, $0x1;
	_ =	strace $0x80000046;
	[dreg:$0x1] =	wrdreg $0xFFFFFFFF  }
0xa7: {  	s28 =	simm.s32 $_size_execute0_lowered;
	s3 =	sadd.s32 s3, s5;
	[dreg:$0x0] =	wrdreg $0x0  }
0xa8: {  	s5 =	sshll.u32 s28, $0x1;
	[dreg:$0x2] =	wrdreg s3  }
0xa9: {  	[dreg:$0x3] =	wrdreg s5  }
0xaa: {  	[dreg:$0x4] =	wrdreg $0xC0  }
0xab: {  	_ =	task [dreg:s7], $0x5FFFF  }
0xac: {  	[dreg:$0x1] =	wrdreg $0xFFFFFFFF  }
0xad: {  	[dreg:$0x0] =	wrdreg $0x60  }
0xae: {  	[dreg:$0x2] =	wrdreg s24  }
0xaf: {  	[dreg:$0x3] =	wrdreg s2  }
0xb0: {  	[dreg:$0x4] =	wrdreg $0x9  }
0xb1: {  	_ =	task.clear_ibuf [dreg:s7], $0x5FFFF;
	_ =	strace $0x90000046  }
0xb2: {  	s29 =	simm.s32 $0x9;
	_ =	strace $0x80000048  }
0xb3: {  	_ =	swait.ge [sflag:s29], $0x1  }
0xb4: {  	[sflag:s29] =	ssyncadd.s32 $0xFFFFFFFF  }
0xb5: {  	_ =	strace $0x90000048  }
0xb6: {  	_ =	sfence  }
0xb7: {  	s30 =	sld [smem:$0x0];
	_ =	sdelay $0x2  }
0xb8: {  	s31 =	sshll.u32 s1, $0xD;
	s1 =	sshrl.u32 s1, $0x2  }
0xb9: {  	s3 =	sand.u32 $0x4000, s31;
	s1 =	sadd.s32 s1, s30  }
0xba: {  	s0 =	sor.u32 s3, s0;
	s1 =	sshll.u32 s1, $0x11  }
0xbb: {  	s0 =	sor.u32 s1, s0  }
0xbc: {  	s0 =	sadd.s32 $0x8F2B, s0  }
0xbd: {  	[sflag:s0] =	ssyncadd.remote.s32 $0x1  }
0xbe: {  	_ =	sfence.sel $0xFFFF  }
0xbf: {  	[dreg:$0x0] =	wrdreg $0xFFFFFFFF;
	(pc) =	sbr.abs _section_cstart, $3  }
0xc0: {  	[dreg:$0x1] =	wrdreg $0xFFFFFFFF  }
0xc1: {  	_ =	task.clear_ibuf [dreg:s7], $0x2FFFF;
	_ =	strace $0x9FFFFFFF  }
0xc2: {  	(tm) =	ssettm $0x7FFFFFFF  }
0xc3: {  	_ =	shalt  }
tec
execute0_lowered:
.L_overlay_start_1:
0x0: {  	(tag) =	ssettag $0x1  }
0x1: {  	s4 =	rddreg [dreg:$0x0];
	s1 =	srdreg.scid  }
0x2: {  	s0 =	stileid.u32;
	s5 =	rddreg [dreg:$0x1];
	s2 =	simm.s32 $0x0  }
0x3: {  	s9 =	simm.s32 $0xFFFFFF90;
	s13 =	simm.s32 $0x9A0;
	s14 =	simm.s32 $0xD0B0  }
0x4: {  	s15 =	simm.s32 $0x1;
	s16 =	simm.s32 $0x2;
	s17 =	simm.s32 $0x3  }
0x5: {  	s18 =	simm.s32 $0x4;
	s6 =	sand.u32 $0x1, s1;
	s1 =	rddreg [dreg:$0x2]  }
0x6: {  	s19 =	simm.s32 $0x0;
	s3 =	sshll.u32 s0, $0x1;
	[smem:$0x7FF] =	sst s2  }
0x7: {  	s31 =	smul.u32 $0xC40, s0;
	s7 =	sor.u32 s6, s3;
	p0 =	seq.s32 s6, $0x1  }
0x8: {  	_ =	strace $0x80000047;
	s3 =	sadd.s32 $0x1C00, s4;
	s8 =	smul.u32 $0x620, s7  }
0x9: {  	s10 =	ssub.s32 $0x2, s6;
	s9 =	simm.s32 @!p0 $0x0;
	s11 =	smul.u32 $0x18800, s7  }
0xa: {  	s12 =	smul.u32 $0x620, s6;
	s29 =	sshrl.u32 s10, $0x1;
	s8 =	sadd.s32 s9, s8  }
0xb: {  	v0 =	vlaneseq.u32;
	s7 =	smul.u32 $0x3100, s7;
	s30 =	sshrl.u32 s11, $0x3;
	s11 =	simm.s32 $0x690;
	v1 =	vmov s8  }
0xc: {  	v2 =	vand.u32 $0x1, v0;
	s9 =	sshrl.u32 s8, $0x3;
	s8 =	sadd.s32 s12, s31;
	s12 =	simm.s32 $0xCB0;
	v1 =	vsub.s32 $0x0, v1  }
0xd: {  	v2 =	vmul.u32 $0xE0, v2;
	s4 =	sadd.s32 s9, s4;
	s9 =	ssub.s32 s10, s29;
	s10 =	sadd.s32 s5, s30;
	v1 =	vbroadcast v1, $0x0  }
0xe: {  	s5 =	sadd.s32 s5, s7;
	s4 =	sadd.s32 $0xC5200, s4;
	s6 =	sadd.s32 $0x1880, s10  }
0xf: {  	s7 =	smax.u32 s9, $0x1;
	s9 =	simm.s32 $0x5;
	s10 =	simm.s32 $0x310;
	v1 =	vadd.s32 v2, v1  }
.LBB2_1:
0x10: {  	v2 =	vmov s8  }
0x11: {  	v2 =	vshrl.u32 v2, $0x6  }
0x12: {  	v2 =	vcvt.s32.f32 v2;
	_ =	sdelay $0x1  }
0x13: {  	v2 =	vadd.f32 $5.000000000e-01, v2  }
0x14: {  	s20 =	sadd.s32 $0x10, s8  }
0x15: {  	v3 =	vmov s20;
	v2 =	vmul.f32 $1.428571490e-01, v2  }
0x16: {  	v3 =	vshrl.u32 v3, $0x6  }
0x17: {  	v3 =	vcvt.s32.f32 v3;
	v2 =	vtrunc.f32 v2  }
0x18: {  	v2 =	vcvt.f32.s32 v2  }
0x19: {  	v4 =	vor.u32 s8, v0;
	v3 =	vadd.f32 $5.000000000e-01, v3  }
0x1a: {  	v4 =	vshrl.u32 v4, $0x1;
	v2 =	vmul.u32 $0xE0, v2  }
0x1b: {  	s22 =	sadd.s32 $0x10, s20;
	v5 =	vadd.s32 v4, v1;
	v3 =	vmul.f32 $1.428571490e-01, v3  }
0x1c: {  	v4 =	vand.u32 $0x7, v4;
	v2 =	vadd.s32 v2, v5;
	v5 =	vmov s22  }
0x1d: {  	v3 =	vtrunc.f32 v3;
	v2 =	vand.u32 $0xFFFFFFF8, v2;
	v5 =	vshrl.u32 v5, $0x6  }
0x1e: {  	v3 =	vcvt.f32.s32 v3;
	v2 =	vor.u32 v4, v2;
	v4 =	vcvt.s32.f32 v5  }
0x1f: {  	[tilespmem:s2], [sflag:$0x5] =	stream.linear.gather [hbm4b:s4+s2], $0x690, $0x38;
	v5 =	vor.u32 s20, v0;
	[tilespmem:$0x194B0] =	vst v63  }
0x20: {  	_ =	swait.ge [sflag:s9], $0x690;
	v6 =	vshrl.u32 v5, $0x1;
	v5 =	vmul.u32 $0xE0, v3;
	v4 =	vadd.f32 $5.000000000e-01, v4  }
0x21: {  	s23 =	simm.s32 $0x40;
	[sflag:s9] =	ssyncset.done $0x0;
	v7 =	vadd.s32 v6, v1  }
0x22: {  	s21 =	simm.s32 $0x80;
	s24 =	sadd.s32 $0x10, s22;
	[sflag:s9] =	ssyncadd.s32 $0xFFFFF970;
	v3 =	vmul.f32 $1.428571490e-01, v4;
	v4 =	vadd.s32 v5, v7  }
0x23: {  	s26 =	simm.s32 $0x100;
	s25 =	simm.s32 $0x0;
	s20 =	simm.s32 $0xC0;
	v6 =	vand.u32 $0x7, v6;
	v5 =	vmov s24;
	v2 =	vld.idx.msk [tilespmem:v2+s2+$0x0], $0xffff;
	v4 =	vand.u32 $0xFFFFFFF8, v4  }
.LBB2_2:
0x24: {  	p0 =	sne.s32 s26, $0x1840;
	v5 =	vshrl.u32 v5, $0x6;
	v3 =	vtrunc.f32 v3;
	v4 =	vor.u32 v6, v4  }
0x25: {  	v5 =	vcvt.s32.f32 v5;
	v3 =	vcvt.f32.s32 v3  }
.Ltmp0:
0x26: {  	v6 =	vor.u32 s22, v0;
	s22 =	smov.u32 s24;
	(pc) =	sbr.rel @p0 .LBB2_2-.Ltmp0, $4  }
0x27: {  	s28 =	sshra.s32 s25, $0x2;
	s25 =	smov.u32 s23;
	s23 =	smov.u32 s21;
	v6 =	vshrl.u32 v6, $0x1;
	v5 =	vadd.f32 $5.000000000e-01, v5;
	v7 =	vmul.u32 $0xE0, v3  }
0x28: {  	s21 =	smov.u32 s20;
	s20 =	smov.u32 s26;
	v8 =	vadd.s32 v6, v1;
	[tilespmem:s28+$0x690] =	vst v2  }
0x29: {  	s24 =	sadd.s32 $0x10, s24;
	v3 =	vmul.f32 $1.428571490e-01, v5;
	v7 =	vadd.s32 v7, v8;
	v2 =	vld.idx.msk [tilespmem:v4+s2+$0x0], $0xffff  }
0x2a: {  	s26 =	sadd.s32 $0x40, s26;
	v6 =	vand.u32 $0x7, v6;
	v5 =	vmov s24;
	v4 =	vand.u32 $0xFFFFFFF8, v7  }
0x2b: {  	v5 =	vshrl.u32 v5, $0x6  }
0x2c: {  	v3 =	vtrunc.f32 v3;
	v5 =	vcvt.s32.f32 v5  }
0x2d: {  	v4 =	vor.u32 v6, v4;
	v3 =	vcvt.f32.s32 v3  }
0x2e: {  	v58 =	vor.u32 s22, v0;
	v5 =	vadd.f32 $5.000000000e-01, v5  }
0x2f: {  	v6 =	vshrl.u32 v58, $0x1;
	v3 =	vmul.u32 $0xE0, v3  }
0x30: {  	s30 =	sshra.s32 s25, $0x2;
	v7 =	vadd.s32 v6, v1;
	v5 =	vmul.f32 $1.428571490e-01, v5  }
0x31: {  	[tilespmem:s30+$0x690] =	vst v2;
	v2 =	vadd.s32 v3, v7  }
0x32: {  	v59 =	vand.u32 $0x7, v6;
	v3 =	vld.idx.msk [tilespmem:v4+s2+$0x0], $0xffff;
	v2 =	vand.u32 $0xFFFFFFF8, v2;
	v5 =	vtrunc.f32 v5  }
0x33: {  	v2 =	vor.u32 v59, v2;
	v60 =	vcvt.f32.s32 v5  }
0x34: {  	v61 =	vor.u32 s24, v0  }
0x35: {  	v5 =	vshrl.u32 v61, $0x1;
	v4 =	vmul.u32 $0xE0, v60  }
0x36: {  	s31 =	sshra.s32 s23, $0x2;
	v62 =	vadd.s32 v5, v1  }
0x37: {  	[tilespmem:s31+$0x690] =	vst v3;
	v3 =	vadd.s32 v4, v62  }
0x38: {  	v63 =	vand.u32 $0x7, v5;
	v2 =	vld.idx.msk [tilespmem:v2+s2+$0x0], $0xffff;
	v3 =	vand.u32 $0xFFFFFFF8, v3  }
0x39: {  	v3 =	vor.u32 v63, v3;
	_ =	sdelay $0x2  }
0x3a: {  	s21 =	sshra.s32 s21, $0x2  }
0x3b: {  	[tilespmem:s21+$0x690] =	vst v2  }
0x3c: {  	v2 =	vld.idx.msk [tilespmem:v3+s2+$0x0], $0xffff;
	_ =	sdelay $0x3  }
0x3d: {  	s20 =	sshra.s32 s20, $0x2  }
0x3e: {  	[tilespmem:s20+$0x690] =	vst v2  }
0x3f: {  	[tilespmem:s12], [sflag:$0x1] =	stream.indirect.gather [hbm4b:s3+s10], $0x40, s11, s10, $0xb8;
	[tilespmem:$0x194B0] =	vst v63  }
0x40: {  	_ = 	snop  }
0x41: {  	[tilespmem:s14], [sflag:$0x2] =	stream.indirect.gather [hbm4b:s3+s10], $0x40, s13, s10, $0xb8;
	[tilespmem:$0x194B0] =	vst v63  }
0x42: {  	_ =	swait.ge [sflag:s15], $0xC400  }
0x43: {  	[sflag:s15] =	ssyncset.done $0x0  }
0x44: {  	[sflag:s15] =	ssyncadd.s32 $0xFFFF3C00  }
0x45: {  	[hbm4b:s5+s2] =	stream.linear.scatter [tilespmem:s12], [sflag:$0x3], $0xC400, $0x38;
	[tilespmem:$0x194B0] =	vst v63  }
0x46: {  	_ =	swait.ge [sflag:s16], $0xC400  }
0x47: {  	[sflag:s16] =	ssyncset.done $0x0  }
0x48: {  	s19 =	sadd.s32 $0x1, s19;
	[sflag:s16] =	ssyncadd.s32 $0xFFFF3C00  }
0x49: {  	[hbm4b:s6+s2] =	stream.linear.scatter [tilespmem:s14], [sflag:$0x4], $0xC400, $0x38;
	[tilespmem:$0x194B0] =	vst v63  }
0x4a: {  	p0 =	sne.s32 s19, s7;
	_ =	swait.ge [sflag:s17], $0xC400  }
.Ltmp1:
0x4b: {  	[sflag:s17] =	ssyncset.done $0x0;
	(pc) =	sbr.rel @p0 .LBB2_1-.Ltmp1, $4  }
0x4c: {  	[sflag:s17] =	ssyncadd.s32 $0xFFFF3C00  }
0x4d: {  	_ =	swait.ge [sflag:s18], $0xC400  }
0x4e: {  	[sflag:s18] =	ssyncset.done $0x0  }
0x4f: {  	[sflag:s18] =	ssyncadd.s32 $0xFFFF3C00  }
0x50: {  	_ =	sfence.sel $0x180000  }
0x51: {  	[bflag:$0x0] =	sbarrier.arrive $0xFFFF  }
0x52: {  	p0 =	sne.s32 s0, $0x0;
	_ =	strace $0x90000047  }
0x53: {  	s0 =	sadd.s32 @!p0 $0x100000, s1;
	[bflag:$0x2] =	sbarrier.arrive $0xFFFF  }
0x54: {  	[sflag:s0] =	ssyncadd.tile.s32 @!p0 $0x1;
	_ =	shalt  }
.Lfunc_end2:
_tile_overlayer_lowered:
.L_overlay_start_2:
0x55: {  	(tag) =	ssettag $0x2  }
0x56: {  	s0 =	rddreg [dreg:$0x0];
	s2 =	stileid.u32  }
0x57: {  	s1 =	rddreg [dreg:$0x1];
	p0 =	sne.s32 s2, $0x0  }
0x58: {  	s3 =	rddreg [dreg:$0x2];
	[bflag:$0x3] =	sbarrier.arrive $0xFFFF;
	s2 =	simm.s32 @!p0 $0x1C05  }
0x59: {  	[timem:s3], [sflag:s2] =	dma.local @!p0 [hbm:s0], s1  }
0x5a: {  	s0 =	simm.s32 @!p0 $0x5  }
0x5b: {  	_ =	swait.ge @!p0 [sflag:s0], s1  }
0x5c: {  	s1 =	ssub.s32 @!p0 $0x0, s1;
	[sflag:s0] =	ssyncset.done @!p0 $0x0  }
0x5d: {  	[sflag:s0] =	ssyncadd.s32 @!p0 s1  }
0x5e: {  	[bflag:$0x3] =	sbarrier.arrive $0xFFFF  }
0x5f: {  	_ =	shalt  }

// kernel: kernel.17.cloned.1.call-start
scs
__scs_entry_jumppad:
0x0: {  	(pc) =	sbr.rel $0x88, $3  }
0x1: {  	(tag) =	ssettag $0x0;
	lr =	simm.s32 $0x1  }
0x2: {  	[smem:$0x3F9D] =	sst lr;
	_ =	strace $0xD0000000  }
0x3: {  	_ = 	snop  }
0x4: {  	_ = 	snop  }
0x5: {  	_ = 	snop  }
0x6: {  	_ = 	snop  }
0x7: {  	_ = 	snop  }
__scs_overlays_trampoline_lowered:
0x8: {  	[smem:$0x3FAC] =	sst s0  }
0x9: {  	[smem:$0x3FAD] =	sst s1  }
0xa: {  	[smem:$0x3FAE] =	sst s2  }
0xb: {  	[smem:$0x3FAF] =	sst s3  }
0xc: {  	[smem:$0x3FB0] =	sst s4  }
0xd: {  	[smem:$0x3FB1] =	sst s5  }
0xe: {  	[smem:$0x3FB2] =	sst s6  }
0xf: {  	[smem:$0x3FB3] =	sst s7  }
0x10: {  	[smem:$0x3FB4] =	sst s8  }
0x11: {  	[smem:$0x3FB5] =	sst s9;
	s0 =	simm.s32 @!p0 $0x0  }
0x12: {  	s1 =	sld [smem:$0x3F9B];
	s0 =	simm.s32 @p0 $0x1  }
0x13: {  	[smem:$0x3FB6] =	sst s0;
	s0 =	simm.s32 @!p1 $0x0  }
0x14: {  	s2 =	sld [smem:$0x3F9A];
	s0 =	simm.s32 @p1 $0x1  }
0x15: {  	[smem:$0x3FB7] =	sst s0;
	s0 =	simm.s32 @!p2 $0x0  }
0x16: {  	s3 =	sld [smem:$0x3FDB];
	s0 =	simm.s32 @p2 $0x1  }
0x17: {  	s4 =	simm.s32 $0x1BF5;
	[smem:$0x3FB9] =	sst s0  }
0x18: {  	s0 =	sld [smem:$0x3F9C];
	_ =	swait.ge [sflag:s4], $0x0  }
0x19: {  	s7 =	sld [smem:$0x3F9D]  }
0x1a: {  	s8 =	sadd.s32 $0xFFFFE003, lr  }
0x1b: {  	s9 =	sadd.s32 $0xFFFFFEF7, lr;
	s5 =	simm.s32 $0xFFFFFFFF;
	p2 =	slt.u32 s8, $0xFFFFF086  }
0x1c: {  	p1 =	slt.u32 s9, $0xF7A;
	s5 =	simm.s32 @!p2 $0x0  }
0x1d: {  	s5 =	simm.s32 @p1 $0x1;
	p0 =	seq.s32 s7, s2  }
0x1e: {  	s7 =	smul.u32 @!p0 $0xF7A, s2;
	p2 =	seq.s32 @!p0 s5, $0x0  }
0x1f: {  	s9 =	smul.u32 $0xF7A, s1;
	s8 =	simm.s32 @!p0 $0x1BF5;
	p2 =	por !p2, p0  }
0x20: {  	[sflag:s8] =	ssyncset.s32 @!p0 $0xFFFFF086;
	s6 =	sadd.s32 @!p0 s3, s7;
	s7 =	simm.s32 @!p0 $0x108  }
0x21: {  	s3 =	sadd.s32 s3, s9;
	s6 =	sadd.s32 @!p0 $0x88, s6;
	s7 =	simm.s32 @p2 $0x1082  }
0x22: {  	[simem:s7], [sflag:s8] =	dma.local @!p0 [hbm:s6], $0xF7A  }
0x23: {  	s9 =	sor.u32 $0xD0000000, s2;
	s6 =	simm.s32 $0x108;
	_ =	swait.ge @!p0 [sflag:s8], $0x0  }
0x24: {  	s3 =	sadd.s32 $0x88, s3;
	s6 =	simm.s32 @!p1 $0x1082;
	[sflag:s4] =	ssyncset.s32 $0xFFFFF086  }
0x25: {  	[simem:s6], [sflag:s4] =	dma.local [hbm:s3], $0xF7A  }
0x26: {  	[smem:$0x3F9D] =	sst s1;
	(tag) =	ssettag s2;
	_ =	strace s9  }
0x27: {  	s1 =	sld [smem:$0x3FAD]  }
0x28: {  	s2 =	sld [smem:$0x3FAE]  }
0x29: {  	s4 =	sld [smem:$0x3FB0]  }
0x2a: {  	p0 =	seq.s32 s5, $0x0;
	s5 =	sld [smem:$0x3FB1]  }
0x2b: {  	s6 =	sld [smem:$0x3FB2]  }
0x2c: {  	s7 =	sld [smem:$0x3FB3]  }
0x2d: {  	s3 =	simm.s32 $0x108;
	s8 =	sld [smem:$0x3FB4]  }
0x2e: {  	s3 =	simm.s32 @!p0 $0x1082;
	s9 =	sld [smem:$0x3FB5]  }
0x2f: {  	lr =	sadd.s32 s0, s3;
	s0 =	sld [smem:$0x3FAC]  }
0x30: {  	s3 =	sld [smem:$0x3FAF]  }
0x31: {  	[smem:$0x3FB8] =	sst s10  }
0x32: {  	s10 =	sld [smem:$0x3FB6];
	_ =	sdelay $0x3  }
0x33: {  	p0 =	seq.s32 s10, $0x1;
	s10 =	sld [smem:$0x3FB8];
	_ =	sdelay $0x3  }
0x34: {  	[smem:$0x3FB8] =	sst s10  }
0x35: {  	s10 =	sld [smem:$0x3FB7];
	_ =	sdelay $0x3  }
0x36: {  	p1 =	seq.s32 s10, $0x1;
	s10 =	sld [smem:$0x3FB8];
	_ =	sdelay $0x3  }
0x37: {  	[smem:$0x3FB8] =	sst s10  }
0x38: {  	s10 =	sld [smem:$0x3FB9]  }
0x39: {  	_ = 	snop;
	(pc) =	sbr.ind lr, $3  }
0x3a: {  	_ = 	snop  }
0x3b: {  	_ = 	snop  }
0x3c: {  	p2 =	seq.s32 s10, $0x1;
	s10 =	sld [smem:$0x3FB8]  }
0x3d: {  	_ =	shalt  }
0x3e: {  	_ =	shalt  }
0x3f: {  	_ =	shalt  }
0x40: {  	_ =	shalt  }
0x41: {  	_ =	shalt  }
0x42: {  	_ =	shalt  }
0x43: {  	_ =	shalt  }
0x44: {  	_ =	shalt  }
0x45: {  	_ =	shalt  }
0x46: {  	_ =	shalt  }
0x47: {  	_ =	shalt  }
0x48: {  	_ =	shalt  }
0x49: {  	_ =	shalt  }
0x4a: {  	_ =	shalt  }
0x4b: {  	_ =	shalt  }
0x4c: {  	_ =	shalt  }
0x4d: {  	_ =	shalt  }
0x4e: {  	_ =	shalt  }
0x4f: {  	_ =	shalt  }
0x50: {  	_ =	shalt  }
0x51: {  	_ =	shalt  }
0x52: {  	_ =	shalt  }
0x53: {  	_ =	shalt  }
0x54: {  	_ =	shalt  }
0x55: {  	_ =	shalt  }
0x56: {  	_ =	shalt  }
0x57: {  	_ =	shalt  }
0x58: {  	_ =	shalt  }
0x59: {  	_ =	shalt  }
0x5a: {  	_ =	shalt  }
0x5b: {  	_ =	shalt  }
0x5c: {  	_ =	shalt  }
0x5d: {  	_ =	shalt  }
0x5e: {  	_ =	shalt  }
0x5f: {  	_ =	shalt  }
0x60: {  	_ =	shalt  }
0x61: {  	_ =	shalt  }
0x62: {  	_ =	shalt  }
0x63: {  	_ =	shalt  }
0x64: {  	_ =	shalt  }
0x65: {  	_ =	shalt  }
0x66: {  	_ =	shalt  }
0x67: {  	_ =	shalt  }
0x68: {  	_ =	shalt  }
0x69: {  	_ =	shalt  }
0x6a: {  	_ =	shalt  }
0x6b: {  	_ =	shalt  }
0x6c: {  	_ =	shalt  }
0x6d: {  	_ =	shalt  }
0x6e: {  	_ =	shalt  }
0x6f: {  	_ =	shalt  }
0x70: {  	_ =	shalt  }
0x71: {  	_ =	shalt  }
0x72: {  	_ =	shalt  }
0x73: {  	_ =	shalt  }
0x74: {  	_ =	shalt  }
0x75: {  	_ =	shalt  }
0x76: {  	_ =	shalt  }
0x77: {  	_ =	shalt  }
0x78: {  	_ =	shalt  }
0x79: {  	_ =	shalt  }
0x7a: {  	_ =	shalt  }
0x7b: {  	_ =	shalt  }
0x7c: {  	_ =	shalt  }
0x7d: {  	_ =	shalt  }
0x7e: {  	_ =	shalt  }
0x7f: {  	_ =	shalt  }
0x80: {  	_ =	shalt  }
0x81: {  	_ =	shalt  }
0x82: {  	_ =	shalt  }
0x83: {  	_ =	shalt  }
0x84: {  	_ =	shalt  }
0x85: {  	_ =	shalt  }
0x86: {  	_ =	shalt  }
0x87: {  	_ =	shalt  }
.Lfunc_end0:
.L_simem_size_0:
called_computation.1_lowered:
.L_overlay_start_0:
0x88: {  	s2 =	sld [smem:$0x3FD9]  }
0x89: {  	s3 =	sld [smem:$0x3FFE];
	_ =	sdelay $0x1  }
0x8a: {  	s1 =	srdreg.scid  }
0x8b: {  	s0 =	sand.u32 $0x1, s1  }
0x8c: {  	s17 =	sshll.u32 s0, $0xA;
	s2 =	sadd.s32 s3, s2  }
0x8d: {  	s2 =	sadd.s32 s2, s17  }
0x8e: {  	[smem:$0x3FC4] =	sst s2  }
0x8f: {  	_ = 	snop  }
0x90: {  	(tm) =	ssettm $0x1  }
0x91: {  	s18 =	sld [smem:$0x3FFB];
	_ =	sdelay $0x3  }
0x92: {  	_ =	strace s18  }
0x93: {  	s2 =	sld [smem:$0x3FFC];
	_ =	sdelay $0x3  }
0x94: {  	_ =	strace s2  }
0x95: {  	s2 =	sld [smem:$0x3FFD];
	_ =	sdelay $0x3  }
0x96: {  	_ =	strace s2  }
0x97: {  	_ =	strace $0x8FFFFFFF  }
0x98: {  	s19 =	sld [smem:$0x3FDB];
	_ =	sdelay $0x1  }
0x99: {  	s20 =	simm.s32 $_scs_section_size  }
0x9a: {  	s4 =	simm.s32 $_size__tile_overlayer_lowered;
	s5 =	simm.s32 $_tile_overlayer_lowered  }
0x9b: {  	s6 =	simm.s32 $0x1BFF;
	s21 =	sshll.u32 s5, $0x1;
	s3 =	sadd.s32 s20, s19  }
0x9c: {  	s22 =	simm.s32 $0x0;
	s4 =	sshll.u32 s4, $0x1;
	s5 =	sadd.s32 s21, s3  }
0x9d: {  	[timem:s22], [sflag:s6] =	dma.local [hbm:s5], s4  }
0x9e: {  	_ =	swait.ge [sflag:s6], s4  }
0x9f: {  	s4 =	ssub.s32 $0x0, s4;
	[sflag:s6] =	ssyncset.done $0x0  }
0xa0: {  	[sflag:s6] =	ssyncadd.s32 s4;
	_ =	sdelay $0x1  }
0xa1: {  	s23 =	simm.s32 $0x1B8B  }
0xa2: {  	_ =	swait.ge [sflag:s23], $0x1  }
0xa3: {  	[sflag:s23] =	ssyncset.done $0x0  }
0xa4: {  	[sflag:s23] =	ssyncadd.s32 $0xFFFFFFFF  }
0xa5: {  	s4 =	sld [smem:$0x0]  }
0xa6: {  	s5 =	sand.u32 $0xFFFFFFFE, s1  }
0xa7: {  	p0 =	sne.s32 s1, s5  }
0xa8: {  	s5 =	sshll.u32 @p0 s5, $0xE  }
0xa9: {  	s5 =	sadd.s32 @p0 $0x11B8D, s5;
	s6 =	sshll.u32 @p0 s4, $0x11  }
0xaa: {  	s5 =	sor.u32 @p0 s6, s5  }
0xab: {  	[sflag:s5] =	ssyncadd.remote.s32 @p0 $0x1;
	_ =	sdelay $0x1  }
0xac: {  	s5 =	simm.s32 @p0 $0x1B8D  }
0xad: {  	_ =	swait.eq @p0 [sflag:s5], $0x1  }
0xae: {  	[sflag:s5] =	ssyncadd.s32 @p0 $0xFFFFFFFF  }
0xaf: {  	s6 =	sshll.u32 @!p0 s1, $0xE  }
0xb0: {  	s6 =	sor.u32 @!p0 $0x4000, s6;
	s5 =	simm.s32 @!p0 $0x1B8D  }
0xb1: {  	s4 =	sshll.u32 @!p0 s4, $0x11;
	s6 =	sadd.s32 @!p0 $0x11B8D, s6;
	_ =	swait.eq @!p0 [sflag:s5], $0x1  }
0xb2: {  	s4 =	sor.u32 @!p0 s4, s6;
	[sflag:s5] =	ssyncadd.s32 @!p0 $0xFFFFFFFF  }
0xb3: {  	s25 =	simm.s32 $0x1B8E;
	s24 =	sld [smem:$0x3FFE];
	[sflag:s4] =	ssyncadd.remote.s32 @!p0 $0x1  }
0xb4: {  	s26 =	simm.s32 $execute0_lowered;
	[smem:$0x3FD2] =	sst s25  }
0xb5: {  	s5 =	sshll.u32 s26, $0x1;
	_ =	strace $0x80000049;
	[dreg:$0x1] =	wrdreg $0xFFFFFFFF  }
0xb6: {  	s28 =	simm.s32 $_size_execute0_lowered;
	s3 =	sadd.s32 s3, s5;
	[dreg:$0x0] =	wrdreg $0x0  }
0xb7: {  	s5 =	sshll.u32 s28, $0x1;
	[dreg:$0x2] =	wrdreg s3  }
0xb8: {  	[dreg:$0x3] =	wrdreg s5  }
0xb9: {  	[dreg:$0x4] =	wrdreg $0xC0  }
0xba: {  	_ =	task [dreg:s22], $0x5FFFF  }
0xbb: {  	[dreg:$0x1] =	wrdreg $0xFFFFFFFF  }
0xbc: {  	[dreg:$0x0] =	wrdreg $0x60  }
0xbd: {  	[dreg:$0x2] =	wrdreg s24  }
0xbe: {  	[dreg:$0x3] =	wrdreg $0xA  }
0xbf: {  	_ =	task.clear_ibuf [dreg:s22], $0x4FFFF;
	_ =	strace $0x90000049  }
0xc0: {  	s29 =	simm.s32 $0xA;
	_ =	strace $0x8000004B  }
0xc1: {  	_ =	swait.ge [sflag:s29], $0x1  }
0xc2: {  	[sflag:s29] =	ssyncadd.s32 $0xFFFFFFFF  }
0xc3: {  	_ =	strace $0x9000004B  }
0xc4: {  	_ =	sfence  }
0xc5: {  	s30 =	sld [smem:$0x0];
	_ =	sdelay $0x2  }
0xc6: {  	s31 =	sshll.u32 s1, $0xD;
	s1 =	sshrl.u32 s1, $0x2  }
0xc7: {  	s4 =	sand.u32 $0x4000, s31;
	s1 =	sadd.s32 s1, s30  }
0xc8: {  	s0 =	sor.u32 s4, s0;
	s1 =	sshll.u32 s1, $0x11  }
0xc9: {  	s0 =	sor.u32 s1, s0  }
0xca: {  	s0 =	sadd.s32 $0x8F2B, s0  }
0xcb: {  	[sflag:s0] =	ssyncadd.remote.s32 $0x1  }
0xcc: {  	_ =	sfence.sel $0xFFFF  }
0xcd: {  	[dreg:$0x0] =	wrdreg $0xFFFFFFFF;
	(pc) =	sbr.abs _section_cstart, $3  }
0xce: {  	[dreg:$0x1] =	wrdreg $0xFFFFFFFF  }
0xcf: {  	_ =	task.clear_ibuf [dreg:s22], $0x2FFFF;
	_ =	strace $0x9FFFFFFF  }
0xd0: {  	(tm) =	ssettm $0x7FFFFFFF  }
0xd1: {  	_ =	shalt  }
tec
execute0_lowered:
.L_overlay_start_1:
0x0: {  	(tag) =	ssettag $0x1  }
0x1: {  	s1 =	srdreg.scid;
	s0 =	stileid.u32  }
0x2: {  	s4 =	rddreg [dreg:$0x0];
	s7 =	simm.s32 $0xFFFFFF90;
	s2 =	simm.s32 $0x0  }
0x3: {  	s13 =	simm.s32 $0x9A0;
	s14 =	simm.s32 $0xD0B0;
	s15 =	simm.s32 $0x1  }
0x4: {  	s16 =	simm.s32 $0x2;
	s17 =	simm.s32 $0x3;
	s18 =	simm.s32 $0x4  }
0x5: {  	s19 =	simm.s32 $0x0;
	s5 =	sand.u32 $0x1, s1;
	s1 =	rddreg [dreg:$0x1]  }
0x6: {  	s28 =	sshll.u32 s0, $0x1;
	[smem:$0x7FF] =	sst s2;
	s12 =	smul.u32 $0xC40, s0  }
0x7: {  	s11 =	sadd.s32 $0xC8600, s4;
	s6 =	sor.u32 s5, s28;
	s31 =	smul.u32 $0x620, s5  }
0x8: {  	p0 =	seq.s32 s5, $0x1;
	_ =	strace $0x8000004A;
	s3 =	smul.u32 $0x620, s6  }
0x9: {  	s9 =	ssub.s32 $0x2, s5;
	s7 =	simm.s32 @!p0 $0x0;
	s10 =	smul.u32 $0x18800, s6  }
0xa: {  	s29 =	sshrl.u32 s9, $0x1;
	s6 =	smul.u32 $0x3100, s6;
	s7 =	sadd.s32 s7, s3  }
0xb: {  	v0 =	vlaneseq.u32;
	s9 =	ssub.s32 s9, s29;
	s3 =	sadd.s32 $0x1C00, s4;
	s10 =	sshrl.u32 s10, $0x3;
	v1 =	vmov s7  }
0xc: {  	v2 =	vand.u32 $0x1, v0;
	s5 =	sadd.s32 s11, s6;
	s8 =	sshrl.u32 s7, $0x3;
	s30 =	sadd.s32 s11, s10;
	v1 =	vsub.s32 $0x0, v1  }
0xd: {  	v2 =	vmul.u32 $0xE0, v2;
	s7 =	smax.u32 s9, $0x1;
	s9 =	simm.s32 $0x5;
	s10 =	simm.s32 $0x310;
	v1 =	vbroadcast v1, $0x0  }
0xe: {  	s11 =	simm.s32 $0x690;
	s8 =	sadd.s32 s8, s4;
	s6 =	sadd.s32 $0x1880, s30  }
0xf: {  	s4 =	sadd.s32 $0xC6C00, s8;
	s8 =	sadd.s32 s31, s12;
	s12 =	simm.s32 $0xCB0;
	v1 =	vadd.s32 v2, v1  }
.LBB2_1:
0x10: {  	v2 =	vmov s8  }
0x11: {  	v2 =	vshrl.u32 v2, $0x6  }
0x12: {  	v2 =	vcvt.s32.f32 v2;
	_ =	sdelay $0x1  }
0x13: {  	v2 =	vadd.f32 $5.000000000e-01, v2  }
0x14: {  	s20 =	sadd.s32 $0x10, s8  }
0x15: {  	v3 =	vmov s20;
	v2 =	vmul.f32 $1.428571490e-01, v2  }
0x16: {  	v3 =	vshrl.u32 v3, $0x6  }
0x17: {  	v3 =	vcvt.s32.f32 v3;
	v2 =	vtrunc.f32 v2  }
0x18: {  	v2 =	vcvt.f32.s32 v2  }
0x19: {  	v4 =	vor.u32 s8, v0;
	v3 =	vadd.f32 $5.000000000e-01, v3  }
0x1a: {  	v4 =	vshrl.u32 v4, $0x1;
	v2 =	vmul.u32 $0xE0, v2  }
0x1b: {  	s22 =	sadd.s32 $0x10, s20;
	v5 =	vadd.s32 v4, v1;
	v3 =	vmul.f32 $1.428571490e-01, v3  }
0x1c: {  	v4 =	vand.u32 $0x7, v4;
	v2 =	vadd.s32 v2, v5;
	v5 =	vmov s22  }
0x1d: {  	v3 =	vtrunc.f32 v3;
	v2 =	vand.u32 $0xFFFFFFF8, v2;
	v5 =	vshrl.u32 v5, $0x6  }
0x1e: {  	v3 =	vcvt.f32.s32 v3;
	v2 =	vor.u32 v4, v2;
	v4 =	vcvt.s32.f32 v5  }
0x1f: {  	[tilespmem:s2], [sflag:$0x5] =	stream.linear.gather [hbm4b:s4+s2], $0x690, $0x38;
	v5 =	vor.u32 s20, v0;
	[tilespmem:$0x194B0] =	vst v63  }
0x20: {  	_ =	swait.ge [sflag:s9], $0x690;
	v6 =	vshrl.u32 v5, $0x1;
	v5 =	vmul.u32 $0xE0, v3;
	v4 =	vadd.f32 $5.000000000e-01, v4  }
0x21: {  	s23 =	simm.s32 $0x40;
	[sflag:s9] =	ssyncset.done $0x0;
	v7 =	vadd.s32 v6, v1  }
0x22: {  	s21 =	simm.s32 $0x80;
	s24 =	sadd.s32 $0x10, s22;
	[sflag:s9] =	ssyncadd.s32 $0xFFFFF970;
	v3 =	vmul.f32 $1.428571490e-01, v4;
	v4 =	vadd.s32 v5, v7  }
0x23: {  	s26 =	simm.s32 $0x100;
	s25 =	simm.s32 $0x0;
	s20 =	simm.s32 $0xC0;
	v6 =	vand.u32 $0x7, v6;
	v5 =	vmov s24;
	v2 =	vld.idx.msk [tilespmem:v2+s2+$0x0], $0xffff;
	v4 =	vand.u32 $0xFFFFFFF8, v4  }
.LBB2_2:
0x24: {  	p0 =	sne.s32 s26, $0x1840;
	v5 =	vshrl.u32 v5, $0x6;
	v3 =	vtrunc.f32 v3;
	v4 =	vor.u32 v6, v4  }
0x25: {  	v5 =	vcvt.s32.f32 v5;
	v3 =	vcvt.f32.s32 v3  }
.Ltmp0:
0x26: {  	v6 =	vor.u32 s22, v0;
	s22 =	smov.u32 s24;
	(pc) =	sbr.rel @p0 .LBB2_2-.Ltmp0, $4  }
0x27: {  	s28 =	sshra.s32 s25, $0x2;
	s25 =	smov.u32 s23;
	s23 =	smov.u32 s21;
	v6 =	vshrl.u32 v6, $0x1;
	v5 =	vadd.f32 $5.000000000e-01, v5;
	v7 =	vmul.u32 $0xE0, v3  }
0x28: {  	s21 =	smov.u32 s20;
	s20 =	smov.u32 s26;
	v8 =	vadd.s32 v6, v1;
	[tilespmem:s28+$0x690] =	vst v2  }
0x29: {  	s24 =	sadd.s32 $0x10, s24;
	v3 =	vmul.f32 $1.428571490e-01, v5;
	v7 =	vadd.s32 v7, v8;
	v2 =	vld.idx.msk [tilespmem:v4+s2+$0x0], $0xffff  }
0x2a: {  	s26 =	sadd.s32 $0x40, s26;
	v6 =	vand.u32 $0x7, v6;
	v5 =	vmov s24;
	v4 =	vand.u32 $0xFFFFFFF8, v7  }
0x2b: {  	v5 =	vshrl.u32 v5, $0x6  }
0x2c: {  	v3 =	vtrunc.f32 v3;
	v5 =	vcvt.s32.f32 v5  }
0x2d: {  	v4 =	vor.u32 v6, v4;
	v3 =	vcvt.f32.s32 v3  }
0x2e: {  	v58 =	vor.u32 s22, v0;
	v5 =	vadd.f32 $5.000000000e-01, v5  }
0x2f: {  	v6 =	vshrl.u32 v58, $0x1;
	v3 =	vmul.u32 $0xE0, v3  }
0x30: {  	s30 =	sshra.s32 s25, $0x2;
	v7 =	vadd.s32 v6, v1;
	v5 =	vmul.f32 $1.428571490e-01, v5  }
0x31: {  	[tilespmem:s30+$0x690] =	vst v2;
	v2 =	vadd.s32 v3, v7  }
0x32: {  	v59 =	vand.u32 $0x7, v6;
	v3 =	vld.idx.msk [tilespmem:v4+s2+$0x0], $0xffff;
	v2 =	vand.u32 $0xFFFFFFF8, v2;
	v5 =	vtrunc.f32 v5  }
0x33: {  	v2 =	vor.u32 v59, v2;
	v60 =	vcvt.f32.s32 v5  }
0x34: {  	v61 =	vor.u32 s24, v0  }
0x35: {  	v5 =	vshrl.u32 v61, $0x1;
	v4 =	vmul.u32 $0xE0, v60  }
0x36: {  	s31 =	sshra.s32 s23, $0x2;
	v62 =	vadd.s32 v5, v1  }
0x37: {  	[tilespmem:s31+$0x690] =	vst v3;
	v3 =	vadd.s32 v4, v62  }
0x38: {  	v63 =	vand.u32 $0x7, v5;
	v2 =	vld.idx.msk [tilespmem:v2+s2+$0x0], $0xffff;
	v3 =	vand.u32 $0xFFFFFFF8, v3  }
0x39: {  	v3 =	vor.u32 v63, v3;
	_ =	sdelay $0x2  }
0x3a: {  	s21 =	sshra.s32 s21, $0x2  }
0x3b: {  	[tilespmem:s21+$0x690] =	vst v2  }
0x3c: {  	v2 =	vld.idx.msk [tilespmem:v3+s2+$0x0], $0xffff;
	_ =	sdelay $0x3  }
0x3d: {  	s20 =	sshra.s32 s20, $0x2  }
0x3e: {  	[tilespmem:s20+$0x690] =	vst v2  }
0x3f: {  	[tilespmem:s12], [sflag:$0x1] =	stream.indirect.gather [hbm4b:s3+s10], $0x40, s11, s10, $0xb8;
	[tilespmem:$0x194B0] =	vst v63  }
0x40: {  	_ = 	snop  }
0x41: {  	[tilespmem:s14], [sflag:$0x2] =	stream.indirect.gather [hbm4b:s3+s10], $0x40, s13, s10, $0xb8;
	[tilespmem:$0x194B0] =	vst v63  }
0x42: {  	_ =	swait.ge [sflag:s15], $0xC400  }
0x43: {  	[sflag:s15] =	ssyncset.done $0x0  }
0x44: {  	[sflag:s15] =	ssyncadd.s32 $0xFFFF3C00  }
0x45: {  	[hbm4b:s5+s2] =	stream.linear.scatter [tilespmem:s12], [sflag:$0x3], $0xC400, $0x38;
	[tilespmem:$0x194B0] =	vst v63  }
0x46: {  	_ =	swait.ge [sflag:s16], $0xC400  }
0x47: {  	[sflag:s16] =	ssyncset.done $0x0  }
0x48: {  	s19 =	sadd.s32 $0x1, s19;
	[sflag:s16] =	ssyncadd.s32 $0xFFFF3C00  }
0x49: {  	[hbm4b:s6+s2] =	stream.linear.scatter [tilespmem:s14], [sflag:$0x4], $0xC400, $0x38;
	[tilespmem:$0x194B0] =	vst v63  }
0x4a: {  	p0 =	sne.s32 s19, s7;
	_ =	swait.ge [sflag:s17], $0xC400  }
.Ltmp1:
0x4b: {  	[sflag:s17] =	ssyncset.done $0x0;
	(pc) =	sbr.rel @p0 .LBB2_1-.Ltmp1, $4  }
0x4c: {  	[sflag:s17] =	ssyncadd.s32 $0xFFFF3C00  }
0x4d: {  	_ =	swait.ge [sflag:s18], $0xC400  }
0x4e: {  	[sflag:s18] =	ssyncset.done $0x0  }
0x4f: {  	[sflag:s18] =	ssyncadd.s32 $0xFFFF3C00  }
0x50: {  	_ =	sfence.sel $0x180000  }
0x51: {  	[bflag:$0x0] =	sbarrier.arrive $0xFFFF  }
0x52: {  	p0 =	sne.s32 s0, $0x0;
	_ =	strace $0x9000004A  }
0x53: {  	s0 =	sadd.s32 @!p0 $0x100000, s1;
	[bflag:$0x2] =	sbarrier.arrive $0xFFFF  }
0x54: {  	[sflag:s0] =	ssyncadd.tile.s32 @!p0 $0x1;
	_ =	shalt  }
.Lfunc_end2:
_tile_overlayer_lowered:
.L_overlay_start_2:
0x55: {  	(tag) =	ssettag $0x2  }
0x56: {  	s0 =	rddreg [dreg:$0x0];
	s2 =	stileid.u32  }
0x57: {  	s1 =	rddreg [dreg:$0x1];
	p0 =	sne.s32 s2, $0x0  }
0x58: {  	s3 =	rddreg [dreg:$0x2];
	[bflag:$0x3] =	sbarrier.arrive $0xFFFF;
	s2 =	simm.s32 @!p0 $0x1C05  }
0x59: {  	[timem:s3], [sflag:s2] =	dma.local @!p0 [hbm:s0], s1  }
0x5a: {  	s0 =	simm.s32 @!p0 $0x5  }
0x5b: {  	_ =	swait.ge @!p0 [sflag:s0], s1  }
0x5c: {  	s1 =	ssub.s32 @!p0 $0x0, s1;
	[sflag:s0] =	ssyncset.done @!p0 $0x0  }
0x5d: {  	[sflag:s0] =	ssyncadd.s32 @!p0 s1  }
0x5e: {  	[bflag:$0x3] =	sbarrier.arrive $0xFFFF  }
0x5f: {  	_ =	shalt  }

// kernel: kernel.20.cloned.1.call-start
scs
__scs_entry_jumppad:
0x0: {  	(pc) =	sbr.rel $0x88, $3  }
0x1: {  	(tag) =	ssettag $0x0;
	lr =	simm.s32 $0x1  }
0x2: {  	[smem:$0x3F9D] =	sst lr;
	_ =	strace $0xD0000000  }
0x3: {  	_ = 	snop  }
0x4: {  	_ = 	snop  }
0x5: {  	_ = 	snop  }
0x6: {  	_ = 	snop  }
0x7: {  	_ = 	snop  }
__scs_overlays_trampoline_lowered:
0x8: {  	[smem:$0x3FAC] =	sst s0  }
0x9: {  	[smem:$0x3FAD] =	sst s1  }
0xa: {  	[smem:$0x3FAE] =	sst s2  }
0xb: {  	[smem:$0x3FAF] =	sst s3  }
0xc: {  	[smem:$0x3FB0] =	sst s4  }
0xd: {  	[smem:$0x3FB1] =	sst s5  }
0xe: {  	[smem:$0x3FB2] =	sst s6  }
0xf: {  	[smem:$0x3FB3] =	sst s7  }
0x10: {  	[smem:$0x3FB4] =	sst s8  }
0x11: {  	[smem:$0x3FB5] =	sst s9;
	s0 =	simm.s32 @!p0 $0x0  }
0x12: {  	s1 =	sld [smem:$0x3F9B];
	s0 =	simm.s32 @p0 $0x1  }
0x13: {  	[smem:$0x3FB6] =	sst s0;
	s0 =	simm.s32 @!p1 $0x0  }
0x14: {  	s2 =	sld [smem:$0x3F9A];
	s0 =	simm.s32 @p1 $0x1  }
0x15: {  	[smem:$0x3FB7] =	sst s0;
	s0 =	simm.s32 @!p2 $0x0  }
0x16: {  	s3 =	sld [smem:$0x3FDB];
	s0 =	simm.s32 @p2 $0x1  }
0x17: {  	s4 =	simm.s32 $0x1BF5;
	[smem:$0x3FB9] =	sst s0  }
0x18: {  	s0 =	sld [smem:$0x3F9C];
	_ =	swait.ge [sflag:s4], $0x0  }
0x19: {  	s7 =	sld [smem:$0x3F9D]  }
0x1a: {  	s8 =	sadd.s32 $0xFFFFE003, lr  }
0x1b: {  	s9 =	sadd.s32 $0xFFFFFEF7, lr;
	s5 =	simm.s32 $0xFFFFFFFF;
	p2 =	slt.u32 s8, $0xFFFFF086  }
0x1c: {  	p1 =	slt.u32 s9, $0xF7A;
	s5 =	simm.s32 @!p2 $0x0  }
0x1d: {  	s5 =	simm.s32 @p1 $0x1;
	p0 =	seq.s32 s7, s2  }
0x1e: {  	s7 =	smul.u32 @!p0 $0xF7A, s2;
	p2 =	seq.s32 @!p0 s5, $0x0  }
0x1f: {  	s9 =	smul.u32 $0xF7A, s1;
	s8 =	simm.s32 @!p0 $0x1BF5;
	p2 =	por !p2, p0  }
0x20: {  	[sflag:s8] =	ssyncset.s32 @!p0 $0xFFFFF086;
	s6 =	sadd.s32 @!p0 s3, s7;
	s7 =	simm.s32 @!p0 $0x108  }
0x21: {  	s3 =	sadd.s32 s3, s9;
	s6 =	sadd.s32 @!p0 $0x88, s6;
	s7 =	simm.s32 @p2 $0x1082  }
0x22: {  	[simem:s7], [sflag:s8] =	dma.local @!p0 [hbm:s6], $0xF7A  }
0x23: {  	s9 =	sor.u32 $0xD0000000, s2;
	s6 =	simm.s32 $0x108;
	_ =	swait.ge @!p0 [sflag:s8], $0x0  }
0x24: {  	s3 =	sadd.s32 $0x88, s3;
	s6 =	simm.s32 @!p1 $0x1082;
	[sflag:s4] =	ssyncset.s32 $0xFFFFF086  }
0x25: {  	[simem:s6], [sflag:s4] =	dma.local [hbm:s3], $0xF7A  }
0x26: {  	[smem:$0x3F9D] =	sst s1;
	(tag) =	ssettag s2;
	_ =	strace s9  }
0x27: {  	s1 =	sld [smem:$0x3FAD]  }
0x28: {  	s2 =	sld [smem:$0x3FAE]  }
0x29: {  	s4 =	sld [smem:$0x3FB0]  }
0x2a: {  	p0 =	seq.s32 s5, $0x0;
	s5 =	sld [smem:$0x3FB1]  }
0x2b: {  	s6 =	sld [smem:$0x3FB2]  }
0x2c: {  	s7 =	sld [smem:$0x3FB3]  }
0x2d: {  	s3 =	simm.s32 $0x108;
	s8 =	sld [smem:$0x3FB4]  }
0x2e: {  	s3 =	simm.s32 @!p0 $0x1082;
	s9 =	sld [smem:$0x3FB5]  }
0x2f: {  	lr =	sadd.s32 s0, s3;
	s0 =	sld [smem:$0x3FAC]  }
0x30: {  	s3 =	sld [smem:$0x3FAF]  }
0x31: {  	[smem:$0x3FB8] =	sst s10  }
0x32: {  	s10 =	sld [smem:$0x3FB6];
	_ =	sdelay $0x3  }
0x33: {  	p0 =	seq.s32 s10, $0x1;
	s10 =	sld [smem:$0x3FB8];
	_ =	sdelay $0x3  }
0x34: {  	[smem:$0x3FB8] =	sst s10  }
0x35: {  	s10 =	sld [smem:$0x3FB7];
	_ =	sdelay $0x3  }
0x36: {  	p1 =	seq.s32 s10, $0x1;
	s10 =	sld [smem:$0x3FB8];
	_ =	sdelay $0x3  }
0x37: {  	[smem:$0x3FB8] =	sst s10  }
0x38: {  	s10 =	sld [smem:$0x3FB9]  }
0x39: {  	_ = 	snop;
	(pc) =	sbr.ind lr, $3  }
0x3a: {  	_ = 	snop  }
0x3b: {  	_ = 	snop  }
0x3c: {  	p2 =	seq.s32 s10, $0x1;
	s10 =	sld [smem:$0x3FB8]  }
0x3d: {  	_ =	shalt  }
0x3e: {  	_ =	shalt  }
0x3f: {  	_ =	shalt  }
0x40: {  	_ =	shalt  }
0x41: {  	_ =	shalt  }
0x42: {  	_ =	shalt  }
0x43: {  	_ =	shalt  }
0x44: {  	_ =	shalt  }
0x45: {  	_ =	shalt  }
0x46: {  	_ =	shalt  }
0x47: {  	_ =	shalt  }
0x48: {  	_ =	shalt  }
0x49: {  	_ =	shalt  }
0x4a: {  	_ =	shalt  }
0x4b: {  	_ =	shalt  }
0x4c: {  	_ =	shalt  }
0x4d: {  	_ =	shalt  }
0x4e: {  	_ =	shalt  }
0x4f: {  	_ =	shalt  }
0x50: {  	_ =	shalt  }
0x51: {  	_ =	shalt  }
0x52: {  	_ =	shalt  }
0x53: {  	_ =	shalt  }
0x54: {  	_ =	shalt  }
0x55: {  	_ =	shalt  }
0x56: {  	_ =	shalt  }
0x57: {  	_ =	shalt  }
0x58: {  	_ =	shalt  }
0x59: {  	_ =	shalt  }
0x5a: {  	_ =	shalt  }
0x5b: {  	_ =	shalt  }
0x5c: {  	_ =	shalt  }
0x5d: {  	_ =	shalt  }
0x5e: {  	_ =	shalt  }
0x5f: {  	_ =	shalt  }
0x60: {  	_ =	shalt  }
0x61: {  	_ =	shalt  }
0x62: {  	_ =	shalt  }
0x63: {  	_ =	shalt  }
0x64: {  	_ =	shalt  }
0x65: {  	_ =	shalt  }
0x66: {  	_ =	shalt  }
0x67: {  	_ =	shalt  }
0x68: {  	_ =	shalt  }
0x69: {  	_ =	shalt  }
0x6a: {  	_ =	shalt  }
0x6b: {  	_ =	shalt  }
0x6c: {  	_ =	shalt  }
0x6d: {  	_ =	shalt  }
0x6e: {  	_ =	shalt  }
0x6f: {  	_ =	shalt  }
0x70: {  	_ =	shalt  }
0x71: {  	_ =	shalt  }
0x72: {  	_ =	shalt  }
0x73: {  	_ =	shalt  }
0x74: {  	_ =	shalt  }
0x75: {  	_ =	shalt  }
0x76: {  	_ =	shalt  }
0x77: {  	_ =	shalt  }
0x78: {  	_ =	shalt  }
0x79: {  	_ =	shalt  }
0x7a: {  	_ =	shalt  }
0x7b: {  	_ =	shalt  }
0x7c: {  	_ =	shalt  }
0x7d: {  	_ =	shalt  }
0x7e: {  	_ =	shalt  }
0x7f: {  	_ =	shalt  }
0x80: {  	_ =	shalt  }
0x81: {  	_ =	shalt  }
0x82: {  	_ =	shalt  }
0x83: {  	_ =	shalt  }
0x84: {  	_ =	shalt  }
0x85: {  	_ =	shalt  }
0x86: {  	_ =	shalt  }
0x87: {  	_ =	shalt  }
.Lfunc_end0:
.L_simem_size_0:
called_computation.2_lowered:
.L_overlay_start_0:
0x88: {  	s2 =	sld [smem:$0x3FD9]  }
0x89: {  	s3 =	sld [smem:$0x3FFE];
	_ =	sdelay $0x1  }
0x8a: {  	s1 =	srdreg.scid  }
0x8b: {  	s0 =	sand.u32 $0x1, s1  }
0x8c: {  	s17 =	sshll.u32 s0, $0xA;
	s2 =	sadd.s32 s3, s2  }
0x8d: {  	s2 =	sadd.s32 s2, s17  }
0x8e: {  	[smem:$0x3FC4] =	sst s2  }
0x8f: {  	_ = 	snop  }
0x90: {  	(tm) =	ssettm $0x1  }
0x91: {  	s18 =	sld [smem:$0x3FFB];
	_ =	sdelay $0x3  }
0x92: {  	_ =	strace s18  }
0x93: {  	s2 =	sld [smem:$0x3FFC];
	_ =	sdelay $0x3  }
0x94: {  	_ =	strace s2  }
0x95: {  	s2 =	sld [smem:$0x3FFD];
	_ =	sdelay $0x3  }
0x96: {  	_ =	strace s2  }
0x97: {  	_ =	strace $0x8FFFFFFF  }
0x98: {  	s19 =	sld [smem:$0x3FDB];
	_ =	sdelay $0x1  }
0x99: {  	s20 =	simm.s32 $_scs_section_size  }
0x9a: {  	s4 =	simm.s32 $_size__tile_overlayer_lowered;
	s5 =	simm.s32 $_tile_overlayer_lowered  }
0x9b: {  	s6 =	simm.s32 $0x1BFF;
	s21 =	sshll.u32 s5, $0x1;
	s3 =	sadd.s32 s20, s19  }
0x9c: {  	s22 =	simm.s32 $0x0;
	s4 =	sshll.u32 s4, $0x1;
	s5 =	sadd.s32 s21, s3  }
0x9d: {  	[timem:s22], [sflag:s6] =	dma.local [hbm:s5], s4  }
0x9e: {  	_ =	swait.ge [sflag:s6], s4  }
0x9f: {  	s4 =	ssub.s32 $0x0, s4;
	[sflag:s6] =	ssyncset.done $0x0  }
0xa0: {  	[sflag:s6] =	ssyncadd.s32 s4;
	_ =	sdelay $0x1  }
0xa1: {  	s23 =	simm.s32 $0x1B8B  }
0xa2: {  	_ =	swait.ge [sflag:s23], $0x1  }
0xa3: {  	[sflag:s23] =	ssyncset.done $0x0  }
0xa4: {  	[sflag:s23] =	ssyncadd.s32 $0xFFFFFFFF  }
0xa5: {  	s4 =	sld [smem:$0x0]  }
0xa6: {  	s5 =	sand.u32 $0xFFFFFFFE, s1  }
0xa7: {  	p0 =	sne.s32 s1, s5  }
0xa8: {  	s5 =	sshll.u32 @p0 s5, $0xE  }
0xa9: {  	s5 =	sadd.s32 @p0 $0x11B8D, s5;
	s6 =	sshll.u32 @p0 s4, $0x11  }
0xaa: {  	s5 =	sor.u32 @p0 s6, s5  }
0xab: {  	[sflag:s5] =	ssyncadd.remote.s32 @p0 $0x1;
	_ =	sdelay $0x1  }
0xac: {  	s5 =	simm.s32 @p0 $0x1B8D  }
0xad: {  	_ =	swait.eq @p0 [sflag:s5], $0x1  }
0xae: {  	[sflag:s5] =	ssyncadd.s32 @p0 $0xFFFFFFFF  }
0xaf: {  	s6 =	sshll.u32 @!p0 s1, $0xE  }
0xb0: {  	s6 =	sor.u32 @!p0 $0x4000, s6;
	s5 =	simm.s32 @!p0 $0x1B8D  }
0xb1: {  	s4 =	sshll.u32 @!p0 s4, $0x11;
	s6 =	sadd.s32 @!p0 $0x11B8D, s6;
	_ =	swait.eq @!p0 [sflag:s5], $0x1  }
0xb2: {  	s4 =	sor.u32 @!p0 s4, s6;
	[sflag:s5] =	ssyncadd.s32 @!p0 $0xFFFFFFFF  }
0xb3: {  	s25 =	simm.s32 $0x1B8E;
	s24 =	sld [smem:$0x3FFE];
	[sflag:s4] =	ssyncadd.remote.s32 @!p0 $0x1  }
0xb4: {  	s26 =	simm.s32 $execute0_lowered;
	[smem:$0x3FD2] =	sst s25  }
0xb5: {  	s5 =	sshll.u32 s26, $0x1;
	_ =	strace $0x8000004C;
	[dreg:$0x1] =	wrdreg $0xFFFFFFFF  }
0xb6: {  	s28 =	simm.s32 $_size_execute0_lowered;
	s3 =	sadd.s32 s3, s5;
	[dreg:$0x0] =	wrdreg $0x0  }
0xb7: {  	s5 =	sshll.u32 s28, $0x1;
	[dreg:$0x2] =	wrdreg s3  }
0xb8: {  	[dreg:$0x3] =	wrdreg s5  }
0xb9: {  	[dreg:$0x4] =	wrdreg $0xC0  }
0xba: {  	_ =	task [dreg:s22], $0x5FFFF  }
0xbb: {  	[dreg:$0x1] =	wrdreg $0xFFFFFFFF  }
0xbc: {  	[dreg:$0x0] =	wrdreg $0x60  }
0xbd: {  	[dreg:$0x2] =	wrdreg s24  }
0xbe: {  	[dreg:$0x3] =	wrdreg $0xB  }
0xbf: {  	_ =	task.clear_ibuf [dreg:s22], $0x4FFFF;
	_ =	strace $0x9000004C  }
0xc0: {  	s29 =	simm.s32 $0xB;
	_ =	strace $0x8000004E  }
0xc1: {  	_ =	swait.ge [sflag:s29], $0x1  }
0xc2: {  	[sflag:s29] =	ssyncadd.s32 $0xFFFFFFFF  }
0xc3: {  	_ =	strace $0x9000004E  }
0xc4: {  	_ =	sfence  }
0xc5: {  	s30 =	sld [smem:$0x0];
	_ =	sdelay $0x2  }
0xc6: {  	s31 =	sshll.u32 s1, $0xD;
	s1 =	sshrl.u32 s1, $0x2  }
0xc7: {  	s4 =	sand.u32 $0x4000, s31;
	s1 =	sadd.s32 s1, s30  }
0xc8: {  	s0 =	sor.u32 s4, s0;
	s1 =	sshll.u32 s1, $0x11  }
0xc9: {  	s0 =	sor.u32 s1, s0  }
0xca: {  	s0 =	sadd.s32 $0x8F2B, s0  }
0xcb: {  	[sflag:s0] =	ssyncadd.remote.s32 $0x1  }
0xcc: {  	_ =	sfence.sel $0xFFFF  }
0xcd: {  	[dreg:$0x0] =	wrdreg $0xFFFFFFFF;
	(pc) =	sbr.abs _section_cstart, $3  }
0xce: {  	[dreg:$0x1] =	wrdreg $0xFFFFFFFF  }
0xcf: {  	_ =	task.clear_ibuf [dreg:s22], $0x2FFFF;
	_ =	strace $0x9FFFFFFF  }
0xd0: {  	(tm) =	ssettm $0x7FFFFFFF  }
0xd1: {  	_ =	shalt  }
tec
execute0_lowered:
.L_overlay_start_1:
0x0: {  	(tag) =	ssettag $0x1  }
0x1: {  	s1 =	srdreg.scid;
	s0 =	stileid.u32  }
0x2: {  	s4 =	rddreg [dreg:$0x0];
	s7 =	simm.s32 $0xFFFFFF90;
	s2 =	simm.s32 $0x0  }
0x3: {  	s13 =	simm.s32 $0x9A0;
	s14 =	simm.s32 $0xD0B0;
	s15 =	simm.s32 $0x1  }
0x4: {  	s16 =	simm.s32 $0x2;
	s17 =	simm.s32 $0x3;
	s18 =	simm.s32 $0x4  }
0x5: {  	s19 =	simm.s32 $0x0;
	s5 =	sand.u32 $0x1, s1;
	s1 =	rddreg [dreg:$0x1]  }
0x6: {  	s28 =	sshll.u32 s0, $0x1;
	[smem:$0x7FF] =	sst s2;
	s12 =	smul.u32 $0xC40, s0  }
0x7: {  	s11 =	sadd.s32 $0x12C000, s4;
	s6 =	sor.u32 s5, s28;
	s31 =	smul.u32 $0x620, s5  }
0x8: {  	p0 =	seq.s32 s5, $0x1;
	_ =	strace $0x8000004D;
	s3 =	smul.u32 $0x620, s6  }
0x9: {  	s9 =	ssub.s32 $0x2, s5;
	s7 =	simm.s32 @!p0 $0x0;
	s10 =	smul.u32 $0x18800, s6  }
0xa: {  	s29 =	sshrl.u32 s9, $0x1;
	s6 =	smul.u32 $0x3100, s6;
	s7 =	sadd.s32 s7, s3  }
0xb: {  	v0 =	vlaneseq.u32;
	s9 =	ssub.s32 s9, s29;
	s3 =	sadd.s32 $0x1C00, s4;
	s10 =	sshrl.u32 s10, $0x3;
	v1 =	vmov s7  }
0xc: {  	v2 =	vand.u32 $0x1, v0;
	s5 =	sadd.s32 s11, s6;
	s8 =	sshrl.u32 s7, $0x3;
	s30 =	sadd.s32 s11, s10;
	v1 =	vsub.s32 $0x0, v1  }
0xd: {  	v2 =	vmul.u32 $0xE0, v2;
	s7 =	smax.u32 s9, $0x1;
	s9 =	simm.s32 $0x5;
	s10 =	simm.s32 $0x310;
	v1 =	vbroadcast v1, $0x0  }
0xe: {  	s11 =	simm.s32 $0x690;
	s8 =	sadd.s32 s8, s4;
	s6 =	sadd.s32 $0x1880, s30  }
0xf: {  	s4 =	sadd.s32 $0x12A600, s8;
	s8 =	sadd.s32 s31, s12;
	s12 =	simm.s32 $0xCB0;
	v1 =	vadd.s32 v2, v1  }
.LBB2_1:
0x10: {  	v2 =	vmov s8  }
0x11: {  	v2 =	vshrl.u32 v2, $0x6  }
0x12: {  	v2 =	vcvt.s32.f32 v2;
	_ =	sdelay $0x1  }
0x13: {  	v2 =	vadd.f32 $5.000000000e-01, v2  }
0x14: {  	s20 =	sadd.s32 $0x10, s8  }
0x15: {  	v3 =	vmov s20;
	v2 =	vmul.f32 $1.428571490e-01, v2  }
0x16: {  	v3 =	vshrl.u32 v3, $0x6  }
0x17: {  	v3 =	vcvt.s32.f32 v3;
	v2 =	vtrunc.f32 v2  }
0x18: {  	v2 =	vcvt.f32.s32 v2  }
0x19: {  	v4 =	vor.u32 s8, v0;
	v3 =	vadd.f32 $5.000000000e-01, v3  }
0x1a: {  	v4 =	vshrl.u32 v4, $0x1;
	v2 =	vmul.u32 $0xE0, v2  }
0x1b: {  	s22 =	sadd.s32 $0x10, s20;
	v5 =	vadd.s32 v4, v1;
	v3 =	vmul.f32 $1.428571490e-01, v3  }
0x1c: {  	v4 =	vand.u32 $0x7, v4;
	v2 =	vadd.s32 v2, v5;
	v5 =	vmov s22  }
0x1d: {  	v3 =	vtrunc.f32 v3;
	v2 =	vand.u32 $0xFFFFFFF8, v2;
	v5 =	vshrl.u32 v5, $0x6  }
0x1e: {  	v3 =	vcvt.f32.s32 v3;
	v2 =	vor.u32 v4, v2;
	v4 =	vcvt.s32.f32 v5  }
0x1f: {  	[tilespmem:s2], [sflag:$0x5] =	stream.linear.gather [hbm4b:s4+s2], $0x690, $0x38;
	v5 =	vor.u32 s20, v0;
	[tilespmem:$0x194B0] =	vst v63  }
0x20: {  	_ =	swait.ge [sflag:s9], $0x690;
	v6 =	vshrl.u32 v5, $0x1;
	v5 =	vmul.u32 $0xE0, v3;
	v4 =	vadd.f32 $5.000000000e-01, v4  }
0x21: {  	s23 =	simm.s32 $0x40;
	[sflag:s9] =	ssyncset.done $0x0;
	v7 =	vadd.s32 v6, v1  }
0x22: {  	s21 =	simm.s32 $0x80;
	s24 =	sadd.s32 $0x10, s22;
	[sflag:s9] =	ssyncadd.s32 $0xFFFFF970;
	v3 =	vmul.f32 $1.428571490e-01, v4;
	v4 =	vadd.s32 v5, v7  }
0x23: {  	s26 =	simm.s32 $0x100;
	s25 =	simm.s32 $0x0;
	s20 =	simm.s32 $0xC0;
	v6 =	vand.u32 $0x7, v6;
	v5 =	vmov s24;
	v2 =	vld.idx.msk [tilespmem:v2+s2+$0x0], $0xffff;
	v4 =	vand.u32 $0xFFFFFFF8, v4  }
.LBB2_2:
0x24: {  	p0 =	sne.s32 s26, $0x1840;
	v5 =	vshrl.u32 v5, $0x6;
	v3 =	vtrunc.f32 v3;
	v4 =	vor.u32 v6, v4  }
0x25: {  	v5 =	vcvt.s32.f32 v5;
	v3 =	vcvt.f32.s32 v3  }
.Ltmp0:
0x26: {  	v6 =	vor.u32 s22, v0;
	s22 =	smov.u32 s24;
	(pc) =	sbr.rel @p0 .LBB2_2-.Ltmp0, $4  }
0x27: {  	s28 =	sshra.s32 s25, $0x2;
	s25 =	smov.u32 s23;
	s23 =	smov.u32 s21;
	v6 =	vshrl.u32 v6, $0x1;
	v5 =	vadd.f32 $5.000000000e-01, v5;
	v7 =	vmul.u32 $0xE0, v3  }
0x28: {  	s21 =	smov.u32 s20;
	s20 =	smov.u32 s26;
	v8 =	vadd.s32 v6, v1;
	[tilespmem:s28+$0x690] =	vst v2  }
0x29: {  	s24 =	sadd.s32 $0x10, s24;
	v3 =	vmul.f32 $1.428571490e-01, v5;
	v7 =	vadd.s32 v7, v8;
	v2 =	vld.idx.msk [tilespmem:v4+s2+$0x0], $0xffff  }
0x2a: {  	s26 =	sadd.s32 $0x40, s26;
	v6 =	vand.u32 $0x7, v6;
	v5 =	vmov s24;
	v4 =	vand.u32 $0xFFFFFFF8, v7  }
0x2b: {  	v5 =	vshrl.u32 v5, $0x6  }
0x2c: {  	v3 =	vtrunc.f32 v3;
	v5 =	vcvt.s32.f32 v5  }
0x2d: {  	v4 =	vor.u32 v6, v4;
	v3 =	vcvt.f32.s32 v3  }
0x2e: {  	v58 =	vor.u32 s22, v0;
	v5 =	vadd.f32 $5.000000000e-01, v5  }
0x2f: {  	v6 =	vshrl.u32 v58, $0x1;
	v3 =	vmul.u32 $0xE0, v3  }
0x30: {  	s30 =	sshra.s32 s25, $0x2;
	v7 =	vadd.s32 v6, v1;
	v5 =	vmul.f32 $1.428571490e-01, v5  }
0x31: {  	[tilespmem:s30+$0x690] =	vst v2;
	v2 =	vadd.s32 v3, v7  }
0x32: {  	v59 =	vand.u32 $0x7, v6;
	v3 =	vld.idx.msk [tilespmem:v4+s2+$0x0], $0xffff;
	v2 =	vand.u32 $0xFFFFFFF8, v2;
	v5 =	vtrunc.f32 v5  }
0x33: {  	v2 =	vor.u32 v59, v2;
	v60 =	vcvt.f32.s32 v5  }
0x34: {  	v61 =	vor.u32 s24, v0  }
0x35: {  	v5 =	vshrl.u32 v61, $0x1;
	v4 =	vmul.u32 $0xE0, v60  }
0x36: {  	s31 =	sshra.s32 s23, $0x2;
	v62 =	vadd.s32 v5, v1  }
0x37: {  	[tilespmem:s31+$0x690] =	vst v3;
	v3 =	vadd.s32 v4, v62  }
0x38: {  	v63 =	vand.u32 $0x7, v5;
	v2 =	vld.idx.msk [tilespmem:v2+s2+$0x0], $0xffff;
	v3 =	vand.u32 $0xFFFFFFF8, v3  }
0x39: {  	v3 =	vor.u32 v63, v3;
	_ =	sdelay $0x2  }
0x3a: {  	s21 =	sshra.s32 s21, $0x2  }
0x3b: {  	[tilespmem:s21+$0x690] =	vst v2  }
0x3c: {  	v2 =	vld.idx.msk [tilespmem:v3+s2+$0x0], $0xffff;
	_ =	sdelay $0x3  }
0x3d: {  	s20 =	sshra.s32 s20, $0x2  }
0x3e: {  	[tilespmem:s20+$0x690] =	vst v2  }
0x3f: {  	[tilespmem:s12], [sflag:$0x1] =	stream.indirect.gather [hbm4b:s3+s10], $0x40, s11, s10, $0xb8;
	[tilespmem:$0x194B0] =	vst v63  }
0x40: {  	_ = 	snop  }
0x41: {  	[tilespmem:s14], [sflag:$0x2] =	stream.indirect.gather [hbm4b:s3+s10], $0x40, s13, s10, $0xb8;
	[tilespmem:$0x194B0] =	vst v63  }
0x42: {  	_ =	swait.ge [sflag:s15], $0xC400  }
0x43: {  	[sflag:s15] =	ssyncset.done $0x0  }
0x44: {  	[sflag:s15] =	ssyncadd.s32 $0xFFFF3C00  }
0x45: {  	[hbm4b:s5+s2] =	stream.linear.scatter [tilespmem:s12], [sflag:$0x3], $0xC400, $0x38;
	[tilespmem:$0x194B0] =	vst v63  }
0x46: {  	_ =	swait.ge [sflag:s16], $0xC400  }
0x47: {  	[sflag:s16] =	ssyncset.done $0x0  }
0x48: {  	s19 =	sadd.s32 $0x1, s19;
	[sflag:s16] =	ssyncadd.s32 $0xFFFF3C00  }
0x49: {  	[hbm4b:s6+s2] =	stream.linear.scatter [tilespmem:s14], [sflag:$0x4], $0xC400, $0x38;
	[tilespmem:$0x194B0] =	vst v63  }
0x4a: {  	p0 =	sne.s32 s19, s7;
	_ =	swait.ge [sflag:s17], $0xC400  }
.Ltmp1:
0x4b: {  	[sflag:s17] =	ssyncset.done $0x0;
	(pc) =	sbr.rel @p0 .LBB2_1-.Ltmp1, $4  }
0x4c: {  	[sflag:s17] =	ssyncadd.s32 $0xFFFF3C00  }
0x4d: {  	_ =	swait.ge [sflag:s18], $0xC400  }
0x4e: {  	[sflag:s18] =	ssyncset.done $0x0  }
0x4f: {  	[sflag:s18] =	ssyncadd.s32 $0xFFFF3C00  }
0x50: {  	_ =	sfence.sel $0x180000  }
0x51: {  	[bflag:$0x0] =	sbarrier.arrive $0xFFFF  }
0x52: {  	p0 =	sne.s32 s0, $0x0;
	_ =	strace $0x9000004D  }
0x53: {  	s0 =	sadd.s32 @!p0 $0x100000, s1;
	[bflag:$0x2] =	sbarrier.arrive $0xFFFF  }
0x54: {  	[sflag:s0] =	ssyncadd.tile.s32 @!p0 $0x1;
	_ =	shalt  }
.Lfunc_end2:
_tile_overlayer_lowered:
.L_overlay_start_2:
0x55: {  	(tag) =	ssettag $0x2  }
0x56: {  	s0 =	rddreg [dreg:$0x0];
	s2 =	stileid.u32  }
0x57: {  	s1 =	rddreg [dreg:$0x1];
	p0 =	sne.s32 s2, $0x0  }
0x58: {  	s3 =	rddreg [dreg:$0x2];
	[bflag:$0x3] =	sbarrier.arrive $0xFFFF;
	s2 =	simm.s32 @!p0 $0x1C05  }
0x59: {  	[timem:s3], [sflag:s2] =	dma.local @!p0 [hbm:s0], s1  }
0x5a: {  	s0 =	simm.s32 @!p0 $0x5  }
0x5b: {  	_ =	swait.ge @!p0 [sflag:s0], s1  }
0x5c: {  	s1 =	ssub.s32 @!p0 $0x0, s1;
	[sflag:s0] =	ssyncset.done @!p0 $0x0  }
0x5d: {  	[sflag:s0] =	ssyncadd.s32 @!p0 s1  }
0x5e: {  	[bflag:$0x3] =	sbarrier.arrive $0xFFFF  }
0x5f: {  	_ =	shalt  }

// kernel: kernel.23.cloned.1.call-start
scs
__scs_entry_jumppad:
0x0: {  	(pc) =	sbr.rel $0x88, $3  }
0x1: {  	(tag) =	ssettag $0x0;
	lr =	simm.s32 $0x1  }
0x2: {  	[smem:$0x3F9D] =	sst lr;
	_ =	strace $0xD0000000  }
0x3: {  	_ = 	snop  }
0x4: {  	_ = 	snop  }
0x5: {  	_ = 	snop  }
0x6: {  	_ = 	snop  }
0x7: {  	_ = 	snop  }
__scs_overlays_trampoline_lowered:
0x8: {  	[smem:$0x3FAC] =	sst s0  }
0x9: {  	[smem:$0x3FAD] =	sst s1  }
0xa: {  	[smem:$0x3FAE] =	sst s2  }
0xb: {  	[smem:$0x3FAF] =	sst s3  }
0xc: {  	[smem:$0x3FB0] =	sst s4  }
0xd: {  	[smem:$0x3FB1] =	sst s5  }
0xe: {  	[smem:$0x3FB2] =	sst s6  }
0xf: {  	[smem:$0x3FB3] =	sst s7  }
0x10: {  	[smem:$0x3FB4] =	sst s8  }
0x11: {  	[smem:$0x3FB5] =	sst s9;
	s0 =	simm.s32 @!p0 $0x0  }
0x12: {  	s1 =	sld [smem:$0x3F9B];
	s0 =	simm.s32 @p0 $0x1  }
0x13: {  	[smem:$0x3FB6] =	sst s0;
	s0 =	simm.s32 @!p1 $0x0  }
0x14: {  	s2 =	sld [smem:$0x3F9A];
	s0 =	simm.s32 @p1 $0x1  }
0x15: {  	[smem:$0x3FB7] =	sst s0;
	s0 =	simm.s32 @!p2 $0x0  }
0x16: {  	s3 =	sld [smem:$0x3FDB];
	s0 =	simm.s32 @p2 $0x1  }
0x17: {  	s4 =	simm.s32 $0x1BF5;
	[smem:$0x3FB9] =	sst s0  }
0x18: {  	s0 =	sld [smem:$0x3F9C];
	_ =	swait.ge [sflag:s4], $0x0  }
0x19: {  	s7 =	sld [smem:$0x3F9D]  }
0x1a: {  	s8 =	sadd.s32 $0xFFFFE003, lr  }
0x1b: {  	s9 =	sadd.s32 $0xFFFFFEF7, lr;
	s5 =	simm.s32 $0xFFFFFFFF;
	p2 =	slt.u32 s8, $0xFFFFF086  }
0x1c: {  	p1 =	slt.u32 s9, $0xF7A;
	s5 =	simm.s32 @!p2 $0x0  }
0x1d: {  	s5 =	simm.s32 @p1 $0x1;
	p0 =	seq.s32 s7, s2  }
0x1e: {  	s7 =	smul.u32 @!p0 $0xF7A, s2;
	p2 =	seq.s32 @!p0 s5, $0x0  }
0x1f: {  	s9 =	smul.u32 $0xF7A, s1;
	s8 =	simm.s32 @!p0 $0x1BF5;
	p2 =	por !p2, p0  }
0x20: {  	[sflag:s8] =	ssyncset.s32 @!p0 $0xFFFFF086;
	s6 =	sadd.s32 @!p0 s3, s7;
	s7 =	simm.s32 @!p0 $0x108  }
0x21: {  	s3 =	sadd.s32 s3, s9;
	s6 =	sadd.s32 @!p0 $0x88, s6;
	s7 =	simm.s32 @p2 $0x1082  }
0x22: {  	[simem:s7], [sflag:s8] =	dma.local @!p0 [hbm:s6], $0xF7A  }
0x23: {  	s9 =	sor.u32 $0xD0000000, s2;
	s6 =	simm.s32 $0x108;
	_ =	swait.ge @!p0 [sflag:s8], $0x0  }
0x24: {  	s3 =	sadd.s32 $0x88, s3;
	s6 =	simm.s32 @!p1 $0x1082;
	[sflag:s4] =	ssyncset.s32 $0xFFFFF086  }
0x25: {  	[simem:s6], [sflag:s4] =	dma.local [hbm:s3], $0xF7A  }
0x26: {  	[smem:$0x3F9D] =	sst s1;
	(tag) =	ssettag s2;
	_ =	strace s9  }
0x27: {  	s1 =	sld [smem:$0x3FAD]  }
0x28: {  	s2 =	sld [smem:$0x3FAE]  }
0x29: {  	s4 =	sld [smem:$0x3FB0]  }
0x2a: {  	p0 =	seq.s32 s5, $0x0;
	s5 =	sld [smem:$0x3FB1]  }
0x2b: {  	s6 =	sld [smem:$0x3FB2]  }
0x2c: {  	s7 =	sld [smem:$0x3FB3]  }
0x2d: {  	s3 =	simm.s32 $0x108;
	s8 =	sld [smem:$0x3FB4]  }
0x2e: {  	s3 =	simm.s32 @!p0 $0x1082;
	s9 =	sld [smem:$0x3FB5]  }
0x2f: {  	lr =	sadd.s32 s0, s3;
	s0 =	sld [smem:$0x3FAC]  }
0x30: {  	s3 =	sld [smem:$0x3FAF]  }
0x31: {  	[smem:$0x3FB8] =	sst s10  }
0x32: {  	s10 =	sld [smem:$0x3FB6];
	_ =	sdelay $0x3  }
0x33: {  	p0 =	seq.s32 s10, $0x1;
	s10 =	sld [smem:$0x3FB8];
	_ =	sdelay $0x3  }
0x34: {  	[smem:$0x3FB8] =	sst s10  }
0x35: {  	s10 =	sld [smem:$0x3FB7];
	_ =	sdelay $0x3  }
0x36: {  	p1 =	seq.s32 s10, $0x1;
	s10 =	sld [smem:$0x3FB8];
	_ =	sdelay $0x3  }
0x37: {  	[smem:$0x3FB8] =	sst s10  }
0x38: {  	s10 =	sld [smem:$0x3FB9]  }
0x39: {  	_ = 	snop;
	(pc) =	sbr.ind lr, $3  }
0x3a: {  	_ = 	snop  }
0x3b: {  	_ = 	snop  }
0x3c: {  	p2 =	seq.s32 s10, $0x1;
	s10 =	sld [smem:$0x3FB8]  }
0x3d: {  	_ =	shalt  }
0x3e: {  	_ =	shalt  }
0x3f: {  	_ =	shalt  }
0x40: {  	_ =	shalt  }
0x41: {  	_ =	shalt  }
0x42: {  	_ =	shalt  }
0x43: {  	_ =	shalt  }
0x44: {  	_ =	shalt  }
0x45: {  	_ =	shalt  }
0x46: {  	_ =	shalt  }
0x47: {  	_ =	shalt  }
0x48: {  	_ =	shalt  }
0x49: {  	_ =	shalt  }
0x4a: {  	_ =	shalt  }
0x4b: {  	_ =	shalt  }
0x4c: {  	_ =	shalt  }
0x4d: {  	_ =	shalt  }
0x4e: {  	_ =	shalt  }
0x4f: {  	_ =	shalt  }
0x50: {  	_ =	shalt  }
0x51: {  	_ =	shalt  }
0x52: {  	_ =	shalt  }
0x53: {  	_ =	shalt  }
0x54: {  	_ =	shalt  }
0x55: {  	_ =	shalt  }
0x56: {  	_ =	shalt  }
0x57: {  	_ =	shalt  }
0x58: {  	_ =	shalt  }
0x59: {  	_ =	shalt  }
0x5a: {  	_ =	shalt  }
0x5b: {  	_ =	shalt  }
0x5c: {  	_ =	shalt  }
0x5d: {  	_ =	shalt  }
0x5e: {  	_ =	shalt  }
0x5f: {  	_ =	shalt  }
0x60: {  	_ =	shalt  }
0x61: {  	_ =	shalt  }
0x62: {  	_ =	shalt  }
0x63: {  	_ =	shalt  }
0x64: {  	_ =	shalt  }
0x65: {  	_ =	shalt  }
0x66: {  	_ =	shalt  }
0x67: {  	_ =	shalt  }
0x68: {  	_ =	shalt  }
0x69: {  	_ =	shalt  }
0x6a: {  	_ =	shalt  }
0x6b: {  	_ =	shalt  }
0x6c: {  	_ =	shalt  }
0x6d: {  	_ =	shalt  }
0x6e: {  	_ =	shalt  }
0x6f: {  	_ =	shalt  }
0x70: {  	_ =	shalt  }
0x71: {  	_ =	shalt  }
0x72: {  	_ =	shalt  }
0x73: {  	_ =	shalt  }
0x74: {  	_ =	shalt  }
0x75: {  	_ =	shalt  }
0x76: {  	_ =	shalt  }
0x77: {  	_ =	shalt  }
0x78: {  	_ =	shalt  }
0x79: {  	_ =	shalt  }
0x7a: {  	_ =	shalt  }
0x7b: {  	_ =	shalt  }
0x7c: {  	_ =	shalt  }
0x7d: {  	_ =	shalt  }
0x7e: {  	_ =	shalt  }
0x7f: {  	_ =	shalt  }
0x80: {  	_ =	shalt  }
0x81: {  	_ =	shalt  }
0x82: {  	_ =	shalt  }
0x83: {  	_ =	shalt  }
0x84: {  	_ =	shalt  }
0x85: {  	_ =	shalt  }
0x86: {  	_ =	shalt  }
0x87: {  	_ =	shalt  }
.Lfunc_end0:
.L_simem_size_0:
called_computation.3_lowered:
.L_overlay_start_0:
0x88: {  	s2 =	sld [smem:$0x3FD9]  }
0x89: {  	s3 =	sld [smem:$0x3FFE];
	_ =	sdelay $0x1  }
0x8a: {  	s1 =	srdreg.scid  }
0x8b: {  	s0 =	sand.u32 $0x1, s1  }
0x8c: {  	s17 =	sshll.u32 s0, $0xA;
	s2 =	sadd.s32 s3, s2  }
0x8d: {  	s2 =	sadd.s32 s2, s17  }
0x8e: {  	[smem:$0x3FC4] =	sst s2  }
0x8f: {  	_ = 	snop  }
0x90: {  	(tm) =	ssettm $0x1  }
0x91: {  	s18 =	sld [smem:$0x3FFB];
	_ =	sdelay $0x3  }
0x92: {  	_ =	strace s18  }
0x93: {  	s2 =	sld [smem:$0x3FFC];
	_ =	sdelay $0x3  }
0x94: {  	_ =	strace s2  }
0x95: {  	s2 =	sld [smem:$0x3FFD];
	_ =	sdelay $0x3  }
0x96: {  	_ =	strace s2  }
0x97: {  	_ =	strace $0x8FFFFFFF  }
0x98: {  	s19 =	sld [smem:$0x3FDB];
	_ =	sdelay $0x1  }
0x99: {  	s20 =	simm.s32 $_scs_section_size  }
0x9a: {  	s4 =	simm.s32 $_size__tile_overlayer_lowered;
	s5 =	simm.s32 $_tile_overlayer_lowered  }
0x9b: {  	s6 =	simm.s32 $0x1BFF;
	s21 =	sshll.u32 s5, $0x1;
	s3 =	sadd.s32 s20, s19  }
0x9c: {  	s22 =	simm.s32 $0x0;
	s4 =	sshll.u32 s4, $0x1;
	s5 =	sadd.s32 s21, s3  }
0x9d: {  	[timem:s22], [sflag:s6] =	dma.local [hbm:s5], s4  }
0x9e: {  	_ =	swait.ge [sflag:s6], s4  }
0x9f: {  	s4 =	ssub.s32 $0x0, s4;
	[sflag:s6] =	ssyncset.done $0x0  }
0xa0: {  	[sflag:s6] =	ssyncadd.s32 s4;
	_ =	sdelay $0x1  }
0xa1: {  	s23 =	simm.s32 $0x1B8B  }
0xa2: {  	_ =	swait.ge [sflag:s23], $0x1  }
0xa3: {  	[sflag:s23] =	ssyncset.done $0x0  }
0xa4: {  	[sflag:s23] =	ssyncadd.s32 $0xFFFFFFFF  }
0xa5: {  	s4 =	sld [smem:$0x0]  }
0xa6: {  	s5 =	sand.u32 $0xFFFFFFFE, s1  }
0xa7: {  	p0 =	sne.s32 s1, s5  }
0xa8: {  	s5 =	sshll.u32 @p0 s5, $0xE  }
0xa9: {  	s5 =	sadd.s32 @p0 $0x11B8D, s5;
	s6 =	sshll.u32 @p0 s4, $0x11  }
0xaa: {  	s5 =	sor.u32 @p0 s6, s5  }
0xab: {  	[sflag:s5] =	ssyncadd.remote.s32 @p0 $0x1;
	_ =	sdelay $0x1  }
0xac: {  	s5 =	simm.s32 @p0 $0x1B8D  }
0xad: {  	_ =	swait.eq @p0 [sflag:s5], $0x1  }
0xae: {  	[sflag:s5] =	ssyncadd.s32 @p0 $0xFFFFFFFF  }
0xaf: {  	s6 =	sshll.u32 @!p0 s1, $0xE  }
0xb0: {  	s6 =	sor.u32 @!p0 $0x4000, s6;
	s5 =	simm.s32 @!p0 $0x1B8D  }
0xb1: {  	s4 =	sshll.u32 @!p0 s4, $0x11;
	s6 =	sadd.s32 @!p0 $0x11B8D, s6;
	_ =	swait.eq @!p0 [sflag:s5], $0x1  }
0xb2: {  	s4 =	sor.u32 @!p0 s4, s6;
	[sflag:s5] =	ssyncadd.s32 @!p0 $0xFFFFFFFF  }
0xb3: {  	s25 =	simm.s32 $0x1B8E;
	s24 =	sld [smem:$0x3FFE];
	[sflag:s4] =	ssyncadd.remote.s32 @!p0 $0x1  }
0xb4: {  	s26 =	simm.s32 $execute0_lowered;
	[smem:$0x3FD2] =	sst s25  }
0xb5: {  	s5 =	sshll.u32 s26, $0x1;
	_ =	strace $0x8000004F;
	[dreg:$0x1] =	wrdreg $0xFFFFFFFF  }
0xb6: {  	s28 =	simm.s32 $_size_execute0_lowered;
	s3 =	sadd.s32 s3, s5;
	[dreg:$0x0] =	wrdreg $0x0  }
0xb7: {  	s5 =	sshll.u32 s28, $0x1;
	[dreg:$0x2] =	wrdreg s3  }
0xb8: {  	[dreg:$0x3] =	wrdreg s5  }
0xb9: {  	[dreg:$0x4] =	wrdreg $0xC0  }
0xba: {  	_ =	task [dreg:s22], $0x5FFFF  }
0xbb: {  	[dreg:$0x1] =	wrdreg $0xFFFFFFFF  }
0xbc: {  	[dreg:$0x0] =	wrdreg $0x60  }
0xbd: {  	[dreg:$0x2] =	wrdreg s24  }
0xbe: {  	[dreg:$0x3] =	wrdreg $0xC  }
0xbf: {  	_ =	task.clear_ibuf [dreg:s22], $0x4FFFF;
	_ =	strace $0x9000004F  }
0xc0: {  	s29 =	simm.s32 $0xC;
	_ =	strace $0x80000051  }
0xc1: {  	_ =	swait.ge [sflag:s29], $0x1  }
0xc2: {  	[sflag:s29] =	ssyncadd.s32 $0xFFFFFFFF  }
0xc3: {  	_ =	strace $0x90000051  }
0xc4: {  	_ =	sfence  }
0xc5: {  	s30 =	sld [smem:$0x0];
	_ =	sdelay $0x2  }
0xc6: {  	s31 =	sshll.u32 s1, $0xD;
	s1 =	sshrl.u32 s1, $0x2  }
0xc7: {  	s4 =	sand.u32 $0x4000, s31;
	s1 =	sadd.s32 s1, s30  }
0xc8: {  	s0 =	sor.u32 s4, s0;
	s1 =	sshll.u32 s1, $0x11  }
0xc9: {  	s0 =	sor.u32 s1, s0  }
0xca: {  	s0 =	sadd.s32 $0x8F2B, s0  }
0xcb: {  	[sflag:s0] =	ssyncadd.remote.s32 $0x1  }
0xcc: {  	_ =	sfence.sel $0xFFFF  }
0xcd: {  	[dreg:$0x0] =	wrdreg $0xFFFFFFFF;
	(pc) =	sbr.abs _section_cstart, $3  }
0xce: {  	[dreg:$0x1] =	wrdreg $0xFFFFFFFF  }
0xcf: {  	_ =	task.clear_ibuf [dreg:s22], $0x2FFFF;
	_ =	strace $0x9FFFFFFF  }
0xd0: {  	(tm) =	ssettm $0x7FFFFFFF  }
0xd1: {  	_ =	shalt  }
tec
execute0_lowered:
.L_overlay_start_1:
0x0: {  	(tag) =	ssettag $0x1  }
0x1: {  	s1 =	srdreg.scid;
	s0 =	stileid.u32  }
0x2: {  	s4 =	rddreg [dreg:$0x0];
	s7 =	simm.s32 $0xFFFFFF90;
	s2 =	simm.s32 $0x0  }
0x3: {  	s13 =	simm.s32 $0x9A0;
	s14 =	simm.s32 $0xD0B0;
	s15 =	simm.s32 $0x1  }
0x4: {  	s16 =	simm.s32 $0x2;
	s17 =	simm.s32 $0x3;
	s18 =	simm.s32 $0x4  }
0x5: {  	s19 =	simm.s32 $0x0;
	s5 =	sand.u32 $0x1, s1;
	s1 =	rddreg [dreg:$0x1]  }
0x6: {  	s28 =	sshll.u32 s0, $0x1;
	[smem:$0x7FF] =	sst s2;
	s12 =	smul.u32 $0xC40, s0  }
0x7: {  	s11 =	sadd.s32 $0x18FA00, s4;
	s6 =	sor.u32 s5, s28;
	s31 =	smul.u32 $0x620, s5  }
0x8: {  	p0 =	seq.s32 s5, $0x1;
	_ =	strace $0x80000050;
	s3 =	smul.u32 $0x620, s6  }
0x9: {  	s9 =	ssub.s32 $0x2, s5;
	s7 =	simm.s32 @!p0 $0x0;
	s10 =	smul.u32 $0x18800, s6  }
0xa: {  	s29 =	sshrl.u32 s9, $0x1;
	s6 =	smul.u32 $0x3100, s6;
	s7 =	sadd.s32 s7, s3  }
0xb: {  	v0 =	vlaneseq.u32;
	s9 =	ssub.s32 s9, s29;
	s3 =	sadd.s32 $0x1C00, s4;
	s10 =	sshrl.u32 s10, $0x3;
	v1 =	vmov s7  }
0xc: {  	v2 =	vand.u32 $0x1, v0;
	s5 =	sadd.s32 s11, s6;
	s8 =	sshrl.u32 s7, $0x3;
	s30 =	sadd.s32 s11, s10;
	v1 =	vsub.s32 $0x0, v1  }
0xd: {  	v2 =	vmul.u32 $0xE0, v2;
	s7 =	smax.u32 s9, $0x1;
	s9 =	simm.s32 $0x5;
	s10 =	simm.s32 $0x310;
	v1 =	vbroadcast v1, $0x0  }
0xe: {  	s11 =	simm.s32 $0x690;
	s8 =	sadd.s32 s8, s4;
	s6 =	sadd.s32 $0x1880, s30  }
0xf: {  	s4 =	sadd.s32 $0x18E000, s8;
	s8 =	sadd.s32 s31, s12;
	s12 =	simm.s32 $0xCB0;
	v1 =	vadd.s32 v2, v1  }
.LBB2_1:
0x10: {  	v2 =	vmov s8  }
0x11: {  	v2 =	vshrl.u32 v2, $0x6  }
0x12: {  	v2 =	vcvt.s32.f32 v2;
	_ =	sdelay $0x1  }
0x13: {  	v2 =	vadd.f32 $5.000000000e-01, v2  }
0x14: {  	s20 =	sadd.s32 $0x10, s8  }
0x15: {  	v3 =	vmov s20;
	v2 =	vmul.f32 $1.428571490e-01, v2  }
0x16: {  	v3 =	vshrl.u32 v3, $0x6  }
0x17: {  	v3 =	vcvt.s32.f32 v3;
	v2 =	vtrunc.f32 v2  }
0x18: {  	v2 =	vcvt.f32.s32 v2  }
0x19: {  	v4 =	vor.u32 s8, v0;
	v3 =	vadd.f32 $5.000000000e-01, v3  }
0x1a: {  	v4 =	vshrl.u32 v4, $0x1;
	v2 =	vmul.u32 $0xE0, v2  }
0x1b: {  	s22 =	sadd.s32 $0x10, s20;
	v5 =	vadd.s32 v4, v1;
	v3 =	vmul.f32 $1.428571490e-01, v3  }
0x1c: {  	v4 =	vand.u32 $0x7, v4;
	v2 =	vadd.s32 v2, v5;
	v5 =	vmov s22  }
0x1d: {  	v3 =	vtrunc.f32 v3;
	v2 =	vand.u32 $0xFFFFFFF8, v2;
	v5 =	vshrl.u32 v5, $0x6  }
0x1e: {  	v3 =	vcvt.f32.s32 v3;
	v2 =	vor.u32 v4, v2;
	v4 =	vcvt.s32.f32 v5  }
0x1f: {  	[tilespmem:s2], [sflag:$0x5] =	stream.linear.gather [hbm4b:s4+s2], $0x690, $0x38;
	v5 =	vor.u32 s20, v0;
	[tilespmem:$0x194B0] =	vst v63  }
0x20: {  	_ =	swait.ge [sflag:s9], $0x690;
	v6 =	vshrl.u32 v5, $0x1;
	v5 =	vmul.u32 $0xE0, v3;
	v4 =	vadd.f32 $5.000000000e-01, v4  }
0x21: {  	s23 =	simm.s32 $0x40;
	[sflag:s9] =	ssyncset.done $0x0;
	v7 =	vadd.s32 v6, v1  }
0x22: {  	s21 =	simm.s32 $0x80;
	s24 =	sadd.s32 $0x10, s22;
	[sflag:s9] =	ssyncadd.s32 $0xFFFFF970;
	v3 =	vmul.f32 $1.428571490e-01, v4;
	v4 =	vadd.s32 v5, v7  }
0x23: {  	s26 =	simm.s32 $0x100;
	s25 =	simm.s32 $0x0;
	s20 =	simm.s32 $0xC0;
	v6 =	vand.u32 $0x7, v6;
	v5 =	vmov s24;
	v2 =	vld.idx.msk [tilespmem:v2+s2+$0x0], $0xffff;
	v4 =	vand.u32 $0xFFFFFFF8, v4  }
.LBB2_2:
0x24: {  	p0 =	sne.s32 s26, $0x1840;
	v5 =	vshrl.u32 v5, $0x6;
	v3 =	vtrunc.f32 v3;
	v4 =	vor.u32 v6, v4  }
0x25: {  	v5 =	vcvt.s32.f32 v5;
	v3 =	vcvt.f32.s32 v3  }
.Ltmp0:
0x26: {  	v6 =	vor.u32 s22, v0;
	s22 =	smov.u32 s24;
	(pc) =	sbr.rel @p0 .LBB2_2-.Ltmp0, $4  }
0x27: {  	s28 =	sshra.s32 s25, $0x2;
	s25 =	smov.u32 s23;
	s23 =	smov.u32 s21;
	v6 =	vshrl.u32 v6, $0x1;
	v5 =	vadd.f32 $5.000000000e-01, v5;
	v7 =	vmul.u32 $0xE0, v3  }
0x28: {  	s21 =	smov.u32 s20;
	s20 =	smov.u32 s26;
	v8 =	vadd.s32 v6, v1;
	[tilespmem:s28+$0x690] =	vst v2  }
0x29: {  	s24 =	sadd.s32 $0x10, s24;
	v3 =	vmul.f32 $1.428571490e-01, v5;
	v7 =	vadd.s32 v7, v8;
	v2 =	vld.idx.msk [tilespmem:v4+s2+$0x0], $0xffff  }
0x2a: {  	s26 =	sadd.s32 $0x40, s26;
	v6 =	vand.u32 $0x7, v6;
	v5 =	vmov s24;
	v4 =	vand.u32 $0xFFFFFFF8, v7  }
0x2b: {  	v5 =	vshrl.u32 v5, $0x6  }
0x2c: {  	v3 =	vtrunc.f32 v3;
	v5 =	vcvt.s32.f32 v5  }
0x2d: {  	v4 =	vor.u32 v6, v4;
	v3 =	vcvt.f32.s32 v3  }
0x2e: {  	v58 =	vor.u32 s22, v0;
	v5 =	vadd.f32 $5.000000000e-01, v5  }
0x2f: {  	v6 =	vshrl.u32 v58, $0x1;
	v3 =	vmul.u32 $0xE0, v3  }
0x30: {  	s30 =	sshra.s32 s25, $0x2;
	v7 =	vadd.s32 v6, v1;
	v5 =	vmul.f32 $1.428571490e-01, v5  }
0x31: {  	[tilespmem:s30+$0x690] =	vst v2;
	v2 =	vadd.s32 v3, v7  }
0x32: {  	v59 =	vand.u32 $0x7, v6;
	v3 =	vld.idx.msk [tilespmem:v4+s2+$0x0], $0xffff;
	v2 =	vand.u32 $0xFFFFFFF8, v2;
	v5 =	vtrunc.f32 v5  }
0x33: {  	v2 =	vor.u32 v59, v2;
	v60 =	vcvt.f32.s32 v5  }
0x34: {  	v61 =	vor.u32 s24, v0  }
0x35: {  	v5 =	vshrl.u32 v61, $0x1;
	v4 =	vmul.u32 $0xE0, v60  }
0x36: {  	s31 =	sshra.s32 s23, $0x2;
	v62 =	vadd.s32 v5, v1  }
0x37: {  	[tilespmem:s31+$0x690] =	vst v3;
	v3 =	vadd.s32 v4, v62  }
0x38: {  	v63 =	vand.u32 $0x7, v5;
	v2 =	vld.idx.msk [tilespmem:v2+s2+$0x0], $0xffff;
	v3 =	vand.u32 $0xFFFFFFF8, v3  }
0x39: {  	v3 =	vor.u32 v63, v3;
	_ =	sdelay $0x2  }
0x3a: {  	s21 =	sshra.s32 s21, $0x2  }
0x3b: {  	[tilespmem:s21+$0x690] =	vst v2  }
0x3c: {  	v2 =	vld.idx.msk [tilespmem:v3+s2+$0x0], $0xffff;
	_ =	sdelay $0x3  }
0x3d: {  	s20 =	sshra.s32 s20, $0x2  }
0x3e: {  	[tilespmem:s20+$0x690] =	vst v2  }
0x3f: {  	[tilespmem:s12], [sflag:$0x1] =	stream.indirect.gather [hbm4b:s3+s10], $0x40, s11, s10, $0xb8;
	[tilespmem:$0x194B0] =	vst v63  }
0x40: {  	_ = 	snop  }
0x41: {  	[tilespmem:s14], [sflag:$0x2] =	stream.indirect.gather [hbm4b:s3+s10], $0x40, s13, s10, $0xb8;
	[tilespmem:$0x194B0] =	vst v63  }
0x42: {  	_ =	swait.ge [sflag:s15], $0xC400  }
0x43: {  	[sflag:s15] =	ssyncset.done $0x0  }
0x44: {  	[sflag:s15] =	ssyncadd.s32 $0xFFFF3C00  }
0x45: {  	[hbm4b:s5+s2] =	stream.linear.scatter [tilespmem:s12], [sflag:$0x3], $0xC400, $0x38;
	[tilespmem:$0x194B0] =	vst v63  }
0x46: {  	_ =	swait.ge [sflag:s16], $0xC400  }
0x47: {  	[sflag:s16] =	ssyncset.done $0x0  }
0x48: {  	s19 =	sadd.s32 $0x1, s19;
	[sflag:s16] =	ssyncadd.s32 $0xFFFF3C00  }
0x49: {  	[hbm4b:s6+s2] =	stream.linear.scatter [tilespmem:s14], [sflag:$0x4], $0xC400, $0x38;
	[tilespmem:$0x194B0] =	vst v63  }
0x4a: {  	p0 =	sne.s32 s19, s7;
	_ =	swait.ge [sflag:s17], $0xC400  }
.Ltmp1:
0x4b: {  	[sflag:s17] =	ssyncset.done $0x0;
	(pc) =	sbr.rel @p0 .LBB2_1-.Ltmp1, $4  }
0x4c: {  	[sflag:s17] =	ssyncadd.s32 $0xFFFF3C00  }
0x4d: {  	_ =	swait.ge [sflag:s18], $0xC400  }
0x4e: {  	[sflag:s18] =	ssyncset.done $0x0  }
0x4f: {  	[sflag:s18] =	ssyncadd.s32 $0xFFFF3C00  }
0x50: {  	_ =	sfence.sel $0x180000  }
0x51: {  	[bflag:$0x0] =	sbarrier.arrive $0xFFFF  }
0x52: {  	p0 =	sne.s32 s0, $0x0;
	_ =	strace $0x90000050  }
0x53: {  	s0 =	sadd.s32 @!p0 $0x100000, s1;
	[bflag:$0x2] =	sbarrier.arrive $0xFFFF  }
0x54: {  	[sflag:s0] =	ssyncadd.tile.s32 @!p0 $0x1;
	_ =	shalt  }
.Lfunc_end2:
_tile_overlayer_lowered:
.L_overlay_start_2:
0x55: {  	(tag) =	ssettag $0x2  }
0x56: {  	s0 =	rddreg [dreg:$0x0];
	s2 =	stileid.u32  }
0x57: {  	s1 =	rddreg [dreg:$0x1];
	p0 =	sne.s32 s2, $0x0  }
0x58: {  	s3 =	rddreg [dreg:$0x2];
	[bflag:$0x3] =	sbarrier.arrive $0xFFFF;
	s2 =	simm.s32 @!p0 $0x1C05  }
0x59: {  	[timem:s3], [sflag:s2] =	dma.local @!p0 [hbm:s0], s1  }
0x5a: {  	s0 =	simm.s32 @!p0 $0x5  }
0x5b: {  	_ =	swait.ge @!p0 [sflag:s0], s1  }
0x5c: {  	s1 =	ssub.s32 @!p0 $0x0, s1;
	[sflag:s0] =	ssyncset.done @!p0 $0x0  }
0x5d: {  	[sflag:s0] =	ssyncadd.s32 @!p0 s1  }
0x5e: {  	[bflag:$0x3] =	sbarrier.arrive $0xFFFF  }
0x5f: {  	_ =	shalt  }

</sc_bundles>
